<compile_context>
chip_gen: v7x
topology: tpu7x:2x2x1
jax: 0.10.2.dev20260603
libtpu: 0.0.44.dev20260713+nightly
codegen_flags: <defaults>
</compile_context>

<pallas_src>
import jax
import jax.numpy as jnp
from jax import lax
from jax.experimental import pallas as pl
from jax.experimental.pallas import tpu as pltpu
from jax.experimental.pallas import tpu_sc as plsc
from jax._src.pallas import mpmd as _mpmd

_B = 4096
_H = 16384
_NW = 32
_RPW = _B // _NW
_BR = 64
_NCH = _B // _BR
_FDEPTH = 8
_SDEPTH = 8


def _fill_body(slot_hbm, out_hbm, zbuf, sems):
    del slot_hbm
    zbuf[...] = jnp.zeros((_BR, _H), jnp.float32)

    def mk(g):
        return pltpu.make_async_copy(
            zbuf, out_hbm.at[pl.ds(g * _BR, _BR), :], sems.at[g % _FDEPTH]
        )

    for g in range(_NCH):
        if g >= _FDEPTH:
            mk(g - _FDEPTH).wait()
        mk(g).start()
    for g in range(_NCH - _FDEPTH, _NCH):
        mk(g).wait()


def _poke_body(filled_hbm, slot_hbm, out_hbm, slot_v, seg_v, sems):
    del filled_hbm
    nc = 2
    wid = lax.axis_index("s") * nc + lax.axis_index("c")
    base = wid * _RPW

    pltpu.sync_copy(slot_hbm.at[pl.ds(base, _RPW)], slot_v)

    lane = lax.iota(jnp.int32, 16)

    def group(g, _):
        sv = slot_v[pl.ds(g * 16, 16)]
        for k in range(16):
            d = k % _SDEPTH
            r = g * 16 + k
            s = sv[k]
            seg = lax.div(s, 16)
            within = s - seg * 16

            def _wait_prev():
                pltpu.make_async_copy(
                    seg_v.at[d],
                    out_hbm.at[base + r].at[pl.ds(seg * 16, 16)],
                    sems.at[d],
                ).wait()

            if k >= _SDEPTH:
                _wait_prev()
            else:
                pl.when(g > 0)(_wait_prev)

            seg_v[d] = (lane == within).astype(jnp.float32)
            pltpu.make_async_copy(
                seg_v.at[d],
                out_hbm.at[base + r].at[pl.ds(seg * 16, 16)],
                sems.at[d],
            ).start()
        return 0

    lax.fori_loop(0, _RPW // 16, group, 0)
    for d in range(_SDEPTH):
        pltpu.make_async_copy(
            seg_v.at[d], out_hbm.at[base].at[pl.ds(0, 16)], sems.at[d]
        ).wait()


def kernel(hidden_activation, slot_i):
    b, h = hidden_activation.shape
    filled = pl.pallas_call(
        _fill_body,
        in_specs=[pl.BlockSpec(memory_space=pltpu.MemorySpace.HBM)],
        out_specs=pl.BlockSpec(memory_space=pltpu.MemorySpace.HBM),
        out_shape=jax.ShapeDtypeStruct((b, h), jnp.float32),
        scratch_shapes=[
            pltpu.VMEM((_BR, _H), jnp.float32),
            pltpu.SemaphoreType.DMA((_FDEPTH,)),
        ],
    )(slot_i)

    mesh = plsc.VectorSubcoreMesh(core_axis_name="c", subcore_axis_name="s")
    out = _mpmd._mpmd_map(
        [(mesh, _poke_body)],
        jax.ShapeDtypeStruct((b, h), jnp.float32),
        input_output_aliases={0: 0},
        compiler_params=pltpu.CompilerParams(needs_layout_passes=False),
        scratch_types=[
            pltpu.VMEM((_RPW,), jnp.int32),
            pltpu.VMEM((_SDEPTH, 16), jnp.float32),
            pltpu.SemaphoreType.DMA((_SDEPTH,)),
        ],
    )(filled, slot_i)
    return out

# --- scband reference (transcript-rebuilt; emitter-appended) ---
"""Pipeline reference for scband-local-third-factor-23845658428018 (READ-ONLY COPY).

The authoritative reference and input builder live on the scoring server;
editing this copy changes nothing except your own understanding.
"""

import jax, jax.numpy as jnp
import numpy as np

BATCH = 4096
HIDDEN = 16384


def setup_inputs(seed: int = 0) -> dict:
    key = jax.random.key(seed)
    hidden_activation = jax.random.normal(key, (BATCH, HIDDEN), dtype=jnp.float32)
    # slot_i is module state, initialized to zeros in reset(); it is the
    # per-batch write pointer for the sequential third-factor scatter.
    slot_i = jnp.zeros((BATCH,), dtype=jnp.int32)
    return {"hidden_activation": hidden_activation, "slot_i": slot_i}


def reference(hidden_activation, slot_i):
    # mode == 'sequential', modu_input is None -> on_or_off = ones(batch)
    B = hidden_activation.shape[0]
    on_or_off = jnp.ones((B,), dtype=hidden_activation.dtype)
    # local_thirdfactor = zeros_like(hidden_activation); scatter-overwrite
    # ones at (arange(B), slot_i) -- equivalent of torch index_put_
    local_thirdfactor = jnp.zeros_like(hidden_activation).at[
        jnp.arange(B), slot_i
    ].set(on_or_off)
    # (state update slot_i = fmod(slot_i + on_or_off, hidden_size) happens
    # in the module; the forward return value is local_thirdfactor)
    return local_thirdfactor

if __name__ == "__main__":
    import jax
    _d = setup_inputs()
    print(jax.jit(kernel)(*tuple(_d.values())))

</pallas_src>

<mosaic_0001>
#map = affine_map<(d0, d1) -> (0, 0)>
#map1 = affine_map<(d0, d1) -> (0)>
module attributes {stable_mosaic.version = 14 : i64} {
  func.func @_poke_body(%arg0: i32, %arg1: i32, %arg2: memref<4096x16384xf32, #tpu.memory_space<hbm>>, %arg3: memref<4096xi32, #tpu.memory_space<hbm>>, %arg4: memref<4096x16384xf32, #tpu.memory_space<hbm>>, %arg5: memref<128xi32, #tpu.memory_space<vmem>>, %arg6: memref<8x16xf32, #tpu.memory_space<vmem>>, %arg7: memref<8x!tpu.dma_semaphore, #tpu.memory_space<semaphore_mem>>) attributes {dimension_semantics = [#tpu.dimension_semantics<core_parallel>, #tpu.dimension_semantics<subcore_parallel>], iteration_bounds = array<i64: 2, 16>, scalar_prefetch = 0 : i64, scratch_operands = 3 : i64, tpu.core_type = #tpu.core_type<sc_vector_subcore>, window_params = [{transform_indices = #map}, {transform_indices = #map1}, {transform_indices = #map}]} {
    %mul3A = arith.constant 2 : i32
    %mul3A_0 = arith.muli %arg1, %mul3A : i32
    %add3A = arith.addi %mul3A_0, %arg0 : i32
    %mul3A_1 = arith.constant 128 : i32
    %mul3A_2 = arith.muli %add3A, %mul3A_1 : i32
    "tpu.region"() ({
      %run_scoped3A = tpu.sem_alloc : memref<!tpu.dma_semaphore, #tpu.memory_space<semaphore_mem>>
      %dma_start3A = tpu.memref_slice %arg3[%mul3A_2] : memref<4096xi32, #tpu.memory_space<hbm>> -> memref<128xi32, #tpu.memory_space<hbm>>
      %dma_start3A_168 = tpu.memref_slice %arg3[%mul3A_2] : memref<4096xi32, #tpu.memory_space<hbm>> -> memref<128xi32, #tpu.memory_space<hbm>>
      tpu.enqueue_dma source(%dma_start3A_168 : memref<128xi32, #tpu.memory_space<hbm>>) target(%arg5 : memref<128xi32, #tpu.memory_space<vmem>>) target_semaphore(%run_scoped3A : memref<!tpu.dma_semaphore, #tpu.memory_space<semaphore_mem>>)
      %dma_wait3A_169 = tpu.memref_slice %arg3[%mul3A_2] : memref<4096xi32, #tpu.memory_space<hbm>> -> memref<128xi32, #tpu.memory_space<hbm>>
      %dma_wait3A_170 = tpu.memref_slice %arg3[%mul3A_2] : memref<4096xi32, #tpu.memory_space<hbm>> -> memref<128xi32, #tpu.memory_space<hbm>>
      tpu.wait_dma2 semaphore(%run_scoped3A : memref<!tpu.dma_semaphore, #tpu.memory_space<semaphore_mem>>) src(%dma_wait3A_170 : memref<128xi32, #tpu.memory_space<hbm>>) dst(%arg5 : memref<128xi32, #tpu.memory_space<vmem>>)
      tpu.yield
    }) : () -> ()
    %iota3A = tpu.iota {dimensions = array<i32: 0>} : vector<16xi32>
    %scan3A = arith.constant 0 : i32
    %scan3A_3 = arith.constant 0 : i32
    %scan3A_4 = arith.constant 8 : i32
    %scan3A_5 = arith.addi %scan3A_3, %scan3A_4 : i32
    %scan3A_6 = arith.constant 1 : i32
    %scan3A_7 = scf.for %scan3A_168 = %scan3A_3 to %scan3A_5 step %scan3A_6 iter_args(%scan3A_169 = %scan3A) -> (i32)  : i32 {
      %mul3A_170 = arith.constant 16 : i32
      %mul3A_171 = arith.muli %scan3A_168, %mul3A_170 : i32
      %get3A = arith.index_cast %mul3A_171 : i32 to index
      %get3A_172 = tpu.vector_load %arg5[%get3A] {strides = array<i32>} : memref<128xi32, #tpu.memory_space<vmem>>, vector<16xi32>,
      %mul3A_173 = arith.constant 16 : i32
      %mul3A_174 = arith.muli %scan3A_168, %mul3A_173 : i32
      %add3A_175 = arith.constant 0 : i32
      %add3A_176 = arith.addi %mul3A_174, %add3A_175 : i32
      %slice3A = vector.extract_strided_slice %get3A_172 {offsets = [0], sizes = [1], strides = [1]} : vector<16xi32> to vector<1xi32>
      %squeeze3A = vector.extract %slice3A[0] : i32 from vector<1xi32>
      %div3A = arith.constant 16 : i32
      %div3A_177 = arith.divsi %squeeze3A, %div3A : i32
      %mul3A_178 = arith.constant 16 : i32
      %mul3A_179 = arith.muli %div3A_177, %mul3A_178 : i32
      %sub3A = arith.subi %squeeze3A, %mul3A_179 : i32
      %gt3A = arith.constant 0 : i32
      %gt3A_180 = arith.cmpi sgt, %scan3A_168, %gt3A : i32
      %convert_element_type3A = arith.extui %gt3A_180 : i1 to i32
      %cond3A = arith.constant 0 : i32
      %cond3A_181 = arith.cmpi ne, %convert_element_type3A, %cond3A : i32
      scf.if %cond3A_181 {
        %add3A_1012 = arith.addi %mul3A_2, %add3A_176 : i32
        %mul3A_1013 = arith.constant 16 : i32
        %mul3A_1014 = arith.muli %div3A_177, %mul3A_1013 : i32
        %dma_wait3A_1015 = arith.constant 0 : i32
        %dma_wait3A_1016 = arith.constant 0 : i32
        %dma_wait3A_1017 = arith.constant 0 : i32
        %dma_wait3A_1018 = tpu.memref_slice %arg6[%dma_wait3A_1015, %dma_wait3A_1017] : memref<8x16xf32, #tpu.memory_space<vmem>> -> memref<1x16xf32, #tpu.memory_space<vmem>>
        %dma_wait3A_1019 = tpu.memref_squeeze %dma_wait3A_1018 : memref<1x16xf32, #tpu.memory_space<vmem>> -> memref<16xf32, #tpu.memory_space<vmem>>
        %dma_wait3A_1020 = arith.constant 0 : i32
        %dma_wait3A_1021 = tpu.memref_slice %arg4[%add3A_1012, %dma_wait3A_1020] : memref<4096x16384xf32, #tpu.memory_space<hbm>> -> memref<1x16384xf32, #tpu.memory_space<hbm>>
        %dma_wait3A_1022 = tpu.memref_squeeze %dma_wait3A_1021 : memref<1x16384xf32, #tpu.memory_space<hbm>> -> memref<16384xf32, #tpu.memory_space<hbm>>
        %dma_wait3A_1023 = tpu.memref_slice %dma_wait3A_1022[%mul3A_1014] : memref<16384xf32, #tpu.memory_space<hbm>> -> memref<16xf32, #tpu.memory_space<hbm>>
        %dma_wait3A_1024 = tpu.memref_slice %arg7[%dma_wait3A_1016] : memref<8x!tpu.dma_semaphore, #tpu.memory_space<semaphore_mem>> -> memref<1x!tpu.dma_semaphore, #tpu.memory_space<semaphore_mem>>
        %dma_wait3A_1025 = tpu.memref_squeeze %dma_wait3A_1024 : memref<1x!tpu.dma_semaphore, #tpu.memory_space<semaphore_mem>> -> memref<!tpu.dma_semaphore, #tpu.memory_space<semaphore_mem>>
        %dma_wait3A_1026 = arith.constant 0 : i32
        %dma_wait3A_1027 = tpu.memref_slice %arg4[%add3A_1012, %dma_wait3A_1026] : memref<4096x16384xf32, #tpu.memory_space<hbm>> -> memref<1x16384xf32, #tpu.memory_space<hbm>>
        %dma_wait3A_1028 = tpu.memref_squeeze %dma_wait3A_1027 : memref<1x16384xf32, #tpu.memory_space<hbm>> -> memref<16384xf32, #tpu.memory_space<hbm>>
        %dma_wait3A_1029 = tpu.memref_slice %dma_wait3A_1028[%mul3A_1014] : memref<16384xf32, #tpu.memory_space<hbm>> -> memref<16xf32, #tpu.memory_space<hbm>>
        %dma_wait3A_1030 = arith.constant 0 : i32
        %dma_wait3A_1031 = tpu.memref_slice %arg6[%dma_wait3A_1015, %dma_wait3A_1030] : memref<8x16xf32, #tpu.memory_space<vmem>> -> memref<1x16xf32, #tpu.memory_space<vmem>>
        %dma_wait3A_1032 = tpu.memref_squeeze %dma_wait3A_1031 : memref<1x16xf32, #tpu.memory_space<vmem>> -> memref<16xf32, #tpu.memory_space<vmem>>
        tpu.wait_dma2 semaphore(%dma_wait3A_1025 : memref<!tpu.dma_semaphore, #tpu.memory_space<semaphore_mem>>) src(%dma_wait3A_1032 : memref<16xf32, #tpu.memory_space<vmem>>) dst(%dma_wait3A_1029 : memref<16xf32, #tpu.memory_space<hbm>>)
      } else {
      }
      %eq3A = vector.broadcast %sub3A : i32 to vector<16xi32>
      %eq3A_182 = arith.cmpi eq, %iota3A, %eq3A : vector<16xi32>
      %convert_element_type3A_183 = arith.extui %eq3A_182 : vector<16xi1> to vector<16xi32>
      %convert_element_type3A_184 = arith.sitofp %convert_element_type3A_183 : vector<16xi32> to vector<16xf32>
      %swap3A = arith.constant 0 : i32
      %swap3A_185 = arith.index_cast %swap3A : i32 to index
      %swap3A_186 = arith.constant 0 : index
      %swap3A_187 = tpu.vector_load %arg6[%swap3A_185, %swap3A_186] {strides = array<i32>} : memref<8x16xf32, #tpu.memory_space<vmem>>, vector<16xf32>,
      tpu.vector_store %arg6[%swap3A_185, %swap3A_186], %convert_element_type3A_184 {strides = array<i32>} : memref<8x16xf32, #tpu.memory_space<vmem>>, vector<16xf32>,
      %add3A_188 = arith.addi %mul3A_2, %add3A_176 : i32
      %mul3A_189 = arith.constant 16 : i32
      %mul3A_190 = arith.muli %div3A_177, %mul3A_189 : i32
      %dma_start3A = arith.constant 0 : i32
      %dma_start3A_191 = arith.constant 0 : i32
      %dma_start3A_192 = arith.constant 0 : i32
      %dma_start3A_193 = tpu.memref_slice %arg6[%dma_start3A, %dma_start3A_192] : memref<8x16xf32, #tpu.memory_space<vmem>> -> memref<1x16xf32, #tpu.memory_space<vmem>>
      %dma_start3A_194 = tpu.memref_squeeze %dma_start3A_193 : memref<1x16xf32, #tpu.memory_space<vmem>> -> memref<16xf32, #tpu.memory_space<vmem>>
      %dma_start3A_195 = arith.constant 0 : i32
      %dma_start3A_196 = tpu.memref_slice %arg4[%add3A_188, %dma_start3A_195] : memref<4096x16384xf32, #tpu.memory_space<hbm>> -> memref<1x16384xf32, #tpu.memory_space<hbm>>
      %dma_start3A_197 = tpu.memref_squeeze %dma_start3A_196 : memref<1x16384xf32, #tpu.memory_space<hbm>> -> memref<16384xf32, #tpu.memory_space<hbm>>
      %dma_start3A_198 = tpu.memref_slice %dma_start3A_197[%mul3A_190] : memref<16384xf32, #tpu.memory_space<hbm>> -> memref<16xf32, #tpu.memory_space<hbm>>
      %dma_start3A_199 = tpu.memref_slice %arg7[%dma_start3A_191] : memref<8x!tpu.dma_semaphore, #tpu.memory_space<semaphore_mem>> -> memref<1x!tpu.dma_semaphore, #tpu.memory_space<semaphore_mem>>
      %dma_start3A_200 = tpu.memref_squeeze %dma_start3A_199 : memref<1x!tpu.dma_semaphore, #tpu.memory_space<semaphore_mem>> -> memref<!tpu.dma_semaphore, #tpu.memory_space<semaphore_mem>>
      %dma_start3A_201 = arith.constant 0 : i32
      %dma_start3A_202 = tpu.memref_slice %arg4[%add3A_188, %dma_start3A_201] : memref<4096x16384xf32, #tpu.memory_space<hbm>> -> memref<1x16384xf32, #tpu.memory_space<hbm>>
      %dma_start3A_203 = tpu.memref_squeeze %dma_start3A_202 : memref<1x16384xf32, #tpu.memory_space<hbm>> -> memref<16384xf32, #tpu.memory_space<hbm>>
      %dma_start3A_204 = tpu.memref_slice %dma_start3A_203[%mul3A_190] : memref<16384xf32, #tpu.memory_space<hbm>> -> memref<16xf32, #tpu.memory_space<hbm>>
      %dma_start3A_205 = arith.constant 0 : i32
      %dma_start3A_206 = tpu.memref_slice %arg6[%dma_start3A, %dma_start3A_205] : memref<8x16xf32, #tpu.memory_space<vmem>> -> memref<1x16xf32, #tpu.memory_space<vmem>>
      %dma_start3A_207 = tpu.memref_squeeze %dma_start3A_206 : memref<1x16xf32, #tpu.memory_space<vmem>> -> memref<16xf32, #tpu.memory_space<vmem>>
      tpu.enqueue_dma source(%dma_start3A_207 : memref<16xf32, #tpu.memory_space<vmem>>) target(%dma_start3A_204 : memref<16xf32, #tpu.memory_space<hbm>>) target_semaphore(%dma_start3A_200 : memref<!tpu.dma_semaphore, #tpu.memory_space<semaphore_mem>>)
      %mul3A_208 = arith.constant 16 : i32
      %mul3A_209 = arith.muli %scan3A_168, %mul3A_208 : i32
      %add3A_210 = arith.constant 1 : i32
      %add3A_211 = arith.addi %mul3A_209, %add3A_210 : i32
      %slice3A_212 = vector.extract_strided_slice %get3A_172 {offsets = [1], sizes = [1], strides = [1]} : vector<16xi32> to vector<1xi32>
      %squeeze3A_213 = vector.extract %slice3A_212[0] : i32 from vector<1xi32>
      %div3A_214 = arith.constant 16 : i32
      %div3A_215 = arith.divsi %squeeze3A_213, %div3A_214 : i32
      %mul3A_216 = arith.constant 16 : i32
      %mul3A_217 = arith.muli %div3A_215, %mul3A_216 : i32
      %sub3A_218 = arith.subi %squeeze3A_213, %mul3A_217 : i32
      %gt3A_219 = arith.constant 0 : i32
      %gt3A_220 = arith.cmpi sgt, %scan3A_168, %gt3A_219 : i32
      %convert_element_type3A_221 = arith.extui %gt3A_220 : i1 to i32
      %cond3A_222 = arith.constant 0 : i32
      %cond3A_223 = arith.cmpi ne, %convert_element_type3A_221, %cond3A_222 : i32
      scf.if %cond3A_223 {
        %add3A_1012 = arith.addi %mul3A_2, %add3A_211 : i32
        %mul3A_1013 = arith.constant 16 : i32
        %mul3A_1014 = arith.muli %div3A_215, %mul3A_1013 : i32
        %dma_wait3A_1015 = arith.constant 1 : i32
        %dma_wait3A_1016 = arith.constant 1 : i32
        %dma_wait3A_1017 = arith.constant 0 : i32
        %dma_wait3A_1018 = tpu.memref_slice %arg6[%dma_wait3A_1015, %dma_wait3A_1017] : memref<8x16xf32, #tpu.memory_space<vmem>> -> memref<1x16xf32, #tpu.memory_space<vmem>>
        %dma_wait3A_1019 = tpu.memref_squeeze %dma_wait3A_1018 : memref<1x16xf32, #tpu.memory_space<vmem>> -> memref<16xf32, #tpu.memory_space<vmem>>
        %dma_wait3A_1020 = arith.constant 0 : i32
        %dma_wait3A_1021 = tpu.memref_slice %arg4[%add3A_1012, %dma_wait3A_1020] : memref<4096x16384xf32, #tpu.memory_space<hbm>> -> memref<1x16384xf32, #tpu.memory_space<hbm>>
        %dma_wait3A_1022 = tpu.memref_squeeze %dma_wait3A_1021 : memref<1x16384xf32, #tpu.memory_space<hbm>> -> memref<16384xf32, #tpu.memory_space<hbm>>
        %dma_wait3A_1023 = tpu.memref_slice %dma_wait3A_1022[%mul3A_1014] : memref<16384xf32, #tpu.memory_space<hbm>> -> memref<16xf32, #tpu.memory_space<hbm>>
        %dma_wait3A_1024 = tpu.memref_slice %arg7[%dma_wait3A_1016] : memref<8x!tpu.dma_semaphore, #tpu.memory_space<semaphore_mem>> -> memref<1x!tpu.dma_semaphore, #tpu.memory_space<semaphore_mem>>
        %dma_wait3A_1025 = tpu.memref_squeeze %dma_wait3A_1024 : memref<1x!tpu.dma_semaphore, #tpu.memory_space<semaphore_mem>> -> memref<!tpu.dma_semaphore, #tpu.memory_space<semaphore_mem>>
        %dma_wait3A_1026 = arith.constant 0 : i32
        %dma_wait3A_1027 = tpu.memref_slice %arg4[%add3A_1012, %dma_wait3A_1026] : memref<4096x16384xf32, #tpu.memory_space<hbm>> -> memref<1x16384xf32, #tpu.memory_space<hbm>>
        %dma_wait3A_1028 = tpu.memref_squeeze %dma_wait3A_1027 : memref<1x16384xf32, #tpu.memory_space<hbm>> -> memref<16384xf32, #tpu.memory_space<hbm>>
        %dma_wait3A_1029 = tpu.memref_slice %dma_wait3A_1028[%mul3A_1014] : memref<16384xf32, #tpu.memory_space<hbm>> -> memref<16xf32, #tpu.memory_space<hbm>>
        %dma_wait3A_1030 = arith.constant 0 : i32
        %dma_wait3A_1031 = tpu.memref_slice %arg6[%dma_wait3A_1015, %dma_wait3A_1030] : memref<8x16xf32, #tpu.memory_space<vmem>> -> memref<1x16xf32, #tpu.memory_space<vmem>>
        %dma_wait3A_1032 = tpu.memref_squeeze %dma_wait3A_1031 : memref<1x16xf32, #tpu.memory_space<vmem>> -> memref<16xf32, #tpu.memory_space<vmem>>
        tpu.wait_dma2 semaphore(%dma_wait3A_1025 : memref<!tpu.dma_semaphore, #tpu.memory_space<semaphore_mem>>) src(%dma_wait3A_1032 : memref<16xf32, #tpu.memory_space<vmem>>) dst(%dma_wait3A_1029 : memref<16xf32, #tpu.memory_space<hbm>>)
      } else {
      }
      %eq3A_224 = vector.broadcast %sub3A_218 : i32 to vector<16xi32>
      %eq3A_225 = arith.cmpi eq, %iota3A, %eq3A_224 : vector<16xi32>
      %convert_element_type3A_226 = arith.extui %eq3A_225 : vector<16xi1> to vector<16xi32>
      %convert_element_type3A_227 = arith.sitofp %convert_element_type3A_226 : vector<16xi32> to vector<16xf32>
      %swap3A_228 = arith.constant 1 : i32
      %swap3A_229 = arith.index_cast %swap3A_228 : i32 to index
      %swap3A_230 = arith.constant 0 : index
      %swap3A_231 = tpu.vector_load %arg6[%swap3A_229, %swap3A_230] {strides = array<i32>} : memref<8x16xf32, #tpu.memory_space<vmem>>, vector<16xf32>,
      tpu.vector_store %arg6[%swap3A_229, %swap3A_230], %convert_element_type3A_227 {strides = array<i32>} : memref<8x16xf32, #tpu.memory_space<vmem>>, vector<16xf32>,
      %add3A_232 = arith.addi %mul3A_2, %add3A_211 : i32
      %mul3A_233 = arith.constant 16 : i32
      %mul3A_234 = arith.muli %div3A_215, %mul3A_233 : i32
      %dma_start3A_235 = arith.constant 1 : i32
      %dma_start3A_236 = arith.constant 1 : i32
      %dma_start3A_237 = arith.constant 0 : i32
      %dma_start3A_238 = tpu.memref_slice %arg6[%dma_start3A_235, %dma_start3A_237] : memref<8x16xf32, #tpu.memory_space<vmem>> -> memref<1x16xf32, #tpu.memory_space<vmem>>
      %dma_start3A_239 = tpu.memref_squeeze %dma_start3A_238 : memref<1x16xf32, #tpu.memory_space<vmem>> -> memref<16xf32, #tpu.memory_space<vmem>>
      %dma_start3A_240 = arith.constant 0 : i32
      %dma_start3A_241 = tpu.memref_slice %arg4[%add3A_232, %dma_start3A_240] : memref<4096x16384xf32, #tpu.memory_space<hbm>> -> memref<1x16384xf32, #tpu.memory_space<hbm>>
      %dma_start3A_242 = tpu.memref_squeeze %dma_start3A_241 : memref<1x16384xf32, #tpu.memory_space<hbm>> -> memref<16384xf32, #tpu.memory_space<hbm>>
      %dma_start3A_243 = tpu.memref_slice %dma_start3A_242[%mul3A_234] : memref<16384xf32, #tpu.memory_space<hbm>> -> memref<16xf32, #tpu.memory_space<hbm>>
      %dma_start3A_244 = tpu.memref_slice %arg7[%dma_start3A_236] : memref<8x!tpu.dma_semaphore, #tpu.memory_space<semaphore_mem>> -> memref<1x!tpu.dma_semaphore, #tpu.memory_space<semaphore_mem>>
      %dma_start3A_245 = tpu.memref_squeeze %dma_start3A_244 : memref<1x!tpu.dma_semaphore, #tpu.memory_space<semaphore_mem>> -> memref<!tpu.dma_semaphore, #tpu.memory_space<semaphore_mem>>
      %dma_start3A_246 = arith.constant 0 : i32
      %dma_start3A_247 = tpu.memref_slice %arg4[%add3A_232, %dma_start3A_246] : memref<4096x16384xf32, #tpu.memory_space<hbm>> -> memref<1x16384xf32, #tpu.memory_space<hbm>>
      %dma_start3A_248 = tpu.memref_squeeze %dma_start3A_247 : memref<1x16384xf32, #tpu.memory_space<hbm>> -> memref<16384xf32, #tpu.memory_space<hbm>>
      %dma_start3A_249 = tpu.memref_slice %dma_start3A_248[%mul3A_234] : memref<16384xf32, #tpu.memory_space<hbm>> -> memref<16xf32, #tpu.memory_space<hbm>>
      %dma_start3A_250 = arith.constant 0 : i32
      %dma_start3A_251 = tpu.memref_slice %arg6[%dma_start3A_235, %dma_start3A_250] : memref<8x16xf32, #tpu.memory_space<vmem>> -> memref<1x16xf32, #tpu.memory_space<vmem>>
      %dma_start3A_252 = tpu.memref_squeeze %dma_start3A_251 : memref<1x16xf32, #tpu.memory_space<vmem>> -> memref<16xf32, #tpu.memory_space<vmem>>
      tpu.enqueue_dma source(%dma_start3A_252 : memref<16xf32, #tpu.memory_space<vmem>>) target(%dma_start3A_249 : memref<16xf32, #tpu.memory_space<hbm>>) target_semaphore(%dma_start3A_245 : memref<!tpu.dma_semaphore, #tpu.memory_space<semaphore_mem>>)
      %mul3A_253 = arith.constant 16 : i32
      %mul3A_254 = arith.muli %scan3A_168, %mul3A_253 : i32
      %add3A_255 = arith.constant 2 : i32
      %add3A_256 = arith.addi %mul3A_254, %add3A_255 : i32
      %slice3A_257 = vector.extract_strided_slice %get3A_172 {offsets = [2], sizes = [1], strides = [1]} : vector<16xi32> to vector<1xi32>
      %squeeze3A_258 = vector.extract %slice3A_257[0] : i32 from vector<1xi32>
      %div3A_259 = arith.constant 16 : i32
      %div3A_260 = arith.divsi %squeeze3A_258, %div3A_259 : i32
      %mul3A_261 = arith.constant 16 : i32
      %mul3A_262 = arith.muli %div3A_260, %mul3A_261 : i32
      %sub3A_263 = arith.subi %squeeze3A_258, %mul3A_262 : i32
      %gt3A_264 = arith.constant 0 : i32
      %gt3A_265 = arith.cmpi sgt, %scan3A_168, %gt3A_264 : i32
      %convert_element_type3A_266 = arith.extui %gt3A_265 : i1 to i32
      %cond3A_267 = arith.constant 0 : i32
      %cond3A_268 = arith.cmpi ne, %convert_element_type3A_266, %cond3A_267 : i32
      scf.if %cond3A_268 {
        %add3A_1012 = arith.addi %mul3A_2, %add3A_256 : i32
        %mul3A_1013 = arith.constant 16 : i32
        %mul3A_1014 = arith.muli %div3A_260, %mul3A_1013 : i32
        %dma_wait3A_1015 = arith.constant 2 : i32
        %dma_wait3A_1016 = arith.constant 2 : i32
        %dma_wait3A_1017 = arith.constant 0 : i32
        %dma_wait3A_1018 = tpu.memref_slice %arg6[%dma_wait3A_1015, %dma_wait3A_1017] : memref<8x16xf32, #tpu.memory_space<vmem>> -> memref<1x16xf32, #tpu.memory_space<vmem>>
        %dma_wait3A_1019 = tpu.memref_squeeze %dma_wait3A_1018 : memref<1x16xf32, #tpu.memory_space<vmem>> -> memref<16xf32, #tpu.memory_space<vmem>>
        %dma_wait3A_1020 = arith.constant 0 : i32
        %dma_wait3A_1021 = tpu.memref_slice %arg4[%add3A_1012, %dma_wait3A_1020] : memref<4096x16384xf32, #tpu.memory_space<hbm>> -> memref<1x16384xf32, #tpu.memory_space<hbm>>
        %dma_wait3A_1022 = tpu.memref_squeeze %dma_wait3A_1021 : memref<1x16384xf32, #tpu.memory_space<hbm>> -> memref<16384xf32, #tpu.memory_space<hbm>>
        %dma_wait3A_1023 = tpu.memref_slice %dma_wait3A_1022[%mul3A_1014] : memref<16384xf32, #tpu.memory_space<hbm>> -> memref<16xf32, #tpu.memory_space<hbm>>
        %dma_wait3A_1024 = tpu.memref_slice %arg7[%dma_wait3A_1016] : memref<8x!tpu.dma_semaphore, #tpu.memory_space<semaphore_mem>> -> memref<1x!tpu.dma_semaphore, #tpu.memory_space<semaphore_mem>>
        %dma_wait3A_1025 = tpu.memref_squeeze %dma_wait3A_1024 : memref<1x!tpu.dma_semaphore, #tpu.memory_space<semaphore_mem>> -> memref<!tpu.dma_semaphore, #tpu.memory_space<semaphore_mem>>
        %dma_wait3A_1026 = arith.constant 0 : i32
        %dma_wait3A_1027 = tpu.memref_slice %arg4[%add3A_1012, %dma_wait3A_1026] : memref<4096x16384xf32, #tpu.memory_space<hbm>> -> memref<1x16384xf32, #tpu.memory_space<hbm>>
        %dma_wait3A_1028 = tpu.memref_squeeze %dma_wait3A_1027 : memref<1x16384xf32, #tpu.memory_space<hbm>> -> memref<16384xf32, #tpu.memory_space<hbm>>
        %dma_wait3A_1029 = tpu.memref_slice %dma_wait3A_1028[%mul3A_1014] : memref<16384xf32, #tpu.memory_space<hbm>> -> memref<16xf32, #tpu.memory_space<hbm>>
        %dma_wait3A_1030 = arith.constant 0 : i32
        %dma_wait3A_1031 = tpu.memref_slice %arg6[%dma_wait3A_1015, %dma_wait3A_1030] : memref<8x16xf32, #tpu.memory_space<vmem>> -> memref<1x16xf32, #tpu.memory_space<vmem>>
        %dma_wait3A_1032 = tpu.memref_squeeze %dma_wait3A_1031 : memref<1x16xf32, #tpu.memory_space<vmem>> -> memref<16xf32, #tpu.memory_space<vmem>>
        tpu.wait_dma2 semaphore(%dma_wait3A_1025 : memref<!tpu.dma_semaphore, #tpu.memory_space<semaphore_mem>>) src(%dma_wait3A_1032 : memref<16xf32, #tpu.memory_space<vmem>>) dst(%dma_wait3A_1029 : memref<16xf32, #tpu.memory_space<hbm>>)
      } else {
      }
      %eq3A_269 = vector.broadcast %sub3A_263 : i32 to vector<16xi32>
      %eq3A_270 = arith.cmpi eq, %iota3A, %eq3A_269 : vector<16xi32>
      %convert_element_type3A_271 = arith.extui %eq3A_270 : vector<16xi1> to vector<16xi32>
      %convert_element_type3A_272 = arith.sitofp %convert_element_type3A_271 : vector<16xi32> to vector<16xf32>
      %swap3A_273 = arith.constant 2 : i32
      %swap3A_274 = arith.index_cast %swap3A_273 : i32 to index
      %swap3A_275 = arith.constant 0 : index
      %swap3A_276 = tpu.vector_load %arg6[%swap3A_274, %swap3A_275] {strides = array<i32>} : memref<8x16xf32, #tpu.memory_space<vmem>>, vector<16xf32>,
      tpu.vector_store %arg6[%swap3A_274, %swap3A_275], %convert_element_type3A_272 {strides = array<i32>} : memref<8x16xf32, #tpu.memory_space<vmem>>, vector<16xf32>,
      %add3A_277 = arith.addi %mul3A_2, %add3A_256 : i32
      %mul3A_278 = arith.constant 16 : i32
      %mul3A_279 = arith.muli %div3A_260, %mul3A_278 : i32
      %dma_start3A_280 = arith.constant 2 : i32
      %dma_start3A_281 = arith.constant 2 : i32
      %dma_start3A_282 = arith.constant 0 : i32
      %dma_start3A_283 = tpu.memref_slice %arg6[%dma_start3A_280, %dma_start3A_282] : memref<8x16xf32, #tpu.memory_space<vmem>> -> memref<1x16xf32, #tpu.memory_space<vmem>>
      %dma_start3A_284 = tpu.memref_squeeze %dma_start3A_283 : memref<1x16xf32, #tpu.memory_space<vmem>> -> memref<16xf32, #tpu.memory_space<vmem>>
      %dma_start3A_285 = arith.constant 0 : i32
      %dma_start3A_286 = tpu.memref_slice %arg4[%add3A_277, %dma_start3A_285] : memref<4096x16384xf32, #tpu.memory_space<hbm>> -> memref<1x16384xf32, #tpu.memory_space<hbm>>
      %dma_start3A_287 = tpu.memref_squeeze %dma_start3A_286 : memref<1x16384xf32, #tpu.memory_space<hbm>> -> memref<16384xf32, #tpu.memory_space<hbm>>
      %dma_start3A_288 = tpu.memref_slice %dma_start3A_287[%mul3A_279] : memref<16384xf32, #tpu.memory_space<hbm>> -> memref<16xf32, #tpu.memory_space<hbm>>
      %dma_start3A_289 = tpu.memref_slice %arg7[%dma_start3A_281] : memref<8x!tpu.dma_semaphore, #tpu.memory_space<semaphore_mem>> -> memref<1x!tpu.dma_semaphore, #tpu.memory_space<semaphore_mem>>
      %dma_start3A_290 = tpu.memref_squeeze %dma_start3A_289 : memref<1x!tpu.dma_semaphore, #tpu.memory_space<semaphore_mem>> -> memref<!tpu.dma_semaphore, #tpu.memory_space<semaphore_mem>>
      %dma_start3A_291 = arith.constant 0 : i32
      %dma_start3A_292 = tpu.memref_slice %arg4[%add3A_277, %dma_start3A_291] : memref<4096x16384xf32, #tpu.memory_space<hbm>> -> memref<1x16384xf32, #tpu.memory_space<hbm>>
      %dma_start3A_293 = tpu.memref_squeeze %dma_start3A_292 : memref<1x16384xf32, #tpu.memory_space<hbm>> -> memref<16384xf32, #tpu.memory_space<hbm>>
      %dma_start3A_294 = tpu.memref_slice %dma_start3A_293[%mul3A_279] : memref<16384xf32, #tpu.memory_space<hbm>> -> memref<16xf32, #tpu.memory_space<hbm>>
      %dma_start3A_295 = arith.constant 0 : i32
      %dma_start3A_296 = tpu.memref_slice %arg6[%dma_start3A_280, %dma_start3A_295] : memref<8x16xf32, #tpu.memory_space<vmem>> -> memref<1x16xf32, #tpu.memory_space<vmem>>
      %dma_start3A_297 = tpu.memref_squeeze %dma_start3A_296 : memref<1x16xf32, #tpu.memory_space<vmem>> -> memref<16xf32, #tpu.memory_space<vmem>>
      tpu.enqueue_dma source(%dma_start3A_297 : memref<16xf32, #tpu.memory_space<vmem>>) target(%dma_start3A_294 : memref<16xf32, #tpu.memory_space<hbm>>) target_semaphore(%dma_start3A_290 : memref<!tpu.dma_semaphore, #tpu.memory_space<semaphore_mem>>)
      %mul3A_298 = arith.constant 16 : i32
      %mul3A_299 = arith.muli %scan3A_168, %mul3A_298 : i32
      %add3A_300 = arith.constant 3 : i32
      %add3A_301 = arith.addi %mul3A_299, %add3A_300 : i32
      %slice3A_302 = vector.extract_strided_slice %get3A_172 {offsets = [3], sizes = [1], strides = [1]} : vector<16xi32> to vector<1xi32>
      %squeeze3A_303 = vector.extract %slice3A_302[0] : i32 from vector<1xi32>
      %div3A_304 = arith.constant 16 : i32
      %div3A_305 = arith.divsi %squeeze3A_303, %div3A_304 : i32
      %mul3A_306 = arith.constant 16 : i32
      %mul3A_307 = arith.muli %div3A_305, %mul3A_306 : i32
      %sub3A_308 = arith.subi %squeeze3A_303, %mul3A_307 : i32
      %gt3A_309 = arith.constant 0 : i32
      %gt3A_310 = arith.cmpi sgt, %scan3A_168, %gt3A_309 : i32
      %convert_element_type3A_311 = arith.extui %gt3A_310 : i1 to i32
      %cond3A_312 = arith.constant 0 : i32
      %cond3A_313 = arith.cmpi ne, %convert_element_type3A_311, %cond3A_312 : i32
      scf.if %cond3A_313 {
        %add3A_1012 = arith.addi %mul3A_2, %add3A_301 : i32
        %mul3A_1013 = arith.constant 16 : i32
        %mul3A_1014 = arith.muli %div3A_305, %mul3A_1013 : i32
        %dma_wait3A_1015 = arith.constant 3 : i32
        %dma_wait3A_1016 = arith.constant 3 : i32
        %dma_wait3A_1017 = arith.constant 0 : i32
        %dma_wait3A_1018 = tpu.memref_slice %arg6[%dma_wait3A_1015, %dma_wait3A_1017] : memref<8x16xf32, #tpu.memory_space<vmem>> -> memref<1x16xf32, #tpu.memory_space<vmem>>
        %dma_wait3A_1019 = tpu.memref_squeeze %dma_wait3A_1018 : memref<1x16xf32, #tpu.memory_space<vmem>> -> memref<16xf32, #tpu.memory_space<vmem>>
        %dma_wait3A_1020 = arith.constant 0 : i32
        %dma_wait3A_1021 = tpu.memref_slice %arg4[%add3A_1012, %dma_wait3A_1020] : memref<4096x16384xf32, #tpu.memory_space<hbm>> -> memref<1x16384xf32, #tpu.memory_space<hbm>>
        %dma_wait3A_1022 = tpu.memref_squeeze %dma_wait3A_1021 : memref<1x16384xf32, #tpu.memory_space<hbm>> -> memref<16384xf32, #tpu.memory_space<hbm>>
        %dma_wait3A_1023 = tpu.memref_slice %dma_wait3A_1022[%mul3A_1014] : memref<16384xf32, #tpu.memory_space<hbm>> -> memref<16xf32, #tpu.memory_space<hbm>>
        %dma_wait3A_1024 = tpu.memref_slice %arg7[%dma_wait3A_1016] : memref<8x!tpu.dma_semaphore, #tpu.memory_space<semaphore_mem>> -> memref<1x!tpu.dma_semaphore, #tpu.memory_space<semaphore_mem>>
        %dma_wait3A_1025 = tpu.memref_squeeze %dma_wait3A_1024 : memref<1x!tpu.dma_semaphore, #tpu.memory_space<semaphore_mem>> -> memref<!tpu.dma_semaphore, #tpu.memory_space<semaphore_mem>>
        %dma_wait3A_1026 = arith.constant 0 : i32
        %dma_wait3A_1027 = tpu.memref_slice %arg4[%add3A_1012, %dma_wait3A_1026] : memref<4096x16384xf32, #tpu.memory_space<hbm>> -> memref<1x16384xf32, #tpu.memory_space<hbm>>
        %dma_wait3A_1028 = tpu.memref_squeeze %dma_wait3A_1027 : memref<1x16384xf32, #tpu.memory_space<hbm>> -> memref<16384xf32, #tpu.memory_space<hbm>>
        %dma_wait3A_1029 = tpu.memref_slice %dma_wait3A_1028[%mul3A_1014] : memref<16384xf32, #tpu.memory_space<hbm>> -> memref<16xf32, #tpu.memory_space<hbm>>
        %dma_wait3A_1030 = arith.constant 0 : i32
        %dma_wait3A_1031 = tpu.memref_slice %arg6[%dma_wait3A_1015, %dma_wait3A_1030] : memref<8x16xf32, #tpu.memory_space<vmem>> -> memref<1x16xf32, #tpu.memory_space<vmem>>
        %dma_wait3A_1032 = tpu.memref_squeeze %dma_wait3A_1031 : memref<1x16xf32, #tpu.memory_space<vmem>> -> memref<16xf32, #tpu.memory_space<vmem>>
        tpu.wait_dma2 semaphore(%dma_wait3A_1025 : memref<!tpu.dma_semaphore, #tpu.memory_space<semaphore_mem>>) src(%dma_wait3A_1032 : memref<16xf32, #tpu.memory_space<vmem>>) dst(%dma_wait3A_1029 : memref<16xf32, #tpu.memory_space<hbm>>)
      } else {
      }
      %eq3A_314 = vector.broadcast %sub3A_308 : i32 to vector<16xi32>
      %eq3A_315 = arith.cmpi eq, %iota3A, %eq3A_314 : vector<16xi32>
      %convert_element_type3A_316 = arith.extui %eq3A_315 : vector<16xi1> to vector<16xi32>
      %convert_element_type3A_317 = arith.sitofp %convert_element_type3A_316 : vector<16xi32> to vector<16xf32>
      %swap3A_318 = arith.constant 3 : i32
      %swap3A_319 = arith.index_cast %swap3A_318 : i32 to index
      %swap3A_320 = arith.constant 0 : index
      %swap3A_321 = tpu.vector_load %arg6[%swap3A_319, %swap3A_320] {strides = array<i32>} : memref<8x16xf32, #tpu.memory_space<vmem>>, vector<16xf32>,
      tpu.vector_store %arg6[%swap3A_319, %swap3A_320], %convert_element_type3A_317 {strides = array<i32>} : memref<8x16xf32, #tpu.memory_space<vmem>>, vector<16xf32>,
      %add3A_322 = arith.addi %mul3A_2, %add3A_301 : i32
      %mul3A_323 = arith.constant 16 : i32
      %mul3A_324 = arith.muli %div3A_305, %mul3A_323 : i32
      %dma_start3A_325 = arith.constant 3 : i32
      %dma_start3A_326 = arith.constant 3 : i32
      %dma_start3A_327 = arith.constant 0 : i32
      %dma_start3A_328 = tpu.memref_slice %arg6[%dma_start3A_325, %dma_start3A_327] : memref<8x16xf32, #tpu.memory_space<vmem>> -> memref<1x16xf32, #tpu.memory_space<vmem>>
      %dma_start3A_329 = tpu.memref_squeeze %dma_start3A_328 : memref<1x16xf32, #tpu.memory_space<vmem>> -> memref<16xf32, #tpu.memory_space<vmem>>
      %dma_start3A_330 = arith.constant 0 : i32
      %dma_start3A_331 = tpu.memref_slice %arg4[%add3A_322, %dma_start3A_330] : memref<4096x16384xf32, #tpu.memory_space<hbm>> -> memref<1x16384xf32, #tpu.memory_space<hbm>>
      %dma_start3A_332 = tpu.memref_squeeze %dma_start3A_331 : memref<1x16384xf32, #tpu.memory_space<hbm>> -> memref<16384xf32, #tpu.memory_space<hbm>>
      %dma_start3A_333 = tpu.memref_slice %dma_start3A_332[%mul3A_324] : memref<16384xf32, #tpu.memory_space<hbm>> -> memref<16xf32, #tpu.memory_space<hbm>>
      %dma_start3A_334 = tpu.memref_slice %arg7[%dma_start3A_326] : memref<8x!tpu.dma_semaphore, #tpu.memory_space<semaphore_mem>> -> memref<1x!tpu.dma_semaphore, #tpu.memory_space<semaphore_mem>>
      %dma_start3A_335 = tpu.memref_squeeze %dma_start3A_334 : memref<1x!tpu.dma_semaphore, #tpu.memory_space<semaphore_mem>> -> memref<!tpu.dma_semaphore, #tpu.memory_space<semaphore_mem>>
      %dma_start3A_336 = arith.constant 0 : i32
      %dma_start3A_337 = tpu.memref_slice %arg4[%add3A_322, %dma_start3A_336] : memref<4096x16384xf32, #tpu.memory_space<hbm>> -> memref<1x16384xf32, #tpu.memory_space<hbm>>
      %dma_start3A_338 = tpu.memref_squeeze %dma_start3A_337 : memref<1x16384xf32, #tpu.memory_space<hbm>> -> memref<16384xf32, #tpu.memory_space<hbm>>
      %dma_start3A_339 = tpu.memref_slice %dma_start3A_338[%mul3A_324] : memref<16384xf32, #tpu.memory_space<hbm>> -> memref<16xf32, #tpu.memory_space<hbm>>
      %dma_start3A_340 = arith.constant 0 : i32
      %dma_start3A_341 = tpu.memref_slice %arg6[%dma_start3A_325, %dma_start3A_340] : memref<8x16xf32, #tpu.memory_space<vmem>> -> memref<1x16xf32, #tpu.memory_space<vmem>>
      %dma_start3A_342 = tpu.memref_squeeze %dma_start3A_341 : memref<1x16xf32, #tpu.memory_space<vmem>> -> memref<16xf32, #tpu.memory_space<vmem>>
      tpu.enqueue_dma source(%dma_start3A_342 : memref<16xf32, #tpu.memory_space<vmem>>) target(%dma_start3A_339 : memref<16xf32, #tpu.memory_space<hbm>>) target_semaphore(%dma_start3A_335 : memref<!tpu.dma_semaphore, #tpu.memory_space<semaphore_mem>>)
      %mul3A_343 = arith.constant 16 : i32
      %mul3A_344 = arith.muli %scan3A_168, %mul3A_343 : i32
      %add3A_345 = arith.constant 4 : i32
      %add3A_346 = arith.addi %mul3A_344, %add3A_345 : i32
      %slice3A_347 = vector.extract_strided_slice %get3A_172 {offsets = [4], sizes = [1], strides = [1]} : vector<16xi32> to vector<1xi32>
      %squeeze3A_348 = vector.extract %slice3A_347[0] : i32 from vector<1xi32>
      %div3A_349 = arith.constant 16 : i32
      %div3A_350 = arith.divsi %squeeze3A_348, %div3A_349 : i32
      %mul3A_351 = arith.constant 16 : i32
      %mul3A_352 = arith.muli %div3A_350, %mul3A_351 : i32
      %sub3A_353 = arith.subi %squeeze3A_348, %mul3A_352 : i32
      %gt3A_354 = arith.constant 0 : i32
      %gt3A_355 = arith.cmpi sgt, %scan3A_168, %gt3A_354 : i32
      %convert_element_type3A_356 = arith.extui %gt3A_355 : i1 to i32
      %cond3A_357 = arith.constant 0 : i32
      %cond3A_358 = arith.cmpi ne, %convert_element_type3A_356, %cond3A_357 : i32
      scf.if %cond3A_358 {
        %add3A_1012 = arith.addi %mul3A_2, %add3A_346 : i32
        %mul3A_1013 = arith.constant 16 : i32
        %mul3A_1014 = arith.muli %div3A_350, %mul3A_1013 : i32
        %dma_wait3A_1015 = arith.constant 4 : i32
        %dma_wait3A_1016 = arith.constant 4 : i32
        %dma_wait3A_1017 = arith.constant 0 : i32
        %dma_wait3A_1018 = tpu.memref_slice %arg6[%dma_wait3A_1015, %dma_wait3A_1017] : memref<8x16xf32, #tpu.memory_space<vmem>> -> memref<1x16xf32, #tpu.memory_space<vmem>>
        %dma_wait3A_1019 = tpu.memref_squeeze %dma_wait3A_1018 : memref<1x16xf32, #tpu.memory_space<vmem>> -> memref<16xf32, #tpu.memory_space<vmem>>
        %dma_wait3A_1020 = arith.constant 0 : i32
        %dma_wait3A_1021 = tpu.memref_slice %arg4[%add3A_1012, %dma_wait3A_1020] : memref<4096x16384xf32, #tpu.memory_space<hbm>> -> memref<1x16384xf32, #tpu.memory_space<hbm>>
        %dma_wait3A_1022 = tpu.memref_squeeze %dma_wait3A_1021 : memref<1x16384xf32, #tpu.memory_space<hbm>> -> memref<16384xf32, #tpu.memory_space<hbm>>
        %dma_wait3A_1023 = tpu.memref_slice %dma_wait3A_1022[%mul3A_1014] : memref<16384xf32, #tpu.memory_space<hbm>> -> memref<16xf32, #tpu.memory_space<hbm>>
        %dma_wait3A_1024 = tpu.memref_slice %arg7[%dma_wait3A_1016] : memref<8x!tpu.dma_semaphore, #tpu.memory_space<semaphore_mem>> -> memref<1x!tpu.dma_semaphore, #tpu.memory_space<semaphore_mem>>
        %dma_wait3A_1025 = tpu.memref_squeeze %dma_wait3A_1024 : memref<1x!tpu.dma_semaphore, #tpu.memory_space<semaphore_mem>> -> memref<!tpu.dma_semaphore, #tpu.memory_space<semaphore_mem>>
        %dma_wait3A_1026 = arith.constant 0 : i32
        %dma_wait3A_1027 = tpu.memref_slice %arg4[%add3A_1012, %dma_wait3A_1026] : memref<4096x16384xf32, #tpu.memory_space<hbm>> -> memref<1x16384xf32, #tpu.memory_space<hbm>>
        %dma_wait3A_1028 = tpu.memref_squeeze %dma_wait3A_1027 : memref<1x16384xf32, #tpu.memory_space<hbm>> -> memref<16384xf32, #tpu.memory_space<hbm>>
        %dma_wait3A_1029 = tpu.memref_slice %dma_wait3A_1028[%mul3A_1014] : memref<16384xf32, #tpu.memory_space<hbm>> -> memref<16xf32, #tpu.memory_space<hbm>>
        %dma_wait3A_1030 = arith.constant 0 : i32
        %dma_wait3A_1031 = tpu.memref_slice %arg6[%dma_wait3A_1015, %dma_wait3A_1030] : memref<8x16xf32, #tpu.memory_space<vmem>> -> memref<1x16xf32, #tpu.memory_space<vmem>>
        %dma_wait3A_1032 = tpu.memref_squeeze %dma_wait3A_1031 : memref<1x16xf32, #tpu.memory_space<vmem>> -> memref<16xf32, #tpu.memory_space<vmem>>
        tpu.wait_dma2 semaphore(%dma_wait3A_1025 : memref<!tpu.dma_semaphore, #tpu.memory_space<semaphore_mem>>) src(%dma_wait3A_1032 : memref<16xf32, #tpu.memory_space<vmem>>) dst(%dma_wait3A_1029 : memref<16xf32, #tpu.memory_space<hbm>>)
      } else {
      }
      %eq3A_359 = vector.broadcast %sub3A_353 : i32 to vector<16xi32>
      %eq3A_360 = arith.cmpi eq, %iota3A, %eq3A_359 : vector<16xi32>
      %convert_element_type3A_361 = arith.extui %eq3A_360 : vector<16xi1> to vector<16xi32>
      %convert_element_type3A_362 = arith.sitofp %convert_element_type3A_361 : vector<16xi32> to vector<16xf32>
      %swap3A_363 = arith.constant 4 : i32
      %swap3A_364 = arith.index_cast %swap3A_363 : i32 to index
      %swap3A_365 = arith.constant 0 : index
      %swap3A_366 = tpu.vector_load %arg6[%swap3A_364, %swap3A_365] {strides = array<i32>} : memref<8x16xf32, #tpu.memory_space<vmem>>, vector<16xf32>,
      tpu.vector_store %arg6[%swap3A_364, %swap3A_365], %convert_element_type3A_362 {strides = array<i32>} : memref<8x16xf32, #tpu.memory_space<vmem>>, vector<16xf32>,
      %add3A_367 = arith.addi %mul3A_2, %add3A_346 : i32
      %mul3A_368 = arith.constant 16 : i32
      %mul3A_369 = arith.muli %div3A_350, %mul3A_368 : i32
      %dma_start3A_370 = arith.constant 4 : i32
      %dma_start3A_371 = arith.constant 4 : i32
      %dma_start3A_372 = arith.constant 0 : i32
      %dma_start3A_373 = tpu.memref_slice %arg6[%dma_start3A_370, %dma_start3A_372] : memref<8x16xf32, #tpu.memory_space<vmem>> -> memref<1x16xf32, #tpu.memory_space<vmem>>
      %dma_start3A_374 = tpu.memref_squeeze %dma_start3A_373 : memref<1x16xf32, #tpu.memory_space<vmem>> -> memref<16xf32, #tpu.memory_space<vmem>>
      %dma_start3A_375 = arith.constant 0 : i32
      %dma_start3A_376 = tpu.memref_slice %arg4[%add3A_367, %dma_start3A_375] : memref<4096x16384xf32, #tpu.memory_space<hbm>> -> memref<1x16384xf32, #tpu.memory_space<hbm>>
      %dma_start3A_377 = tpu.memref_squeeze %dma_start3A_376 : memref<1x16384xf32, #tpu.memory_space<hbm>> -> memref<16384xf32, #tpu.memory_space<hbm>>
      %dma_start3A_378 = tpu.memref_slice %dma_start3A_377[%mul3A_369] : memref<16384xf32, #tpu.memory_space<hbm>> -> memref<16xf32, #tpu.memory_space<hbm>>
      %dma_start3A_379 = tpu.memref_slice %arg7[%dma_start3A_371] : memref<8x!tpu.dma_semaphore, #tpu.memory_space<semaphore_mem>> -> memref<1x!tpu.dma_semaphore, #tpu.memory_space<semaphore_mem>>
      %dma_start3A_380 = tpu.memref_squeeze %dma_start3A_379 : memref<1x!tpu.dma_semaphore, #tpu.memory_space<semaphore_mem>> -> memref<!tpu.dma_semaphore, #tpu.memory_space<semaphore_mem>>
      %dma_start3A_381 = arith.constant 0 : i32
      %dma_start3A_382 = tpu.memref_slice %arg4[%add3A_367, %dma_start3A_381] : memref<4096x16384xf32, #tpu.memory_space<hbm>> -> memref<1x16384xf32, #tpu.memory_space<hbm>>
      %dma_start3A_383 = tpu.memref_squeeze %dma_start3A_382 : memref<1x16384xf32, #tpu.memory_space<hbm>> -> memref<16384xf32, #tpu.memory_space<hbm>>
      %dma_start3A_384 = tpu.memref_slice %dma_start3A_383[%mul3A_369] : memref<16384xf32, #tpu.memory_space<hbm>> -> memref<16xf32, #tpu.memory_space<hbm>>
      %dma_start3A_385 = arith.constant 0 : i32
      %dma_start3A_386 = tpu.memref_slice %arg6[%dma_start3A_370, %dma_start3A_385] : memref<8x16xf32, #tpu.memory_space<vmem>> -> memref<1x16xf32, #tpu.memory_space<vmem>>
      %dma_start3A_387 = tpu.memref_squeeze %dma_start3A_386 : memref<1x16xf32, #tpu.memory_space<vmem>> -> memref<16xf32, #tpu.memory_space<vmem>>
      tpu.enqueue_dma source(%dma_start3A_387 : memref<16xf32, #tpu.memory_space<vmem>>) target(%dma_start3A_384 : memref<16xf32, #tpu.memory_space<hbm>>) target_semaphore(%dma_start3A_380 : memref<!tpu.dma_semaphore, #tpu.memory_space<semaphore_mem>>)
      %mul3A_388 = arith.constant 16 : i32
      %mul3A_389 = arith.muli %scan3A_168, %mul3A_388 : i32
      %add3A_390 = arith.constant 5 : i32
      %add3A_391 = arith.addi %mul3A_389, %add3A_390 : i32
      %slice3A_392 = vector.extract_strided_slice %get3A_172 {offsets = [5], sizes = [1], strides = [1]} : vector<16xi32> to vector<1xi32>
      %squeeze3A_393 = vector.extract %slice3A_392[0] : i32 from vector<1xi32>
      %div3A_394 = arith.constant 16 : i32
      %div3A_395 = arith.divsi %squeeze3A_393, %div3A_394 : i32
      %mul3A_396 = arith.constant 16 : i32
      %mul3A_397 = arith.muli %div3A_395, %mul3A_396 : i32
      %sub3A_398 = arith.subi %squeeze3A_393, %mul3A_397 : i32
      %gt3A_399 = arith.constant 0 : i32
      %gt3A_400 = arith.cmpi sgt, %scan3A_168, %gt3A_399 : i32
      %convert_element_type3A_401 = arith.extui %gt3A_400 : i1 to i32
      %cond3A_402 = arith.constant 0 : i32
      %cond3A_403 = arith.cmpi ne, %convert_element_type3A_401, %cond3A_402 : i32
      scf.if %cond3A_403 {
        %add3A_1012 = arith.addi %mul3A_2, %add3A_391 : i32
        %mul3A_1013 = arith.constant 16 : i32
        %mul3A_1014 = arith.muli %div3A_395, %mul3A_1013 : i32
        %dma_wait3A_1015 = arith.constant 5 : i32
        %dma_wait3A_1016 = arith.constant 5 : i32
        %dma_wait3A_1017 = arith.constant 0 : i32
        %dma_wait3A_1018 = tpu.memref_slice %arg6[%dma_wait3A_1015, %dma_wait3A_1017] : memref<8x16xf32, #tpu.memory_space<vmem>> -> memref<1x16xf32, #tpu.memory_space<vmem>>
        %dma_wait3A_1019 = tpu.memref_squeeze %dma_wait3A_1018 : memref<1x16xf32, #tpu.memory_space<vmem>> -> memref<16xf32, #tpu.memory_space<vmem>>
        %dma_wait3A_1020 = arith.constant 0 : i32
        %dma_wait3A_1021 = tpu.memref_slice %arg4[%add3A_1012, %dma_wait3A_1020] : memref<4096x16384xf32, #tpu.memory_space<hbm>> -> memref<1x16384xf32, #tpu.memory_space<hbm>>
        %dma_wait3A_1022 = tpu.memref_squeeze %dma_wait3A_1021 : memref<1x16384xf32, #tpu.memory_space<hbm>> -> memref<16384xf32, #tpu.memory_space<hbm>>
        %dma_wait3A_1023 = tpu.memref_slice %dma_wait3A_1022[%mul3A_1014] : memref<16384xf32, #tpu.memory_space<hbm>> -> memref<16xf32, #tpu.memory_space<hbm>>
        %dma_wait3A_1024 = tpu.memref_slice %arg7[%dma_wait3A_1016] : memref<8x!tpu.dma_semaphore, #tpu.memory_space<semaphore_mem>> -> memref<1x!tpu.dma_semaphore, #tpu.memory_space<semaphore_mem>>
        %dma_wait3A_1025 = tpu.memref_squeeze %dma_wait3A_1024 : memref<1x!tpu.dma_semaphore, #tpu.memory_space<semaphore_mem>> -> memref<!tpu.dma_semaphore, #tpu.memory_space<semaphore_mem>>
        %dma_wait3A_1026 = arith.constant 0 : i32
        %dma_wait3A_1027 = tpu.memref_slice %arg4[%add3A_1012, %dma_wait3A_1026] : memref<4096x16384xf32, #tpu.memory_space<hbm>> -> memref<1x16384xf32, #tpu.memory_space<hbm>>
        %dma_wait3A_1028 = tpu.memref_squeeze %dma_wait3A_1027 : memref<1x16384xf32, #tpu.memory_space<hbm>> -> memref<16384xf32, #tpu.memory_space<hbm>>
        %dma_wait3A_1029 = tpu.memref_slice %dma_wait3A_1028[%mul3A_1014] : memref<16384xf32, #tpu.memory_space<hbm>> -> memref<16xf32, #tpu.memory_space<hbm>>
        %dma_wait3A_1030 = arith.constant 0 : i32
        %dma_wait3A_1031 = tpu.memref_slice %arg6[%dma_wait3A_1015, %dma_wait3A_1030] : memref<8x16xf32, #tpu.memory_space<vmem>> -> memref<1x16xf32, #tpu.memory_space<vmem>>
        %dma_wait3A_1032 = tpu.memref_squeeze %dma_wait3A_1031 : memref<1x16xf32, #tpu.memory_space<vmem>> -> memref<16xf32, #tpu.memory_space<vmem>>
        tpu.wait_dma2 semaphore(%dma_wait3A_1025 : memref<!tpu.dma_semaphore, #tpu.memory_space<semaphore_mem>>) src(%dma_wait3A_1032 : memref<16xf32, #tpu.memory_space<vmem>>) dst(%dma_wait3A_1029 : memref<16xf32, #tpu.memory_space<hbm>>)
      } else {
      }
      %eq3A_404 = vector.broadcast %sub3A_398 : i32 to vector<16xi32>
      %eq3A_405 = arith.cmpi eq, %iota3A, %eq3A_404 : vector<16xi32>
      %convert_element_type3A_406 = arith.extui %eq3A_405 : vector<16xi1> to vector<16xi32>
      %convert_element_type3A_407 = arith.sitofp %convert_element_type3A_406 : vector<16xi32> to vector<16xf32>
      %swap3A_408 = arith.constant 5 : i32
      %swap3A_409 = arith.index_cast %swap3A_408 : i32 to index
      %swap3A_410 = arith.constant 0 : index
      %swap3A_411 = tpu.vector_load %arg6[%swap3A_409, %swap3A_410] {strides = array<i32>} : memref<8x16xf32, #tpu.memory_space<vmem>>, vector<16xf32>,
      tpu.vector_store %arg6[%swap3A_409, %swap3A_410], %convert_element_type3A_407 {strides = array<i32>} : memref<8x16xf32, #tpu.memory_space<vmem>>, vector<16xf32>,
      %add3A_412 = arith.addi %mul3A_2, %add3A_391 : i32
      %mul3A_413 = arith.constant 16 : i32
      %mul3A_414 = arith.muli %div3A_395, %mul3A_413 : i32
      %dma_start3A_415 = arith.constant 5 : i32
      %dma_start3A_416 = arith.constant 5 : i32
      %dma_start3A_417 = arith.constant 0 : i32
      %dma_start3A_418 = tpu.memref_slice %arg6[%dma_start3A_415, %dma_start3A_417] : memref<8x16xf32, #tpu.memory_space<vmem>> -> memref<1x16xf32, #tpu.memory_space<vmem>>
      %dma_start3A_419 = tpu.memref_squeeze %dma_start3A_418 : memref<1x16xf32, #tpu.memory_space<vmem>> -> memref<16xf32, #tpu.memory_space<vmem>>
      %dma_start3A_420 = arith.constant 0 : i32
      %dma_start3A_421 = tpu.memref_slice %arg4[%add3A_412, %dma_start3A_420] : memref<4096x16384xf32, #tpu.memory_space<hbm>> -> memref<1x16384xf32, #tpu.memory_space<hbm>>
      %dma_start3A_422 = tpu.memref_squeeze %dma_start3A_421 : memref<1x16384xf32, #tpu.memory_space<hbm>> -> memref<16384xf32, #tpu.memory_space<hbm>>
      %dma_start3A_423 = tpu.memref_slice %dma_start3A_422[%mul3A_414] : memref<16384xf32, #tpu.memory_space<hbm>> -> memref<16xf32, #tpu.memory_space<hbm>>
      %dma_start3A_424 = tpu.memref_slice %arg7[%dma_start3A_416] : memref<8x!tpu.dma_semaphore, #tpu.memory_space<semaphore_mem>> -> memref<1x!tpu.dma_semaphore, #tpu.memory_space<semaphore_mem>>
      %dma_start3A_425 = tpu.memref_squeeze %dma_start3A_424 : memref<1x!tpu.dma_semaphore, #tpu.memory_space<semaphore_mem>> -> memref<!tpu.dma_semaphore, #tpu.memory_space<semaphore_mem>>
      %dma_start3A_426 = arith.constant 0 : i32
      %dma_start3A_427 = tpu.memref_slice %arg4[%add3A_412, %dma_start3A_426] : memref<4096x16384xf32, #tpu.memory_space<hbm>> -> memref<1x16384xf32, #tpu.memory_space<hbm>>
      %dma_start3A_428 = tpu.memref_squeeze %dma_start3A_427 : memref<1x16384xf32, #tpu.memory_space<hbm>> -> memref<16384xf32, #tpu.memory_space<hbm>>
      %dma_start3A_429 = tpu.memref_slice %dma_start3A_428[%mul3A_414] : memref<16384xf32, #tpu.memory_space<hbm>> -> memref<16xf32, #tpu.memory_space<hbm>>
      %dma_start3A_430 = arith.constant 0 : i32
      %dma_start3A_431 = tpu.memref_slice %arg6[%dma_start3A_415, %dma_start3A_430] : memref<8x16xf32, #tpu.memory_space<vmem>> -> memref<1x16xf32, #tpu.memory_space<vmem>>
      %dma_start3A_432 = tpu.memref_squeeze %dma_start3A_431 : memref<1x16xf32, #tpu.memory_space<vmem>> -> memref<16xf32, #tpu.memory_space<vmem>>
      tpu.enqueue_dma source(%dma_start3A_432 : memref<16xf32, #tpu.memory_space<vmem>>) target(%dma_start3A_429 : memref<16xf32, #tpu.memory_space<hbm>>) target_semaphore(%dma_start3A_425 : memref<!tpu.dma_semaphore, #tpu.memory_space<semaphore_mem>>)
      %mul3A_433 = arith.constant 16 : i32
      %mul3A_434 = arith.muli %scan3A_168, %mul3A_433 : i32
      %add3A_435 = arith.constant 6 : i32
      %add3A_436 = arith.addi %mul3A_434, %add3A_435 : i32
      %slice3A_437 = vector.extract_strided_slice %get3A_172 {offsets = [6], sizes = [1], strides = [1]} : vector<16xi32> to vector<1xi32>
      %squeeze3A_438 = vector.extract %slice3A_437[0] : i32 from vector<1xi32>
      %div3A_439 = arith.constant 16 : i32
      %div3A_440 = arith.divsi %squeeze3A_438, %div3A_439 : i32
      %mul3A_441 = arith.constant 16 : i32
      %mul3A_442 = arith.muli %div3A_440, %mul3A_441 : i32
      %sub3A_443 = arith.subi %squeeze3A_438, %mul3A_442 : i32
      %gt3A_444 = arith.constant 0 : i32
      %gt3A_445 = arith.cmpi sgt, %scan3A_168, %gt3A_444 : i32
      %convert_element_type3A_446 = arith.extui %gt3A_445 : i1 to i32
      %cond3A_447 = arith.constant 0 : i32
      %cond3A_448 = arith.cmpi ne, %convert_element_type3A_446, %cond3A_447 : i32
      scf.if %cond3A_448 {
        %add3A_1012 = arith.addi %mul3A_2, %add3A_436 : i32
        %mul3A_1013 = arith.constant 16 : i32
        %mul3A_1014 = arith.muli %div3A_440, %mul3A_1013 : i32
        %dma_wait3A_1015 = arith.constant 6 : i32
        %dma_wait3A_1016 = arith.constant 6 : i32
        %dma_wait3A_1017 = arith.constant 0 : i32
        %dma_wait3A_1018 = tpu.memref_slice %arg6[%dma_wait3A_1015, %dma_wait3A_1017] : memref<8x16xf32, #tpu.memory_space<vmem>> -> memref<1x16xf32, #tpu.memory_space<vmem>>
        %dma_wait3A_1019 = tpu.memref_squeeze %dma_wait3A_1018 : memref<1x16xf32, #tpu.memory_space<vmem>> -> memref<16xf32, #tpu.memory_space<vmem>>
        %dma_wait3A_1020 = arith.constant 0 : i32
        %dma_wait3A_1021 = tpu.memref_slice %arg4[%add3A_1012, %dma_wait3A_1020] : memref<4096x16384xf32, #tpu.memory_space<hbm>> -> memref<1x16384xf32, #tpu.memory_space<hbm>>
        %dma_wait3A_1022 = tpu.memref_squeeze %dma_wait3A_1021 : memref<1x16384xf32, #tpu.memory_space<hbm>> -> memref<16384xf32, #tpu.memory_space<hbm>>
        %dma_wait3A_1023 = tpu.memref_slice %dma_wait3A_1022[%mul3A_1014] : memref<16384xf32, #tpu.memory_space<hbm>> -> memref<16xf32, #tpu.memory_space<hbm>>
        %dma_wait3A_1024 = tpu.memref_slice %arg7[%dma_wait3A_1016] : memref<8x!tpu.dma_semaphore, #tpu.memory_space<semaphore_mem>> -> memref<1x!tpu.dma_semaphore, #tpu.memory_space<semaphore_mem>>
        %dma_wait3A_1025 = tpu.memref_squeeze %dma_wait3A_1024 : memref<1x!tpu.dma_semaphore, #tpu.memory_space<semaphore_mem>> -> memref<!tpu.dma_semaphore, #tpu.memory_space<semaphore_mem>>
        %dma_wait3A_1026 = arith.constant 0 : i32
        %dma_wait3A_1027 = tpu.memref_slice %arg4[%add3A_1012, %dma_wait3A_1026] : memref<4096x16384xf32, #tpu.memory_space<hbm>> -> memref<1x16384xf32, #tpu.memory_space<hbm>>
        %dma_wait3A_1028 = tpu.memref_squeeze %dma_wait3A_1027 : memref<1x16384xf32, #tpu.memory_space<hbm>> -> memref<16384xf32, #tpu.memory_space<hbm>>
        %dma_wait3A_1029 = tpu.memref_slice %dma_wait3A_1028[%mul3A_1014] : memref<16384xf32, #tpu.memory_space<hbm>> -> memref<16xf32, #tpu.memory_space<hbm>>
        %dma_wait3A_1030 = arith.constant 0 : i32
        %dma_wait3A_1031 = tpu.memref_slice %arg6[%dma_wait3A_1015, %dma_wait3A_1030] : memref<8x16xf32, #tpu.memory_space<vmem>> -> memref<1x16xf32, #tpu.memory_space<vmem>>
        %dma_wait3A_1032 = tpu.memref_squeeze %dma_wait3A_1031 : memref<1x16xf32, #tpu.memory_space<vmem>> -> memref<16xf32, #tpu.memory_space<vmem>>
        tpu.wait_dma2 semaphore(%dma_wait3A_1025 : memref<!tpu.dma_semaphore, #tpu.memory_space<semaphore_mem>>) src(%dma_wait3A_1032 : memref<16xf32, #tpu.memory_space<vmem>>) dst(%dma_wait3A_1029 : memref<16xf32, #tpu.memory_space<hbm>>)
      } else {
      }
      %eq3A_449 = vector.broadcast %sub3A_443 : i32 to vector<16xi32>
      %eq3A_450 = arith.cmpi eq, %iota3A, %eq3A_449 : vector<16xi32>
      %convert_element_type3A_451 = arith.extui %eq3A_450 : vector<16xi1> to vector<16xi32>
      %convert_element_type3A_452 = arith.sitofp %convert_element_type3A_451 : vector<16xi32> to vector<16xf32>
      %swap3A_453 = arith.constant 6 : i32
      %swap3A_454 = arith.index_cast %swap3A_453 : i32 to index
      %swap3A_455 = arith.constant 0 : index
      %swap3A_456 = tpu.vector_load %arg6[%swap3A_454, %swap3A_455] {strides = array<i32>} : memref<8x16xf32, #tpu.memory_space<vmem>>, vector<16xf32>,
      tpu.vector_store %arg6[%swap3A_454, %swap3A_455], %convert_element_type3A_452 {strides = array<i32>} : memref<8x16xf32, #tpu.memory_space<vmem>>, vector<16xf32>,
      %add3A_457 = arith.addi %mul3A_2, %add3A_436 : i32
      %mul3A_458 = arith.constant 16 : i32
      %mul3A_459 = arith.muli %div3A_440, %mul3A_458 : i32
      %dma_start3A_460 = arith.constant 6 : i32
      %dma_start3A_461 = arith.constant 6 : i32
      %dma_start3A_462 = arith.constant 0 : i32
      %dma_start3A_463 = tpu.memref_slice %arg6[%dma_start3A_460, %dma_start3A_462] : memref<8x16xf32, #tpu.memory_space<vmem>> -> memref<1x16xf32, #tpu.memory_space<vmem>>
      %dma_start3A_464 = tpu.memref_squeeze %dma_start3A_463 : memref<1x16xf32, #tpu.memory_space<vmem>> -> memref<16xf32, #tpu.memory_space<vmem>>
      %dma_start3A_465 = arith.constant 0 : i32
      %dma_start3A_466 = tpu.memref_slice %arg4[%add3A_457, %dma_start3A_465] : memref<4096x16384xf32, #tpu.memory_space<hbm>> -> memref<1x16384xf32, #tpu.memory_space<hbm>>
      %dma_start3A_467 = tpu.memref_squeeze %dma_start3A_466 : memref<1x16384xf32, #tpu.memory_space<hbm>> -> memref<16384xf32, #tpu.memory_space<hbm>>
      %dma_start3A_468 = tpu.memref_slice %dma_start3A_467[%mul3A_459] : memref<16384xf32, #tpu.memory_space<hbm>> -> memref<16xf32, #tpu.memory_space<hbm>>
      %dma_start3A_469 = tpu.memref_slice %arg7[%dma_start3A_461] : memref<8x!tpu.dma_semaphore, #tpu.memory_space<semaphore_mem>> -> memref<1x!tpu.dma_semaphore, #tpu.memory_space<semaphore_mem>>
      %dma_start3A_470 = tpu.memref_squeeze %dma_start3A_469 : memref<1x!tpu.dma_semaphore, #tpu.memory_space<semaphore_mem>> -> memref<!tpu.dma_semaphore, #tpu.memory_space<semaphore_mem>>
      %dma_start3A_471 = arith.constant 0 : i32
      %dma_start3A_472 = tpu.memref_slice %arg4[%add3A_457, %dma_start3A_471] : memref<4096x16384xf32, #tpu.memory_space<hbm>> -> memref<1x16384xf32, #tpu.memory_space<hbm>>
      %dma_start3A_473 = tpu.memref_squeeze %dma_start3A_472 : memref<1x16384xf32, #tpu.memory_space<hbm>> -> memref<16384xf32, #tpu.memory_space<hbm>>
      %dma_start3A_474 = tpu.memref_slice %dma_start3A_473[%mul3A_459] : memref<16384xf32, #tpu.memory_space<hbm>> -> memref<16xf32, #tpu.memory_space<hbm>>
      %dma_start3A_475 = arith.constant 0 : i32
      %dma_start3A_476 = tpu.memref_slice %arg6[%dma_start3A_460, %dma_start3A_475] : memref<8x16xf32, #tpu.memory_space<vmem>> -> memref<1x16xf32, #tpu.memory_space<vmem>>
      %dma_start3A_477 = tpu.memref_squeeze %dma_start3A_476 : memref<1x16xf32, #tpu.memory_space<vmem>> -> memref<16xf32, #tpu.memory_space<vmem>>
      tpu.enqueue_dma source(%dma_start3A_477 : memref<16xf32, #tpu.memory_space<vmem>>) target(%dma_start3A_474 : memref<16xf32, #tpu.memory_space<hbm>>) target_semaphore(%dma_start3A_470 : memref<!tpu.dma_semaphore, #tpu.memory_space<semaphore_mem>>)
      %mul3A_478 = arith.constant 16 : i32
      %mul3A_479 = arith.muli %scan3A_168, %mul3A_478 : i32
      %add3A_480 = arith.constant 7 : i32
      %add3A_481 = arith.addi %mul3A_479, %add3A_480 : i32
      %slice3A_482 = vector.extract_strided_slice %get3A_172 {offsets = [7], sizes = [1], strides = [1]} : vector<16xi32> to vector<1xi32>
      %squeeze3A_483 = vector.extract %slice3A_482[0] : i32 from vector<1xi32>
      %div3A_484 = arith.constant 16 : i32
      %div3A_485 = arith.divsi %squeeze3A_483, %div3A_484 : i32
      %mul3A_486 = arith.constant 16 : i32
      %mul3A_487 = arith.muli %div3A_485, %mul3A_486 : i32
      %sub3A_488 = arith.subi %squeeze3A_483, %mul3A_487 : i32
      %gt3A_489 = arith.constant 0 : i32
      %gt3A_490 = arith.cmpi sgt, %scan3A_168, %gt3A_489 : i32
      %convert_element_type3A_491 = arith.extui %gt3A_490 : i1 to i32
      %cond3A_492 = arith.constant 0 : i32
      %cond3A_493 = arith.cmpi ne, %convert_element_type3A_491, %cond3A_492 : i32
      scf.if %cond3A_493 {
        %add3A_1012 = arith.addi %mul3A_2, %add3A_481 : i32
        %mul3A_1013 = arith.constant 16 : i32
        %mul3A_1014 = arith.muli %div3A_485, %mul3A_1013 : i32
        %dma_wait3A_1015 = arith.constant 7 : i32
        %dma_wait3A_1016 = arith.constant 7 : i32
        %dma_wait3A_1017 = arith.constant 0 : i32
        %dma_wait3A_1018 = tpu.memref_slice %arg6[%dma_wait3A_1015, %dma_wait3A_1017] : memref<8x16xf32, #tpu.memory_space<vmem>> -> memref<1x16xf32, #tpu.memory_space<vmem>>
        %dma_wait3A_1019 = tpu.memref_squeeze %dma_wait3A_1018 : memref<1x16xf32, #tpu.memory_space<vmem>> -> memref<16xf32, #tpu.memory_space<vmem>>
        %dma_wait3A_1020 = arith.constant 0 : i32
        %dma_wait3A_1021 = tpu.memref_slice %arg4[%add3A_1012, %dma_wait3A_1020] : memref<4096x16384xf32, #tpu.memory_space<hbm>> -> memref<1x16384xf32, #tpu.memory_space<hbm>>
        %dma_wait3A_1022 = tpu.memref_squeeze %dma_wait3A_1021 : memref<1x16384xf32, #tpu.memory_space<hbm>> -> memref<16384xf32, #tpu.memory_space<hbm>>
        %dma_wait3A_1023 = tpu.memref_slice %dma_wait3A_1022[%mul3A_1014] : memref<16384xf32, #tpu.memory_space<hbm>> -> memref<16xf32, #tpu.memory_space<hbm>>
        %dma_wait3A_1024 = tpu.memref_slice %arg7[%dma_wait3A_1016] : memref<8x!tpu.dma_semaphore, #tpu.memory_space<semaphore_mem>> -> memref<1x!tpu.dma_semaphore, #tpu.memory_space<semaphore_mem>>
        %dma_wait3A_1025 = tpu.memref_squeeze %dma_wait3A_1024 : memref<1x!tpu.dma_semaphore, #tpu.memory_space<semaphore_mem>> -> memref<!tpu.dma_semaphore, #tpu.memory_space<semaphore_mem>>
        %dma_wait3A_1026 = arith.constant 0 : i32
        %dma_wait3A_1027 = tpu.memref_slice %arg4[%add3A_1012, %dma_wait3A_1026] : memref<4096x16384xf32, #tpu.memory_space<hbm>> -> memref<1x16384xf32, #tpu.memory_space<hbm>>
        %dma_wait3A_1028 = tpu.memref_squeeze %dma_wait3A_1027 : memref<1x16384xf32, #tpu.memory_space<hbm>> -> memref<16384xf32, #tpu.memory_space<hbm>>
        %dma_wait3A_1029 = tpu.memref_slice %dma_wait3A_1028[%mul3A_1014] : memref<16384xf32, #tpu.memory_space<hbm>> -> memref<16xf32, #tpu.memory_space<hbm>>
        %dma_wait3A_1030 = arith.constant 0 : i32
        %dma_wait3A_1031 = tpu.memref_slice %arg6[%dma_wait3A_1015, %dma_wait3A_1030] : memref<8x16xf32, #tpu.memory_space<vmem>> -> memref<1x16xf32, #tpu.memory_space<vmem>>
        %dma_wait3A_1032 = tpu.memref_squeeze %dma_wait3A_1031 : memref<1x16xf32, #tpu.memory_space<vmem>> -> memref<16xf32, #tpu.memory_space<vmem>>
        tpu.wait_dma2 semaphore(%dma_wait3A_1025 : memref<!tpu.dma_semaphore, #tpu.memory_space<semaphore_mem>>) src(%dma_wait3A_1032 : memref<16xf32, #tpu.memory_space<vmem>>) dst(%dma_wait3A_1029 : memref<16xf32, #tpu.memory_space<hbm>>)
      } else {
      }
      %eq3A_494 = vector.broadcast %sub3A_488 : i32 to vector<16xi32>
      %eq3A_495 = arith.cmpi eq, %iota3A, %eq3A_494 : vector<16xi32>
      %convert_element_type3A_496 = arith.extui %eq3A_495 : vector<16xi1> to vector<16xi32>
      %convert_element_type3A_497 = arith.sitofp %convert_element_type3A_496 : vector<16xi32> to vector<16xf32>
      %swap3A_498 = arith.constant 7 : i32
      %swap3A_499 = arith.index_cast %swap3A_498 : i32 to index
      %swap3A_500 = arith.constant 0 : index
      %swap3A_501 = tpu.vector_load %arg6[%swap3A_499, %swap3A_500] {strides = array<i32>} : memref<8x16xf32, #tpu.memory_space<vmem>>, vector<16xf32>,
      tpu.vector_store %arg6[%swap3A_499, %swap3A_500], %convert_element_type3A_497 {strides = array<i32>} : memref<8x16xf32, #tpu.memory_space<vmem>>, vector<16xf32>,
      %add3A_502 = arith.addi %mul3A_2, %add3A_481 : i32
      %mul3A_503 = arith.constant 16 : i32
      %mul3A_504 = arith.muli %div3A_485, %mul3A_503 : i32
      %dma_start3A_505 = arith.constant 7 : i32
      %dma_start3A_506 = arith.constant 7 : i32
      %dma_start3A_507 = arith.constant 0 : i32
      %dma_start3A_508 = tpu.memref_slice %arg6[%dma_start3A_505, %dma_start3A_507] : memref<8x16xf32, #tpu.memory_space<vmem>> -> memref<1x16xf32, #tpu.memory_space<vmem>>
      %dma_start3A_509 = tpu.memref_squeeze %dma_start3A_508 : memref<1x16xf32, #tpu.memory_space<vmem>> -> memref<16xf32, #tpu.memory_space<vmem>>
      %dma_start3A_510 = arith.constant 0 : i32
      %dma_start3A_511 = tpu.memref_slice %arg4[%add3A_502, %dma_start3A_510] : memref<4096x16384xf32, #tpu.memory_space<hbm>> -> memref<1x16384xf32, #tpu.memory_space<hbm>>
      %dma_start3A_512 = tpu.memref_squeeze %dma_start3A_511 : memref<1x16384xf32, #tpu.memory_space<hbm>> -> memref<16384xf32, #tpu.memory_space<hbm>>
      %dma_start3A_513 = tpu.memref_slice %dma_start3A_512[%mul3A_504] : memref<16384xf32, #tpu.memory_space<hbm>> -> memref<16xf32, #tpu.memory_space<hbm>>
      %dma_start3A_514 = tpu.memref_slice %arg7[%dma_start3A_506] : memref<8x!tpu.dma_semaphore, #tpu.memory_space<semaphore_mem>> -> memref<1x!tpu.dma_semaphore, #tpu.memory_space<semaphore_mem>>
      %dma_start3A_515 = tpu.memref_squeeze %dma_start3A_514 : memref<1x!tpu.dma_semaphore, #tpu.memory_space<semaphore_mem>> -> memref<!tpu.dma_semaphore, #tpu.memory_space<semaphore_mem>>
      %dma_start3A_516 = arith.constant 0 : i32
      %dma_start3A_517 = tpu.memref_slice %arg4[%add3A_502, %dma_start3A_516] : memref<4096x16384xf32, #tpu.memory_space<hbm>> -> memref<1x16384xf32, #tpu.memory_space<hbm>>
      %dma_start3A_518 = tpu.memref_squeeze %dma_start3A_517 : memref<1x16384xf32, #tpu.memory_space<hbm>> -> memref<16384xf32, #tpu.memory_space<hbm>>
      %dma_start3A_519 = tpu.memref_slice %dma_start3A_518[%mul3A_504] : memref<16384xf32, #tpu.memory_space<hbm>> -> memref<16xf32, #tpu.memory_space<hbm>>
      %dma_start3A_520 = arith.constant 0 : i32
      %dma_start3A_521 = tpu.memref_slice %arg6[%dma_start3A_505, %dma_start3A_520] : memref<8x16xf32, #tpu.memory_space<vmem>> -> memref<1x16xf32, #tpu.memory_space<vmem>>
      %dma_start3A_522 = tpu.memref_squeeze %dma_start3A_521 : memref<1x16xf32, #tpu.memory_space<vmem>> -> memref<16xf32, #tpu.memory_space<vmem>>
      tpu.enqueue_dma source(%dma_start3A_522 : memref<16xf32, #tpu.memory_space<vmem>>) target(%dma_start3A_519 : memref<16xf32, #tpu.memory_space<hbm>>) target_semaphore(%dma_start3A_515 : memref<!tpu.dma_semaphore, #tpu.memory_space<semaphore_mem>>)
      %mul3A_523 = arith.constant 16 : i32
      %mul3A_524 = arith.muli %scan3A_168, %mul3A_523 : i32
      %add3A_525 = arith.constant 8 : i32
      %add3A_526 = arith.addi %mul3A_524, %add3A_525 : i32
      %slice3A_527 = vector.extract_strided_slice %get3A_172 {offsets = [8], sizes = [1], strides = [1]} : vector<16xi32> to vector<1xi32>
      %squeeze3A_528 = vector.extract %slice3A_527[0] : i32 from vector<1xi32>
      %div3A_529 = arith.constant 16 : i32
      %div3A_530 = arith.divsi %squeeze3A_528, %div3A_529 : i32
      %mul3A_531 = arith.constant 16 : i32
      %mul3A_532 = arith.muli %div3A_530, %mul3A_531 : i32
      %sub3A_533 = arith.subi %squeeze3A_528, %mul3A_532 : i32
      %add3A_534 = arith.addi %mul3A_2, %add3A_526 : i32
      %mul3A_535 = arith.constant 16 : i32
      %mul3A_536 = arith.muli %div3A_530, %mul3A_535 : i32
      %dma_wait3A_537 = arith.constant 0 : i32
      %dma_wait3A_538 = arith.constant 0 : i32
      %dma_wait3A_539 = arith.constant 0 : i32
      %dma_wait3A_540 = tpu.memref_slice %arg6[%dma_wait3A_537, %dma_wait3A_539] : memref<8x16xf32, #tpu.memory_space<vmem>> -> memref<1x16xf32, #tpu.memory_space<vmem>>
      %dma_wait3A_541 = tpu.memref_squeeze %dma_wait3A_540 : memref<1x16xf32, #tpu.memory_space<vmem>> -> memref<16xf32, #tpu.memory_space<vmem>>
      %dma_wait3A_542 = arith.constant 0 : i32
      %dma_wait3A_543 = tpu.memref_slice %arg4[%add3A_534, %dma_wait3A_542] : memref<4096x16384xf32, #tpu.memory_space<hbm>> -> memref<1x16384xf32, #tpu.memory_space<hbm>>
      %dma_wait3A_544 = tpu.memref_squeeze %dma_wait3A_543 : memref<1x16384xf32, #tpu.memory_space<hbm>> -> memref<16384xf32, #tpu.memory_space<hbm>>
      %dma_wait3A_545 = tpu.memref_slice %dma_wait3A_544[%mul3A_536] : memref<16384xf32, #tpu.memory_space<hbm>> -> memref<16xf32, #tpu.memory_space<hbm>>
      %dma_wait3A_546 = tpu.memref_slice %arg7[%dma_wait3A_538] : memref<8x!tpu.dma_semaphore, #tpu.memory_space<semaphore_mem>> -> memref<1x!tpu.dma_semaphore, #tpu.memory_space<semaphore_mem>>
      %dma_wait3A_547 = tpu.memref_squeeze %dma_wait3A_546 : memref<1x!tpu.dma_semaphore, #tpu.memory_space<semaphore_mem>> -> memref<!tpu.dma_semaphore, #tpu.memory_space<semaphore_mem>>
      %dma_wait3A_548 = arith.constant 0 : i32
      %dma_wait3A_549 = tpu.memref_slice %arg4[%add3A_534, %dma_wait3A_548] : memref<4096x16384xf32, #tpu.memory_space<hbm>> -> memref<1x16384xf32, #tpu.memory_space<hbm>>
      %dma_wait3A_550 = tpu.memref_squeeze %dma_wait3A_549 : memref<1x16384xf32, #tpu.memory_space<hbm>> -> memref<16384xf32, #tpu.memory_space<hbm>>
      %dma_wait3A_551 = tpu.memref_slice %dma_wait3A_550[%mul3A_536] : memref<16384xf32, #tpu.memory_space<hbm>> -> memref<16xf32, #tpu.memory_space<hbm>>
      %dma_wait3A_552 = arith.constant 0 : i32
      %dma_wait3A_553 = tpu.memref_slice %arg6[%dma_wait3A_537, %dma_wait3A_552] : memref<8x16xf32, #tpu.memory_space<vmem>> -> memref<1x16xf32, #tpu.memory_space<vmem>>
      %dma_wait3A_554 = tpu.memref_squeeze %dma_wait3A_553 : memref<1x16xf32, #tpu.memory_space<vmem>> -> memref<16xf32, #tpu.memory_space<vmem>>
      tpu.wait_dma2 semaphore(%dma_wait3A_547 : memref<!tpu.dma_semaphore, #tpu.memory_space<semaphore_mem>>) src(%dma_wait3A_554 : memref<16xf32, #tpu.memory_space<vmem>>) dst(%dma_wait3A_551 : memref<16xf32, #tpu.memory_space<hbm>>)
      %eq3A_555 = vector.broadcast %sub3A_533 : i32 to vector<16xi32>
      %eq3A_556 = arith.cmpi eq, %iota3A, %eq3A_555 : vector<16xi32>
      %convert_element_type3A_557 = arith.extui %eq3A_556 : vector<16xi1> to vector<16xi32>
      %convert_element_type3A_558 = arith.sitofp %convert_element_type3A_557 : vector<16xi32> to vector<16xf32>
      %swap3A_559 = arith.constant 0 : i32
      %swap3A_560 = arith.index_cast %swap3A_559 : i32 to index
      %swap3A_561 = arith.constant 0 : index
      %swap3A_562 = tpu.vector_load %arg6[%swap3A_560, %swap3A_561] {strides = array<i32>} : memref<8x16xf32, #tpu.memory_space<vmem>>, vector<16xf32>,
      tpu.vector_store %arg6[%swap3A_560, %swap3A_561], %convert_element_type3A_558 {strides = array<i32>} : memref<8x16xf32, #tpu.memory_space<vmem>>, vector<16xf32>,
      %add3A_563 = arith.addi %mul3A_2, %add3A_526 : i32
      %mul3A_564 = arith.constant 16 : i32
      %mul3A_565 = arith.muli %div3A_530, %mul3A_564 : i32
      %dma_start3A_566 = arith.constant 0 : i32
      %dma_start3A_567 = arith.constant 0 : i32
      %dma_start3A_568 = arith.constant 0 : i32
      %dma_start3A_569 = tpu.memref_slice %arg6[%dma_start3A_566, %dma_start3A_568] : memref<8x16xf32, #tpu.memory_space<vmem>> -> memref<1x16xf32, #tpu.memory_space<vmem>>
      %dma_start3A_570 = tpu.memref_squeeze %dma_start3A_569 : memref<1x16xf32, #tpu.memory_space<vmem>> -> memref<16xf32, #tpu.memory_space<vmem>>
      %dma_start3A_571 = arith.constant 0 : i32
      %dma_start3A_572 = tpu.memref_slice %arg4[%add3A_563, %dma_start3A_571] : memref<4096x16384xf32, #tpu.memory_space<hbm>> -> memref<1x16384xf32, #tpu.memory_space<hbm>>
      %dma_start3A_573 = tpu.memref_squeeze %dma_start3A_572 : memref<1x16384xf32, #tpu.memory_space<hbm>> -> memref<16384xf32, #tpu.memory_space<hbm>>
      %dma_start3A_574 = tpu.memref_slice %dma_start3A_573[%mul3A_565] : memref<16384xf32, #tpu.memory_space<hbm>> -> memref<16xf32, #tpu.memory_space<hbm>>
      %dma_start3A_575 = tpu.memref_slice %arg7[%dma_start3A_567] : memref<8x!tpu.dma_semaphore, #tpu.memory_space<semaphore_mem>> -> memref<1x!tpu.dma_semaphore, #tpu.memory_space<semaphore_mem>>
      %dma_start3A_576 = tpu.memref_squeeze %dma_start3A_575 : memref<1x!tpu.dma_semaphore, #tpu.memory_space<semaphore_mem>> -> memref<!tpu.dma_semaphore, #tpu.memory_space<semaphore_mem>>
      %dma_start3A_577 = arith.constant 0 : i32
      %dma_start3A_578 = tpu.memref_slice %arg4[%add3A_563, %dma_start3A_577] : memref<4096x16384xf32, #tpu.memory_space<hbm>> -> memref<1x16384xf32, #tpu.memory_space<hbm>>
      %dma_start3A_579 = tpu.memref_squeeze %dma_start3A_578 : memref<1x16384xf32, #tpu.memory_space<hbm>> -> memref<16384xf32, #tpu.memory_space<hbm>>
      %dma_start3A_580 = tpu.memref_slice %dma_start3A_579[%mul3A_565] : memref<16384xf32, #tpu.memory_space<hbm>> -> memref<16xf32, #tpu.memory_space<hbm>>
      %dma_start3A_581 = arith.constant 0 : i32
      %dma_start3A_582 = tpu.memref_slice %arg6[%dma_start3A_566, %dma_start3A_581] : memref<8x16xf32, #tpu.memory_space<vmem>> -> memref<1x16xf32, #tpu.memory_space<vmem>>
      %dma_start3A_583 = tpu.memref_squeeze %dma_start3A_582 : memref<1x16xf32, #tpu.memory_space<vmem>> -> memref<16xf32, #tpu.memory_space<vmem>>
      tpu.enqueue_dma source(%dma_start3A_583 : memref<16xf32, #tpu.memory_space<vmem>>) target(%dma_start3A_580 : memref<16xf32, #tpu.memory_space<hbm>>) target_semaphore(%dma_start3A_576 : memref<!tpu.dma_semaphore, #tpu.memory_space<semaphore_mem>>)
      %mul3A_584 = arith.constant 16 : i32
      %mul3A_585 = arith.muli %scan3A_168, %mul3A_584 : i32
      %add3A_586 = arith.constant 9 : i32
      %add3A_587 = arith.addi %mul3A_585, %add3A_586 : i32
      %slice3A_588 = vector.extract_strided_slice %get3A_172 {offsets = [9], sizes = [1], strides = [1]} : vector<16xi32> to vector<1xi32>
      %squeeze3A_589 = vector.extract %slice3A_588[0] : i32 from vector<1xi32>
      %div3A_590 = arith.constant 16 : i32
      %div3A_591 = arith.divsi %squeeze3A_589, %div3A_590 : i32
      %mul3A_592 = arith.constant 16 : i32
      %mul3A_593 = arith.muli %div3A_591, %mul3A_592 : i32
      %sub3A_594 = arith.subi %squeeze3A_589, %mul3A_593 : i32
      %add3A_595 = arith.addi %mul3A_2, %add3A_587 : i32
      %mul3A_596 = arith.constant 16 : i32
      %mul3A_597 = arith.muli %div3A_591, %mul3A_596 : i32
      %dma_wait3A_598 = arith.constant 1 : i32
      %dma_wait3A_599 = arith.constant 1 : i32
      %dma_wait3A_600 = arith.constant 0 : i32
      %dma_wait3A_601 = tpu.memref_slice %arg6[%dma_wait3A_598, %dma_wait3A_600] : memref<8x16xf32, #tpu.memory_space<vmem>> -> memref<1x16xf32, #tpu.memory_space<vmem>>
      %dma_wait3A_602 = tpu.memref_squeeze %dma_wait3A_601 : memref<1x16xf32, #tpu.memory_space<vmem>> -> memref<16xf32, #tpu.memory_space<vmem>>
      %dma_wait3A_603 = arith.constant 0 : i32
      %dma_wait3A_604 = tpu.memref_slice %arg4[%add3A_595, %dma_wait3A_603] : memref<4096x16384xf32, #tpu.memory_space<hbm>> -> memref<1x16384xf32, #tpu.memory_space<hbm>>
      %dma_wait3A_605 = tpu.memref_squeeze %dma_wait3A_604 : memref<1x16384xf32, #tpu.memory_space<hbm>> -> memref<16384xf32, #tpu.memory_space<hbm>>
      %dma_wait3A_606 = tpu.memref_slice %dma_wait3A_605[%mul3A_597] : memref<16384xf32, #tpu.memory_space<hbm>> -> memref<16xf32, #tpu.memory_space<hbm>>
      %dma_wait3A_607 = tpu.memref_slice %arg7[%dma_wait3A_599] : memref<8x!tpu.dma_semaphore, #tpu.memory_space<semaphore_mem>> -> memref<1x!tpu.dma_semaphore, #tpu.memory_space<semaphore_mem>>
      %dma_wait3A_608 = tpu.memref_squeeze %dma_wait3A_607 : memref<1x!tpu.dma_semaphore, #tpu.memory_space<semaphore_mem>> -> memref<!tpu.dma_semaphore, #tpu.memory_space<semaphore_mem>>
      %dma_wait3A_609 = arith.constant 0 : i32
      %dma_wait3A_610 = tpu.memref_slice %arg4[%add3A_595, %dma_wait3A_609] : memref<4096x16384xf32, #tpu.memory_space<hbm>> -> memref<1x16384xf32, #tpu.memory_space<hbm>>
      %dma_wait3A_611 = tpu.memref_squeeze %dma_wait3A_610 : memref<1x16384xf32, #tpu.memory_space<hbm>> -> memref<16384xf32, #tpu.memory_space<hbm>>
      %dma_wait3A_612 = tpu.memref_slice %dma_wait3A_611[%mul3A_597] : memref<16384xf32, #tpu.memory_space<hbm>> -> memref<16xf32, #tpu.memory_space<hbm>>
      %dma_wait3A_613 = arith.constant 0 : i32
      %dma_wait3A_614 = tpu.memref_slice %arg6[%dma_wait3A_598, %dma_wait3A_613] : memref<8x16xf32, #tpu.memory_space<vmem>> -> memref<1x16xf32, #tpu.memory_space<vmem>>
      %dma_wait3A_615 = tpu.memref_squeeze %dma_wait3A_614 : memref<1x16xf32, #tpu.memory_space<vmem>> -> memref<16xf32, #tpu.memory_space<vmem>>
      tpu.wait_dma2 semaphore(%dma_wait3A_608 : memref<!tpu.dma_semaphore, #tpu.memory_space<semaphore_mem>>) src(%dma_wait3A_615 : memref<16xf32, #tpu.memory_space<vmem>>) dst(%dma_wait3A_612 : memref<16xf32, #tpu.memory_space<hbm>>)
      %eq3A_616 = vector.broadcast %sub3A_594 : i32 to vector<16xi32>
      %eq3A_617 = arith.cmpi eq, %iota3A, %eq3A_616 : vector<16xi32>
      %convert_element_type3A_618 = arith.extui %eq3A_617 : vector<16xi1> to vector<16xi32>
      %convert_element_type3A_619 = arith.sitofp %convert_element_type3A_618 : vector<16xi32> to vector<16xf32>
      %swap3A_620 = arith.constant 1 : i32
      %swap3A_621 = arith.index_cast %swap3A_620 : i32 to index
      %swap3A_622 = arith.constant 0 : index
      %swap3A_623 = tpu.vector_load %arg6[%swap3A_621, %swap3A_622] {strides = array<i32>} : memref<8x16xf32, #tpu.memory_space<vmem>>, vector<16xf32>,
      tpu.vector_store %arg6[%swap3A_621, %swap3A_622], %convert_element_type3A_619 {strides = array<i32>} : memref<8x16xf32, #tpu.memory_space<vmem>>, vector<16xf32>,
      %add3A_624 = arith.addi %mul3A_2, %add3A_587 : i32
      %mul3A_625 = arith.constant 16 : i32
      %mul3A_626 = arith.muli %div3A_591, %mul3A_625 : i32
      %dma_start3A_627 = arith.constant 1 : i32
      %dma_start3A_628 = arith.constant 1 : i32
      %dma_start3A_629 = arith.constant 0 : i32
      %dma_start3A_630 = tpu.memref_slice %arg6[%dma_start3A_627, %dma_start3A_629] : memref<8x16xf32, #tpu.memory_space<vmem>> -> memref<1x16xf32, #tpu.memory_space<vmem>>
      %dma_start3A_631 = tpu.memref_squeeze %dma_start3A_630 : memref<1x16xf32, #tpu.memory_space<vmem>> -> memref<16xf32, #tpu.memory_space<vmem>>
      %dma_start3A_632 = arith.constant 0 : i32
      %dma_start3A_633 = tpu.memref_slice %arg4[%add3A_624, %dma_start3A_632] : memref<4096x16384xf32, #tpu.memory_space<hbm>> -> memref<1x16384xf32, #tpu.memory_space<hbm>>
      %dma_start3A_634 = tpu.memref_squeeze %dma_start3A_633 : memref<1x16384xf32, #tpu.memory_space<hbm>> -> memref<16384xf32, #tpu.memory_space<hbm>>
      %dma_start3A_635 = tpu.memref_slice %dma_start3A_634[%mul3A_626] : memref<16384xf32, #tpu.memory_space<hbm>> -> memref<16xf32, #tpu.memory_space<hbm>>
      %dma_start3A_636 = tpu.memref_slice %arg7[%dma_start3A_628] : memref<8x!tpu.dma_semaphore, #tpu.memory_space<semaphore_mem>> -> memref<1x!tpu.dma_semaphore, #tpu.memory_space<semaphore_mem>>
      %dma_start3A_637 = tpu.memref_squeeze %dma_start3A_636 : memref<1x!tpu.dma_semaphore, #tpu.memory_space<semaphore_mem>> -> memref<!tpu.dma_semaphore, #tpu.memory_space<semaphore_mem>>
      %dma_start3A_638 = arith.constant 0 : i32
      %dma_start3A_639 = tpu.memref_slice %arg4[%add3A_624, %dma_start3A_638] : memref<4096x16384xf32, #tpu.memory_space<hbm>> -> memref<1x16384xf32, #tpu.memory_space<hbm>>
      %dma_start3A_640 = tpu.memref_squeeze %dma_start3A_639 : memref<1x16384xf32, #tpu.memory_space<hbm>> -> memref<16384xf32, #tpu.memory_space<hbm>>
      %dma_start3A_641 = tpu.memref_slice %dma_start3A_640[%mul3A_626] : memref<16384xf32, #tpu.memory_space<hbm>> -> memref<16xf32, #tpu.memory_space<hbm>>
      %dma_start3A_642 = arith.constant 0 : i32
      %dma_start3A_643 = tpu.memref_slice %arg6[%dma_start3A_627, %dma_start3A_642] : memref<8x16xf32, #tpu.memory_space<vmem>> -> memref<1x16xf32, #tpu.memory_space<vmem>>
      %dma_start3A_644 = tpu.memref_squeeze %dma_start3A_643 : memref<1x16xf32, #tpu.memory_space<vmem>> -> memref<16xf32, #tpu.memory_space<vmem>>
      tpu.enqueue_dma source(%dma_start3A_644 : memref<16xf32, #tpu.memory_space<vmem>>) target(%dma_start3A_641 : memref<16xf32, #tpu.memory_space<hbm>>) target_semaphore(%dma_start3A_637 : memref<!tpu.dma_semaphore, #tpu.memory_space<semaphore_mem>>)
      %mul3A_645 = arith.constant 16 : i32
      %mul3A_646 = arith.muli %scan3A_168, %mul3A_645 : i32
      %add3A_647 = arith.constant 10 : i32
      %add3A_648 = arith.addi %mul3A_646, %add3A_647 : i32
      %slice3A_649 = vector.extract_strided_slice %get3A_172 {offsets = [10], sizes = [1], strides = [1]} : vector<16xi32> to vector<1xi32>
      %squeeze3A_650 = vector.extract %slice3A_649[0] : i32 from vector<1xi32>
      %div3A_651 = arith.constant 16 : i32
      %div3A_652 = arith.divsi %squeeze3A_650, %div3A_651 : i32
      %mul3A_653 = arith.constant 16 : i32
      %mul3A_654 = arith.muli %div3A_652, %mul3A_653 : i32
      %sub3A_655 = arith.subi %squeeze3A_650, %mul3A_654 : i32
      %add3A_656 = arith.addi %mul3A_2, %add3A_648 : i32
      %mul3A_657 = arith.constant 16 : i32
      %mul3A_658 = arith.muli %div3A_652, %mul3A_657 : i32
      %dma_wait3A_659 = arith.constant 2 : i32
      %dma_wait3A_660 = arith.constant 2 : i32
      %dma_wait3A_661 = arith.constant 0 : i32
      %dma_wait3A_662 = tpu.memref_slice %arg6[%dma_wait3A_659, %dma_wait3A_661] : memref<8x16xf32, #tpu.memory_space<vmem>> -> memref<1x16xf32, #tpu.memory_space<vmem>>
      %dma_wait3A_663 = tpu.memref_squeeze %dma_wait3A_662 : memref<1x16xf32, #tpu.memory_space<vmem>> -> memref<16xf32, #tpu.memory_space<vmem>>
      %dma_wait3A_664 = arith.constant 0 : i32
      %dma_wait3A_665 = tpu.memref_slice %arg4[%add3A_656, %dma_wait3A_664] : memref<4096x16384xf32, #tpu.memory_space<hbm>> -> memref<1x16384xf32, #tpu.memory_space<hbm>>
      %dma_wait3A_666 = tpu.memref_squeeze %dma_wait3A_665 : memref<1x16384xf32, #tpu.memory_space<hbm>> -> memref<16384xf32, #tpu.memory_space<hbm>>
      %dma_wait3A_667 = tpu.memref_slice %dma_wait3A_666[%mul3A_658] : memref<16384xf32, #tpu.memory_space<hbm>> -> memref<16xf32, #tpu.memory_space<hbm>>
      %dma_wait3A_668 = tpu.memref_slice %arg7[%dma_wait3A_660] : memref<8x!tpu.dma_semaphore, #tpu.memory_space<semaphore_mem>> -> memref<1x!tpu.dma_semaphore, #tpu.memory_space<semaphore_mem>>
      %dma_wait3A_669 = tpu.memref_squeeze %dma_wait3A_668 : memref<1x!tpu.dma_semaphore, #tpu.memory_space<semaphore_mem>> -> memref<!tpu.dma_semaphore, #tpu.memory_space<semaphore_mem>>
      %dma_wait3A_670 = arith.constant 0 : i32
      %dma_wait3A_671 = tpu.memref_slice %arg4[%add3A_656, %dma_wait3A_670] : memref<4096x16384xf32, #tpu.memory_space<hbm>> -> memref<1x16384xf32, #tpu.memory_space<hbm>>
      %dma_wait3A_672 = tpu.memref_squeeze %dma_wait3A_671 : memref<1x16384xf32, #tpu.memory_space<hbm>> -> memref<16384xf32, #tpu.memory_space<hbm>>
      %dma_wait3A_673 = tpu.memref_slice %dma_wait3A_672[%mul3A_658] : memref<16384xf32, #tpu.memory_space<hbm>> -> memref<16xf32, #tpu.memory_space<hbm>>
      %dma_wait3A_674 = arith.constant 0 : i32
      %dma_wait3A_675 = tpu.memref_slice %arg6[%dma_wait3A_659, %dma_wait3A_674] : memref<8x16xf32, #tpu.memory_space<vmem>> -> memref<1x16xf32, #tpu.memory_space<vmem>>
      %dma_wait3A_676 = tpu.memref_squeeze %dma_wait3A_675 : memref<1x16xf32, #tpu.memory_space<vmem>> -> memref<16xf32, #tpu.memory_space<vmem>>
      tpu.wait_dma2 semaphore(%dma_wait3A_669 : memref<!tpu.dma_semaphore, #tpu.memory_space<semaphore_mem>>) src(%dma_wait3A_676 : memref<16xf32, #tpu.memory_space<vmem>>) dst(%dma_wait3A_673 : memref<16xf32, #tpu.memory_space<hbm>>)
      %eq3A_677 = vector.broadcast %sub3A_655 : i32 to vector<16xi32>
      %eq3A_678 = arith.cmpi eq, %iota3A, %eq3A_677 : vector<16xi32>
      %convert_element_type3A_679 = arith.extui %eq3A_678 : vector<16xi1> to vector<16xi32>
      %convert_element_type3A_680 = arith.sitofp %convert_element_type3A_679 : vector<16xi32> to vector<16xf32>
      %swap3A_681 = arith.constant 2 : i32
      %swap3A_682 = arith.index_cast %swap3A_681 : i32 to index
      %swap3A_683 = arith.constant 0 : index
      %swap3A_684 = tpu.vector_load %arg6[%swap3A_682, %swap3A_683] {strides = array<i32>} : memref<8x16xf32, #tpu.memory_space<vmem>>, vector<16xf32>,
      tpu.vector_store %arg6[%swap3A_682, %swap3A_683], %convert_element_type3A_680 {strides = array<i32>} : memref<8x16xf32, #tpu.memory_space<vmem>>, vector<16xf32>,
      %add3A_685 = arith.addi %mul3A_2, %add3A_648 : i32
      %mul3A_686 = arith.constant 16 : i32
      %mul3A_687 = arith.muli %div3A_652, %mul3A_686 : i32
      %dma_start3A_688 = arith.constant 2 : i32
      %dma_start3A_689 = arith.constant 2 : i32
      %dma_start3A_690 = arith.constant 0 : i32
      %dma_start3A_691 = tpu.memref_slice %arg6[%dma_start3A_688, %dma_start3A_690] : memref<8x16xf32, #tpu.memory_space<vmem>> -> memref<1x16xf32, #tpu.memory_space<vmem>>
      %dma_start3A_692 = tpu.memref_squeeze %dma_start3A_691 : memref<1x16xf32, #tpu.memory_space<vmem>> -> memref<16xf32, #tpu.memory_space<vmem>>
      %dma_start3A_693 = arith.constant 0 : i32
      %dma_start3A_694 = tpu.memref_slice %arg4[%add3A_685, %dma_start3A_693] : memref<4096x16384xf32, #tpu.memory_space<hbm>> -> memref<1x16384xf32, #tpu.memory_space<hbm>>
      %dma_start3A_695 = tpu.memref_squeeze %dma_start3A_694 : memref<1x16384xf32, #tpu.memory_space<hbm>> -> memref<16384xf32, #tpu.memory_space<hbm>>
      %dma_start3A_696 = tpu.memref_slice %dma_start3A_695[%mul3A_687] : memref<16384xf32, #tpu.memory_space<hbm>> -> memref<16xf32, #tpu.memory_space<hbm>>
      %dma_start3A_697 = tpu.memref_slice %arg7[%dma_start3A_689] : memref<8x!tpu.dma_semaphore, #tpu.memory_space<semaphore_mem>> -> memref<1x!tpu.dma_semaphore, #tpu.memory_space<semaphore_mem>>
      %dma_start3A_698 = tpu.memref_squeeze %dma_start3A_697 : memref<1x!tpu.dma_semaphore, #tpu.memory_space<semaphore_mem>> -> memref<!tpu.dma_semaphore, #tpu.memory_space<semaphore_mem>>
      %dma_start3A_699 = arith.constant 0 : i32
      %dma_start3A_700 = tpu.memref_slice %arg4[%add3A_685, %dma_start3A_699] : memref<4096x16384xf32, #tpu.memory_space<hbm>> -> memref<1x16384xf32, #tpu.memory_space<hbm>>
      %dma_start3A_701 = tpu.memref_squeeze %dma_start3A_700 : memref<1x16384xf32, #tpu.memory_space<hbm>> -> memref<16384xf32, #tpu.memory_space<hbm>>
      %dma_start3A_702 = tpu.memref_slice %dma_start3A_701[%mul3A_687] : memref<16384xf32, #tpu.memory_space<hbm>> -> memref<16xf32, #tpu.memory_space<hbm>>
      %dma_start3A_703 = arith.constant 0 : i32
      %dma_start3A_704 = tpu.memref_slice %arg6[%dma_start3A_688, %dma_start3A_703] : memref<8x16xf32, #tpu.memory_space<vmem>> -> memref<1x16xf32, #tpu.memory_space<vmem>>
      %dma_start3A_705 = tpu.memref_squeeze %dma_start3A_704 : memref<1x16xf32, #tpu.memory_space<vmem>> -> memref<16xf32, #tpu.memory_space<vmem>>
      tpu.enqueue_dma source(%dma_start3A_705 : memref<16xf32, #tpu.memory_space<vmem>>) target(%dma_start3A_702 : memref<16xf32, #tpu.memory_space<hbm>>) target_semaphore(%dma_start3A_698 : memref<!tpu.dma_semaphore, #tpu.memory_space<semaphore_mem>>)
      %mul3A_706 = arith.constant 16 : i32
      %mul3A_707 = arith.muli %scan3A_168, %mul3A_706 : i32
      %add3A_708 = arith.constant 11 : i32
      %add3A_709 = arith.addi %mul3A_707, %add3A_708 : i32
      %slice3A_710 = vector.extract_strided_slice %get3A_172 {offsets = [11], sizes = [1], strides = [1]} : vector<16xi32> to vector<1xi32>
      %squeeze3A_711 = vector.extract %slice3A_710[0] : i32 from vector<1xi32>
      %div3A_712 = arith.constant 16 : i32
      %div3A_713 = arith.divsi %squeeze3A_711, %div3A_712 : i32
      %mul3A_714 = arith.constant 16 : i32
      %mul3A_715 = arith.muli %div3A_713, %mul3A_714 : i32
      %sub3A_716 = arith.subi %squeeze3A_711, %mul3A_715 : i32
      %add3A_717 = arith.addi %mul3A_2, %add3A_709 : i32
      %mul3A_718 = arith.constant 16 : i32
      %mul3A_719 = arith.muli %div3A_713, %mul3A_718 : i32
      %dma_wait3A_720 = arith.constant 3 : i32
      %dma_wait3A_721 = arith.constant 3 : i32
      %dma_wait3A_722 = arith.constant 0 : i32
      %dma_wait3A_723 = tpu.memref_slice %arg6[%dma_wait3A_720, %dma_wait3A_722] : memref<8x16xf32, #tpu.memory_space<vmem>> -> memref<1x16xf32, #tpu.memory_space<vmem>>
      %dma_wait3A_724 = tpu.memref_squeeze %dma_wait3A_723 : memref<1x16xf32, #tpu.memory_space<vmem>> -> memref<16xf32, #tpu.memory_space<vmem>>
      %dma_wait3A_725 = arith.constant 0 : i32
      %dma_wait3A_726 = tpu.memref_slice %arg4[%add3A_717, %dma_wait3A_725] : memref<4096x16384xf32, #tpu.memory_space<hbm>> -> memref<1x16384xf32, #tpu.memory_space<hbm>>
      %dma_wait3A_727 = tpu.memref_squeeze %dma_wait3A_726 : memref<1x16384xf32, #tpu.memory_space<hbm>> -> memref<16384xf32, #tpu.memory_space<hbm>>
      %dma_wait3A_728 = tpu.memref_slice %dma_wait3A_727[%mul3A_719] : memref<16384xf32, #tpu.memory_space<hbm>> -> memref<16xf32, #tpu.memory_space<hbm>>
      %dma_wait3A_729 = tpu.memref_slice %arg7[%dma_wait3A_721] : memref<8x!tpu.dma_semaphore, #tpu.memory_space<semaphore_mem>> -> memref<1x!tpu.dma_semaphore, #tpu.memory_space<semaphore_mem>>
      %dma_wait3A_730 = tpu.memref_squeeze %dma_wait3A_729 : memref<1x!tpu.dma_semaphore, #tpu.memory_space<semaphore_mem>> -> memref<!tpu.dma_semaphore, #tpu.memory_space<semaphore_mem>>
      %dma_wait3A_731 = arith.constant 0 : i32
      %dma_wait3A_732 = tpu.memref_slice %arg4[%add3A_717, %dma_wait3A_731] : memref<4096x16384xf32, #tpu.memory_space<hbm>> -> memref<1x16384xf32, #tpu.memory_space<hbm>>
      %dma_wait3A_733 = tpu.memref_squeeze %dma_wait3A_732 : memref<1x16384xf32, #tpu.memory_space<hbm>> -> memref<16384xf32, #tpu.memory_space<hbm>>
      %dma_wait3A_734 = tpu.memref_slice %dma_wait3A_733[%mul3A_719] : memref<16384xf32, #tpu.memory_space<hbm>> -> memref<16xf32, #tpu.memory_space<hbm>>
      %dma_wait3A_735 = arith.constant 0 : i32
      %dma_wait3A_736 = tpu.memref_slice %arg6[%dma_wait3A_720, %dma_wait3A_735] : memref<8x16xf32, #tpu.memory_space<vmem>> -> memref<1x16xf32, #tpu.memory_space<vmem>>
      %dma_wait3A_737 = tpu.memref_squeeze %dma_wait3A_736 : memref<1x16xf32, #tpu.memory_space<vmem>> -> memref<16xf32, #tpu.memory_space<vmem>>
      tpu.wait_dma2 semaphore(%dma_wait3A_730 : memref<!tpu.dma_semaphore, #tpu.memory_space<semaphore_mem>>) src(%dma_wait3A_737 : memref<16xf32, #tpu.memory_space<vmem>>) dst(%dma_wait3A_734 : memref<16xf32, #tpu.memory_space<hbm>>)
      %eq3A_738 = vector.broadcast %sub3A_716 : i32 to vector<16xi32>
      %eq3A_739 = arith.cmpi eq, %iota3A, %eq3A_738 : vector<16xi32>
      %convert_element_type3A_740 = arith.extui %eq3A_739 : vector<16xi1> to vector<16xi32>
      %convert_element_type3A_741 = arith.sitofp %convert_element_type3A_740 : vector<16xi32> to vector<16xf32>
      %swap3A_742 = arith.constant 3 : i32
      %swap3A_743 = arith.index_cast %swap3A_742 : i32 to index
      %swap3A_744 = arith.constant 0 : index
      %swap3A_745 = tpu.vector_load %arg6[%swap3A_743, %swap3A_744] {strides = array<i32>} : memref<8x16xf32, #tpu.memory_space<vmem>>, vector<16xf32>,
      tpu.vector_store %arg6[%swap3A_743, %swap3A_744], %convert_element_type3A_741 {strides = array<i32>} : memref<8x16xf32, #tpu.memory_space<vmem>>, vector<16xf32>,
      %add3A_746 = arith.addi %mul3A_2, %add3A_709 : i32
      %mul3A_747 = arith.constant 16 : i32
      %mul3A_748 = arith.muli %div3A_713, %mul3A_747 : i32
      %dma_start3A_749 = arith.constant 3 : i32
      %dma_start3A_750 = arith.constant 3 : i32
      %dma_start3A_751 = arith.constant 0 : i32
      %dma_start3A_752 = tpu.memref_slice %arg6[%dma_start3A_749, %dma_start3A_751] : memref<8x16xf32, #tpu.memory_space<vmem>> -> memref<1x16xf32, #tpu.memory_space<vmem>>
      %dma_start3A_753 = tpu.memref_squeeze %dma_start3A_752 : memref<1x16xf32, #tpu.memory_space<vmem>> -> memref<16xf32, #tpu.memory_space<vmem>>
      %dma_start3A_754 = arith.constant 0 : i32
      %dma_start3A_755 = tpu.memref_slice %arg4[%add3A_746, %dma_start3A_754] : memref<4096x16384xf32, #tpu.memory_space<hbm>> -> memref<1x16384xf32, #tpu.memory_space<hbm>>
      %dma_start3A_756 = tpu.memref_squeeze %dma_start3A_755 : memref<1x16384xf32, #tpu.memory_space<hbm>> -> memref<16384xf32, #tpu.memory_space<hbm>>
      %dma_start3A_757 = tpu.memref_slice %dma_start3A_756[%mul3A_748] : memref<16384xf32, #tpu.memory_space<hbm>> -> memref<16xf32, #tpu.memory_space<hbm>>
      %dma_start3A_758 = tpu.memref_slice %arg7[%dma_start3A_750] : memref<8x!tpu.dma_semaphore, #tpu.memory_space<semaphore_mem>> -> memref<1x!tpu.dma_semaphore, #tpu.memory_space<semaphore_mem>>
      %dma_start3A_759 = tpu.memref_squeeze %dma_start3A_758 : memref<1x!tpu.dma_semaphore, #tpu.memory_space<semaphore_mem>> -> memref<!tpu.dma_semaphore, #tpu.memory_space<semaphore_mem>>
      %dma_start3A_760 = arith.constant 0 : i32
      %dma_start3A_761 = tpu.memref_slice %arg4[%add3A_746, %dma_start3A_760] : memref<4096x16384xf32, #tpu.memory_space<hbm>> -> memref<1x16384xf32, #tpu.memory_space<hbm>>
      %dma_start3A_762 = tpu.memref_squeeze %dma_start3A_761 : memref<1x16384xf32, #tpu.memory_space<hbm>> -> memref<16384xf32, #tpu.memory_space<hbm>>
      %dma_start3A_763 = tpu.memref_slice %dma_start3A_762[%mul3A_748] : memref<16384xf32, #tpu.memory_space<hbm>> -> memref<16xf32, #tpu.memory_space<hbm>>
      %dma_start3A_764 = arith.constant 0 : i32
      %dma_start3A_765 = tpu.memref_slice %arg6[%dma_start3A_749, %dma_start3A_764] : memref<8x16xf32, #tpu.memory_space<vmem>> -> memref<1x16xf32, #tpu.memory_space<vmem>>
      %dma_start3A_766 = tpu.memref_squeeze %dma_start3A_765 : memref<1x16xf32, #tpu.memory_space<vmem>> -> memref<16xf32, #tpu.memory_space<vmem>>
      tpu.enqueue_dma source(%dma_start3A_766 : memref<16xf32, #tpu.memory_space<vmem>>) target(%dma_start3A_763 : memref<16xf32, #tpu.memory_space<hbm>>) target_semaphore(%dma_start3A_759 : memref<!tpu.dma_semaphore, #tpu.memory_space<semaphore_mem>>)
      %mul3A_767 = arith.constant 16 : i32
      %mul3A_768 = arith.muli %scan3A_168, %mul3A_767 : i32
      %add3A_769 = arith.constant 12 : i32
      %add3A_770 = arith.addi %mul3A_768, %add3A_769 : i32
      %slice3A_771 = vector.extract_strided_slice %get3A_172 {offsets = [12], sizes = [1], strides = [1]} : vector<16xi32> to vector<1xi32>
      %squeeze3A_772 = vector.extract %slice3A_771[0] : i32 from vector<1xi32>
      %div3A_773 = arith.constant 16 : i32
      %div3A_774 = arith.divsi %squeeze3A_772, %div3A_773 : i32
      %mul3A_775 = arith.constant 16 : i32
      %mul3A_776 = arith.muli %div3A_774, %mul3A_775 : i32
      %sub3A_777 = arith.subi %squeeze3A_772, %mul3A_776 : i32
      %add3A_778 = arith.addi %mul3A_2, %add3A_770 : i32
      %mul3A_779 = arith.constant 16 : i32
      %mul3A_780 = arith.muli %div3A_774, %mul3A_779 : i32
      %dma_wait3A_781 = arith.constant 4 : i32
      %dma_wait3A_782 = arith.constant 4 : i32
      %dma_wait3A_783 = arith.constant 0 : i32
      %dma_wait3A_784 = tpu.memref_slice %arg6[%dma_wait3A_781, %dma_wait3A_783] : memref<8x16xf32, #tpu.memory_space<vmem>> -> memref<1x16xf32, #tpu.memory_space<vmem>>
      %dma_wait3A_785 = tpu.memref_squeeze %dma_wait3A_784 : memref<1x16xf32, #tpu.memory_space<vmem>> -> memref<16xf32, #tpu.memory_space<vmem>>
      %dma_wait3A_786 = arith.constant 0 : i32
      %dma_wait3A_787 = tpu.memref_slice %arg4[%add3A_778, %dma_wait3A_786] : memref<4096x16384xf32, #tpu.memory_space<hbm>> -> memref<1x16384xf32, #tpu.memory_space<hbm>>
      %dma_wait3A_788 = tpu.memref_squeeze %dma_wait3A_787 : memref<1x16384xf32, #tpu.memory_space<hbm>> -> memref<16384xf32, #tpu.memory_space<hbm>>
      %dma_wait3A_789 = tpu.memref_slice %dma_wait3A_788[%mul3A_780] : memref<16384xf32, #tpu.memory_space<hbm>> -> memref<16xf32, #tpu.memory_space<hbm>>
      %dma_wait3A_790 = tpu.memref_slice %arg7[%dma_wait3A_782] : memref<8x!tpu.dma_semaphore, #tpu.memory_space<semaphore_mem>> -> memref<1x!tpu.dma_semaphore, #tpu.memory_space<semaphore_mem>>
      %dma_wait3A_791 = tpu.memref_squeeze %dma_wait3A_790 : memref<1x!tpu.dma_semaphore, #tpu.memory_space<semaphore_mem>> -> memref<!tpu.dma_semaphore, #tpu.memory_space<semaphore_mem>>
      %dma_wait3A_792 = arith.constant 0 : i32
      %dma_wait3A_793 = tpu.memref_slice %arg4[%add3A_778, %dma_wait3A_792] : memref<4096x16384xf32, #tpu.memory_space<hbm>> -> memref<1x16384xf32, #tpu.memory_space<hbm>>
      %dma_wait3A_794 = tpu.memref_squeeze %dma_wait3A_793 : memref<1x16384xf32, #tpu.memory_space<hbm>> -> memref<16384xf32, #tpu.memory_space<hbm>>
      %dma_wait3A_795 = tpu.memref_slice %dma_wait3A_794[%mul3A_780] : memref<16384xf32, #tpu.memory_space<hbm>> -> memref<16xf32, #tpu.memory_space<hbm>>
      %dma_wait3A_796 = arith.constant 0 : i32
      %dma_wait3A_797 = tpu.memref_slice %arg6[%dma_wait3A_781, %dma_wait3A_796] : memref<8x16xf32, #tpu.memory_space<vmem>> -> memref<1x16xf32, #tpu.memory_space<vmem>>
      %dma_wait3A_798 = tpu.memref_squeeze %dma_wait3A_797 : memref<1x16xf32, #tpu.memory_space<vmem>> -> memref<16xf32, #tpu.memory_space<vmem>>
      tpu.wait_dma2 semaphore(%dma_wait3A_791 : memref<!tpu.dma_semaphore, #tpu.memory_space<semaphore_mem>>) src(%dma_wait3A_798 : memref<16xf32, #tpu.memory_space<vmem>>) dst(%dma_wait3A_795 : memref<16xf32, #tpu.memory_space<hbm>>)
      %eq3A_799 = vector.broadcast %sub3A_777 : i32 to vector<16xi32>
      %eq3A_800 = arith.cmpi eq, %iota3A, %eq3A_799 : vector<16xi32>
      %convert_element_type3A_801 = arith.extui %eq3A_800 : vector<16xi1> to vector<16xi32>
      %convert_element_type3A_802 = arith.sitofp %convert_element_type3A_801 : vector<16xi32> to vector<16xf32>
      %swap3A_803 = arith.constant 4 : i32
      %swap3A_804 = arith.index_cast %swap3A_803 : i32 to index
      %swap3A_805 = arith.constant 0 : index
      %swap3A_806 = tpu.vector_load %arg6[%swap3A_804, %swap3A_805] {strides = array<i32>} : memref<8x16xf32, #tpu.memory_space<vmem>>, vector<16xf32>,
      tpu.vector_store %arg6[%swap3A_804, %swap3A_805], %convert_element_type3A_802 {strides = array<i32>} : memref<8x16xf32, #tpu.memory_space<vmem>>, vector<16xf32>,
      %add3A_807 = arith.addi %mul3A_2, %add3A_770 : i32
      %mul3A_808 = arith.constant 16 : i32
      %mul3A_809 = arith.muli %div3A_774, %mul3A_808 : i32
      %dma_start3A_810 = arith.constant 4 : i32
      %dma_start3A_811 = arith.constant 4 : i32
      %dma_start3A_812 = arith.constant 0 : i32
      %dma_start3A_813 = tpu.memref_slice %arg6[%dma_start3A_810, %dma_start3A_812] : memref<8x16xf32, #tpu.memory_space<vmem>> -> memref<1x16xf32, #tpu.memory_space<vmem>>
      %dma_start3A_814 = tpu.memref_squeeze %dma_start3A_813 : memref<1x16xf32, #tpu.memory_space<vmem>> -> memref<16xf32, #tpu.memory_space<vmem>>
      %dma_start3A_815 = arith.constant 0 : i32
      %dma_start3A_816 = tpu.memref_slice %arg4[%add3A_807, %dma_start3A_815] : memref<4096x16384xf32, #tpu.memory_space<hbm>> -> memref<1x16384xf32, #tpu.memory_space<hbm>>
      %dma_start3A_817 = tpu.memref_squeeze %dma_start3A_816 : memref<1x16384xf32, #tpu.memory_space<hbm>> -> memref<16384xf32, #tpu.memory_space<hbm>>
      %dma_start3A_818 = tpu.memref_slice %dma_start3A_817[%mul3A_809] : memref<16384xf32, #tpu.memory_space<hbm>> -> memref<16xf32, #tpu.memory_space<hbm>>
      %dma_start3A_819 = tpu.memref_slice %arg7[%dma_start3A_811] : memref<8x!tpu.dma_semaphore, #tpu.memory_space<semaphore_mem>> -> memref<1x!tpu.dma_semaphore, #tpu.memory_space<semaphore_mem>>
      %dma_start3A_820 = tpu.memref_squeeze %dma_start3A_819 : memref<1x!tpu.dma_semaphore, #tpu.memory_space<semaphore_mem>> -> memref<!tpu.dma_semaphore, #tpu.memory_space<semaphore_mem>>
      %dma_start3A_821 = arith.constant 0 : i32
      %dma_start3A_822 = tpu.memref_slice %arg4[%add3A_807, %dma_start3A_821] : memref<4096x16384xf32, #tpu.memory_space<hbm>> -> memref<1x16384xf32, #tpu.memory_space<hbm>>
      %dma_start3A_823 = tpu.memref_squeeze %dma_start3A_822 : memref<1x16384xf32, #tpu.memory_space<hbm>> -> memref<16384xf32, #tpu.memory_space<hbm>>
      %dma_start3A_824 = tpu.memref_slice %dma_start3A_823[%mul3A_809] : memref<16384xf32, #tpu.memory_space<hbm>> -> memref<16xf32, #tpu.memory_space<hbm>>
      %dma_start3A_825 = arith.constant 0 : i32
      %dma_start3A_826 = tpu.memref_slice %arg6[%dma_start3A_810, %dma_start3A_825] : memref<8x16xf32, #tpu.memory_space<vmem>> -> memref<1x16xf32, #tpu.memory_space<vmem>>
      %dma_start3A_827 = tpu.memref_squeeze %dma_start3A_826 : memref<1x16xf32, #tpu.memory_space<vmem>> -> memref<16xf32, #tpu.memory_space<vmem>>
      tpu.enqueue_dma source(%dma_start3A_827 : memref<16xf32, #tpu.memory_space<vmem>>) target(%dma_start3A_824 : memref<16xf32, #tpu.memory_space<hbm>>) target_semaphore(%dma_start3A_820 : memref<!tpu.dma_semaphore, #tpu.memory_space<semaphore_mem>>)
      %mul3A_828 = arith.constant 16 : i32
      %mul3A_829 = arith.muli %scan3A_168, %mul3A_828 : i32
      %add3A_830 = arith.constant 13 : i32
      %add3A_831 = arith.addi %mul3A_829, %add3A_830 : i32
      %slice3A_832 = vector.extract_strided_slice %get3A_172 {offsets = [13], sizes = [1], strides = [1]} : vector<16xi32> to vector<1xi32>
      %squeeze3A_833 = vector.extract %slice3A_832[0] : i32 from vector<1xi32>
      %div3A_834 = arith.constant 16 : i32
      %div3A_835 = arith.divsi %squeeze3A_833, %div3A_834 : i32
      %mul3A_836 = arith.constant 16 : i32
      %mul3A_837 = arith.muli %div3A_835, %mul3A_836 : i32
      %sub3A_838 = arith.subi %squeeze3A_833, %mul3A_837 : i32
      %add3A_839 = arith.addi %mul3A_2, %add3A_831 : i32
      %mul3A_840 = arith.constant 16 : i32
      %mul3A_841 = arith.muli %div3A_835, %mul3A_840 : i32
      %dma_wait3A_842 = arith.constant 5 : i32
      %dma_wait3A_843 = arith.constant 5 : i32
      %dma_wait3A_844 = arith.constant 0 : i32
      %dma_wait3A_845 = tpu.memref_slice %arg6[%dma_wait3A_842, %dma_wait3A_844] : memref<8x16xf32, #tpu.memory_space<vmem>> -> memref<1x16xf32, #tpu.memory_space<vmem>>
      %dma_wait3A_846 = tpu.memref_squeeze %dma_wait3A_845 : memref<1x16xf32, #tpu.memory_space<vmem>> -> memref<16xf32, #tpu.memory_space<vmem>>
      %dma_wait3A_847 = arith.constant 0 : i32
      %dma_wait3A_848 = tpu.memref_slice %arg4[%add3A_839, %dma_wait3A_847] : memref<4096x16384xf32, #tpu.memory_space<hbm>> -> memref<1x16384xf32, #tpu.memory_space<hbm>>
      %dma_wait3A_849 = tpu.memref_squeeze %dma_wait3A_848 : memref<1x16384xf32, #tpu.memory_space<hbm>> -> memref<16384xf32, #tpu.memory_space<hbm>>
      %dma_wait3A_850 = tpu.memref_slice %dma_wait3A_849[%mul3A_841] : memref<16384xf32, #tpu.memory_space<hbm>> -> memref<16xf32, #tpu.memory_space<hbm>>
      %dma_wait3A_851 = tpu.memref_slice %arg7[%dma_wait3A_843] : memref<8x!tpu.dma_semaphore, #tpu.memory_space<semaphore_mem>> -> memref<1x!tpu.dma_semaphore, #tpu.memory_space<semaphore_mem>>
      %dma_wait3A_852 = tpu.memref_squeeze %dma_wait3A_851 : memref<1x!tpu.dma_semaphore, #tpu.memory_space<semaphore_mem>> -> memref<!tpu.dma_semaphore, #tpu.memory_space<semaphore_mem>>
      %dma_wait3A_853 = arith.constant 0 : i32
      %dma_wait3A_854 = tpu.memref_slice %arg4[%add3A_839, %dma_wait3A_853] : memref<4096x16384xf32, #tpu.memory_space<hbm>> -> memref<1x16384xf32, #tpu.memory_space<hbm>>
      %dma_wait3A_855 = tpu.memref_squeeze %dma_wait3A_854 : memref<1x16384xf32, #tpu.memory_space<hbm>> -> memref<16384xf32, #tpu.memory_space<hbm>>
      %dma_wait3A_856 = tpu.memref_slice %dma_wait3A_855[%mul3A_841] : memref<16384xf32, #tpu.memory_space<hbm>> -> memref<16xf32, #tpu.memory_space<hbm>>
      %dma_wait3A_857 = arith.constant 0 : i32
      %dma_wait3A_858 = tpu.memref_slice %arg6[%dma_wait3A_842, %dma_wait3A_857] : memref<8x16xf32, #tpu.memory_space<vmem>> -> memref<1x16xf32, #tpu.memory_space<vmem>>
      %dma_wait3A_859 = tpu.memref_squeeze %dma_wait3A_858 : memref<1x16xf32, #tpu.memory_space<vmem>> -> memref<16xf32, #tpu.memory_space<vmem>>
      tpu.wait_dma2 semaphore(%dma_wait3A_852 : memref<!tpu.dma_semaphore, #tpu.memory_space<semaphore_mem>>) src(%dma_wait3A_859 : memref<16xf32, #tpu.memory_space<vmem>>) dst(%dma_wait3A_856 : memref<16xf32, #tpu.memory_space<hbm>>)
      %eq3A_860 = vector.broadcast %sub3A_838 : i32 to vector<16xi32>
      %eq3A_861 = arith.cmpi eq, %iota3A, %eq3A_860 : vector<16xi32>
      %convert_element_type3A_862 = arith.extui %eq3A_861 : vector<16xi1> to vector<16xi32>
      %convert_element_type3A_863 = arith.sitofp %convert_element_type3A_862 : vector<16xi32> to vector<16xf32>
      %swap3A_864 = arith.constant 5 : i32
      %swap3A_865 = arith.index_cast %swap3A_864 : i32 to index
      %swap3A_866 = arith.constant 0 : index
      %swap3A_867 = tpu.vector_load %arg6[%swap3A_865, %swap3A_866] {strides = array<i32>} : memref<8x16xf32, #tpu.memory_space<vmem>>, vector<16xf32>,
      tpu.vector_store %arg6[%swap3A_865, %swap3A_866], %convert_element_type3A_863 {strides = array<i32>} : memref<8x16xf32, #tpu.memory_space<vmem>>, vector<16xf32>,
      %add3A_868 = arith.addi %mul3A_2, %add3A_831 : i32
      %mul3A_869 = arith.constant 16 : i32
      %mul3A_870 = arith.muli %div3A_835, %mul3A_869 : i32
      %dma_start3A_871 = arith.constant 5 : i32
      %dma_start3A_872 = arith.constant 5 : i32
      %dma_start3A_873 = arith.constant 0 : i32
      %dma_start3A_874 = tpu.memref_slice %arg6[%dma_start3A_871, %dma_start3A_873] : memref<8x16xf32, #tpu.memory_space<vmem>> -> memref<1x16xf32, #tpu.memory_space<vmem>>
      %dma_start3A_875 = tpu.memref_squeeze %dma_start3A_874 : memref<1x16xf32, #tpu.memory_space<vmem>> -> memref<16xf32, #tpu.memory_space<vmem>>
      %dma_start3A_876 = arith.constant 0 : i32
      %dma_start3A_877 = tpu.memref_slice %arg4[%add3A_868, %dma_start3A_876] : memref<4096x16384xf32, #tpu.memory_space<hbm>> -> memref<1x16384xf32, #tpu.memory_space<hbm>>
      %dma_start3A_878 = tpu.memref_squeeze %dma_start3A_877 : memref<1x16384xf32, #tpu.memory_space<hbm>> -> memref<16384xf32, #tpu.memory_space<hbm>>
      %dma_start3A_879 = tpu.memref_slice %dma_start3A_878[%mul3A_870] : memref<16384xf32, #tpu.memory_space<hbm>> -> memref<16xf32, #tpu.memory_space<hbm>>
      %dma_start3A_880 = tpu.memref_slice %arg7[%dma_start3A_872] : memref<8x!tpu.dma_semaphore, #tpu.memory_space<semaphore_mem>> -> memref<1x!tpu.dma_semaphore, #tpu.memory_space<semaphore_mem>>
      %dma_start3A_881 = tpu.memref_squeeze %dma_start3A_880 : memref<1x!tpu.dma_semaphore, #tpu.memory_space<semaphore_mem>> -> memref<!tpu.dma_semaphore, #tpu.memory_space<semaphore_mem>>
      %dma_start3A_882 = arith.constant 0 : i32
      %dma_start3A_883 = tpu.memref_slice %arg4[%add3A_868, %dma_start3A_882] : memref<4096x16384xf32, #tpu.memory_space<hbm>> -> memref<1x16384xf32, #tpu.memory_space<hbm>>
      %dma_start3A_884 = tpu.memref_squeeze %dma_start3A_883 : memref<1x16384xf32, #tpu.memory_space<hbm>> -> memref<16384xf32, #tpu.memory_space<hbm>>
      %dma_start3A_885 = tpu.memref_slice %dma_start3A_884[%mul3A_870] : memref<16384xf32, #tpu.memory_space<hbm>> -> memref<16xf32, #tpu.memory_space<hbm>>
      %dma_start3A_886 = arith.constant 0 : i32
      %dma_start3A_887 = tpu.memref_slice %arg6[%dma_start3A_871, %dma_start3A_886] : memref<8x16xf32, #tpu.memory_space<vmem>> -> memref<1x16xf32, #tpu.memory_space<vmem>>
      %dma_start3A_888 = tpu.memref_squeeze %dma_start3A_887 : memref<1x16xf32, #tpu.memory_space<vmem>> -> memref<16xf32, #tpu.memory_space<vmem>>
      tpu.enqueue_dma source(%dma_start3A_888 : memref<16xf32, #tpu.memory_space<vmem>>) target(%dma_start3A_885 : memref<16xf32, #tpu.memory_space<hbm>>) target_semaphore(%dma_start3A_881 : memref<!tpu.dma_semaphore, #tpu.memory_space<semaphore_mem>>)
      %mul3A_889 = arith.constant 16 : i32
      %mul3A_890 = arith.muli %scan3A_168, %mul3A_889 : i32
      %add3A_891 = arith.constant 14 : i32
      %add3A_892 = arith.addi %mul3A_890, %add3A_891 : i32
      %slice3A_893 = vector.extract_strided_slice %get3A_172 {offsets = [14], sizes = [1], strides = [1]} : vector<16xi32> to vector<1xi32>
      %squeeze3A_894 = vector.extract %slice3A_893[0] : i32 from vector<1xi32>
      %div3A_895 = arith.constant 16 : i32
      %div3A_896 = arith.divsi %squeeze3A_894, %div3A_895 : i32
      %mul3A_897 = arith.constant 16 : i32
      %mul3A_898 = arith.muli %div3A_896, %mul3A_897 : i32
      %sub3A_899 = arith.subi %squeeze3A_894, %mul3A_898 : i32
      %add3A_900 = arith.addi %mul3A_2, %add3A_892 : i32
      %mul3A_901 = arith.constant 16 : i32
      %mul3A_902 = arith.muli %div3A_896, %mul3A_901 : i32
      %dma_wait3A_903 = arith.constant 6 : i32
      %dma_wait3A_904 = arith.constant 6 : i32
      %dma_wait3A_905 = arith.constant 0 : i32
      %dma_wait3A_906 = tpu.memref_slice %arg6[%dma_wait3A_903, %dma_wait3A_905] : memref<8x16xf32, #tpu.memory_space<vmem>> -> memref<1x16xf32, #tpu.memory_space<vmem>>
      %dma_wait3A_907 = tpu.memref_squeeze %dma_wait3A_906 : memref<1x16xf32, #tpu.memory_space<vmem>> -> memref<16xf32, #tpu.memory_space<vmem>>
      %dma_wait3A_908 = arith.constant 0 : i32
      %dma_wait3A_909 = tpu.memref_slice %arg4[%add3A_900, %dma_wait3A_908] : memref<4096x16384xf32, #tpu.memory_space<hbm>> -> memref<1x16384xf32, #tpu.memory_space<hbm>>
      %dma_wait3A_910 = tpu.memref_squeeze %dma_wait3A_909 : memref<1x16384xf32, #tpu.memory_space<hbm>> -> memref<16384xf32, #tpu.memory_space<hbm>>
      %dma_wait3A_911 = tpu.memref_slice %dma_wait3A_910[%mul3A_902] : memref<16384xf32, #tpu.memory_space<hbm>> -> memref<16xf32, #tpu.memory_space<hbm>>
      %dma_wait3A_912 = tpu.memref_slice %arg7[%dma_wait3A_904] : memref<8x!tpu.dma_semaphore, #tpu.memory_space<semaphore_mem>> -> memref<1x!tpu.dma_semaphore, #tpu.memory_space<semaphore_mem>>
      %dma_wait3A_913 = tpu.memref_squeeze %dma_wait3A_912 : memref<1x!tpu.dma_semaphore, #tpu.memory_space<semaphore_mem>> -> memref<!tpu.dma_semaphore, #tpu.memory_space<semaphore_mem>>
      %dma_wait3A_914 = arith.constant 0 : i32
      %dma_wait3A_915 = tpu.memref_slice %arg4[%add3A_900, %dma_wait3A_914] : memref<4096x16384xf32, #tpu.memory_space<hbm>> -> memref<1x16384xf32, #tpu.memory_space<hbm>>
      %dma_wait3A_916 = tpu.memref_squeeze %dma_wait3A_915 : memref<1x16384xf32, #tpu.memory_space<hbm>> -> memref<16384xf32, #tpu.memory_space<hbm>>
      %dma_wait3A_917 = tpu.memref_slice %dma_wait3A_916[%mul3A_902] : memref<16384xf32, #tpu.memory_space<hbm>> -> memref<16xf32, #tpu.memory_space<hbm>>
      %dma_wait3A_918 = arith.constant 0 : i32
      %dma_wait3A_919 = tpu.memref_slice %arg6[%dma_wait3A_903, %dma_wait3A_918] : memref<8x16xf32, #tpu.memory_space<vmem>> -> memref<1x16xf32, #tpu.memory_space<vmem>>
      %dma_wait3A_920 = tpu.memref_squeeze %dma_wait3A_919 : memref<1x16xf32, #tpu.memory_space<vmem>> -> memref<16xf32, #tpu.memory_space<vmem>>
      tpu.wait_dma2 semaphore(%dma_wait3A_913 : memref<!tpu.dma_semaphore, #tpu.memory_space<semaphore_mem>>) src(%dma_wait3A_920 : memref<16xf32, #tpu.memory_space<vmem>>) dst(%dma_wait3A_917 : memref<16xf32, #tpu.memory_space<hbm>>)
      %eq3A_921 = vector.broadcast %sub3A_899 : i32 to vector<16xi32>
      %eq3A_922 = arith.cmpi eq, %iota3A, %eq3A_921 : vector<16xi32>
      %convert_element_type3A_923 = arith.extui %eq3A_922 : vector<16xi1> to vector<16xi32>
      %convert_element_type3A_924 = arith.sitofp %convert_element_type3A_923 : vector<16xi32> to vector<16xf32>
      %swap3A_925 = arith.constant 6 : i32
      %swap3A_926 = arith.index_cast %swap3A_925 : i32 to index
      %swap3A_927 = arith.constant 0 : index
      %swap3A_928 = tpu.vector_load %arg6[%swap3A_926, %swap3A_927] {strides = array<i32>} : memref<8x16xf32, #tpu.memory_space<vmem>>, vector<16xf32>,
      tpu.vector_store %arg6[%swap3A_926, %swap3A_927], %convert_element_type3A_924 {strides = array<i32>} : memref<8x16xf32, #tpu.memory_space<vmem>>, vector<16xf32>,
      %add3A_929 = arith.addi %mul3A_2, %add3A_892 : i32
      %mul3A_930 = arith.constant 16 : i32
      %mul3A_931 = arith.muli %div3A_896, %mul3A_930 : i32
      %dma_start3A_932 = arith.constant 6 : i32
      %dma_start3A_933 = arith.constant 6 : i32
      %dma_start3A_934 = arith.constant 0 : i32
      %dma_start3A_935 = tpu.memref_slice %arg6[%dma_start3A_932, %dma_start3A_934] : memref<8x16xf32, #tpu.memory_space<vmem>> -> memref<1x16xf32, #tpu.memory_space<vmem>>
      %dma_start3A_936 = tpu.memref_squeeze %dma_start3A_935 : memref<1x16xf32, #tpu.memory_space<vmem>> -> memref<16xf32, #tpu.memory_space<vmem>>
      %dma_start3A_937 = arith.constant 0 : i32
      %dma_start3A_938 = tpu.memref_slice %arg4[%add3A_929, %dma_start3A_937] : memref<4096x16384xf32, #tpu.memory_space<hbm>> -> memref<1x16384xf32, #tpu.memory_space<hbm>>
      %dma_start3A_939 = tpu.memref_squeeze %dma_start3A_938 : memref<1x16384xf32, #tpu.memory_space<hbm>> -> memref<16384xf32, #tpu.memory_space<hbm>>
      %dma_start3A_940 = tpu.memref_slice %dma_start3A_939[%mul3A_931] : memref<16384xf32, #tpu.memory_space<hbm>> -> memref<16xf32, #tpu.memory_space<hbm>>
      %dma_start3A_941 = tpu.memref_slice %arg7[%dma_start3A_933] : memref<8x!tpu.dma_semaphore, #tpu.memory_space<semaphore_mem>> -> memref<1x!tpu.dma_semaphore, #tpu.memory_space<semaphore_mem>>
      %dma_start3A_942 = tpu.memref_squeeze %dma_start3A_941 : memref<1x!tpu.dma_semaphore, #tpu.memory_space<semaphore_mem>> -> memref<!tpu.dma_semaphore, #tpu.memory_space<semaphore_mem>>
      %dma_start3A_943 = arith.constant 0 : i32
      %dma_start3A_944 = tpu.memref_slice %arg4[%add3A_929, %dma_start3A_943] : memref<4096x16384xf32, #tpu.memory_space<hbm>> -> memref<1x16384xf32, #tpu.memory_space<hbm>>
      %dma_start3A_945 = tpu.memref_squeeze %dma_start3A_944 : memref<1x16384xf32, #tpu.memory_space<hbm>> -> memref<16384xf32, #tpu.memory_space<hbm>>
      %dma_start3A_946 = tpu.memref_slice %dma_start3A_945[%mul3A_931] : memref<16384xf32, #tpu.memory_space<hbm>> -> memref<16xf32, #tpu.memory_space<hbm>>
      %dma_start3A_947 = arith.constant 0 : i32
      %dma_start3A_948 = tpu.memref_slice %arg6[%dma_start3A_932, %dma_start3A_947] : memref<8x16xf32, #tpu.memory_space<vmem>> -> memref<1x16xf32, #tpu.memory_space<vmem>>
      %dma_start3A_949 = tpu.memref_squeeze %dma_start3A_948 : memref<1x16xf32, #tpu.memory_space<vmem>> -> memref<16xf32, #tpu.memory_space<vmem>>
      tpu.enqueue_dma source(%dma_start3A_949 : memref<16xf32, #tpu.memory_space<vmem>>) target(%dma_start3A_946 : memref<16xf32, #tpu.memory_space<hbm>>) target_semaphore(%dma_start3A_942 : memref<!tpu.dma_semaphore, #tpu.memory_space<semaphore_mem>>)
      %mul3A_950 = arith.constant 16 : i32
      %mul3A_951 = arith.muli %scan3A_168, %mul3A_950 : i32
      %add3A_952 = arith.constant 15 : i32
      %add3A_953 = arith.addi %mul3A_951, %add3A_952 : i32
      %slice3A_954 = vector.extract_strided_slice %get3A_172 {offsets = [15], sizes = [1], strides = [1]} : vector<16xi32> to vector<1xi32>
      %squeeze3A_955 = vector.extract %slice3A_954[0] : i32 from vector<1xi32>
      %div3A_956 = arith.constant 16 : i32
      %div3A_957 = arith.divsi %squeeze3A_955, %div3A_956 : i32
      %mul3A_958 = arith.constant 16 : i32
      %mul3A_959 = arith.muli %div3A_957, %mul3A_958 : i32
      %sub3A_960 = arith.subi %squeeze3A_955, %mul3A_959 : i32
      %add3A_961 = arith.addi %mul3A_2, %add3A_953 : i32
      %mul3A_962 = arith.constant 16 : i32
      %mul3A_963 = arith.muli %div3A_957, %mul3A_962 : i32
      %dma_wait3A_964 = arith.constant 7 : i32
      %dma_wait3A_965 = arith.constant 7 : i32
      %dma_wait3A_966 = arith.constant 0 : i32
      %dma_wait3A_967 = tpu.memref_slice %arg6[%dma_wait3A_964, %dma_wait3A_966] : memref<8x16xf32, #tpu.memory_space<vmem>> -> memref<1x16xf32, #tpu.memory_space<vmem>>
      %dma_wait3A_968 = tpu.memref_squeeze %dma_wait3A_967 : memref<1x16xf32, #tpu.memory_space<vmem>> -> memref<16xf32, #tpu.memory_space<vmem>>
      %dma_wait3A_969 = arith.constant 0 : i32
      %dma_wait3A_970 = tpu.memref_slice %arg4[%add3A_961, %dma_wait3A_969] : memref<4096x16384xf32, #tpu.memory_space<hbm>> -> memref<1x16384xf32, #tpu.memory_space<hbm>>
      %dma_wait3A_971 = tpu.memref_squeeze %dma_wait3A_970 : memref<1x16384xf32, #tpu.memory_space<hbm>> -> memref<16384xf32, #tpu.memory_space<hbm>>
      %dma_wait3A_972 = tpu.memref_slice %dma_wait3A_971[%mul3A_963] : memref<16384xf32, #tpu.memory_space<hbm>> -> memref<16xf32, #tpu.memory_space<hbm>>
      %dma_wait3A_973 = tpu.memref_slice %arg7[%dma_wait3A_965] : memref<8x!tpu.dma_semaphore, #tpu.memory_space<semaphore_mem>> -> memref<1x!tpu.dma_semaphore, #tpu.memory_space<semaphore_mem>>
      %dma_wait3A_974 = tpu.memref_squeeze %dma_wait3A_973 : memref<1x!tpu.dma_semaphore, #tpu.memory_space<semaphore_mem>> -> memref<!tpu.dma_semaphore, #tpu.memory_space<semaphore_mem>>
      %dma_wait3A_975 = arith.constant 0 : i32
      %dma_wait3A_976 = tpu.memref_slice %arg4[%add3A_961, %dma_wait3A_975] : memref<4096x16384xf32, #tpu.memory_space<hbm>> -> memref<1x16384xf32, #tpu.memory_space<hbm>>
      %dma_wait3A_977 = tpu.memref_squeeze %dma_wait3A_976 : memref<1x16384xf32, #tpu.memory_space<hbm>> -> memref<16384xf32, #tpu.memory_space<hbm>>
      %dma_wait3A_978 = tpu.memref_slice %dma_wait3A_977[%mul3A_963] : memref<16384xf32, #tpu.memory_space<hbm>> -> memref<16xf32, #tpu.memory_space<hbm>>
      %dma_wait3A_979 = arith.constant 0 : i32
      %dma_wait3A_980 = tpu.memref_slice %arg6[%dma_wait3A_964, %dma_wait3A_979] : memref<8x16xf32, #tpu.memory_space<vmem>> -> memref<1x16xf32, #tpu.memory_space<vmem>>
      %dma_wait3A_981 = tpu.memref_squeeze %dma_wait3A_980 : memref<1x16xf32, #tpu.memory_space<vmem>> -> memref<16xf32, #tpu.memory_space<vmem>>
      tpu.wait_dma2 semaphore(%dma_wait3A_974 : memref<!tpu.dma_semaphore, #tpu.memory_space<semaphore_mem>>) src(%dma_wait3A_981 : memref<16xf32, #tpu.memory_space<vmem>>) dst(%dma_wait3A_978 : memref<16xf32, #tpu.memory_space<hbm>>)
      %eq3A_982 = vector.broadcast %sub3A_960 : i32 to vector<16xi32>
      %eq3A_983 = arith.cmpi eq, %iota3A, %eq3A_982 : vector<16xi32>
      %convert_element_type3A_984 = arith.extui %eq3A_983 : vector<16xi1> to vector<16xi32>
      %convert_element_type3A_985 = arith.sitofp %convert_element_type3A_984 : vector<16xi32> to vector<16xf32>
      %swap3A_986 = arith.constant 7 : i32
      %swap3A_987 = arith.index_cast %swap3A_986 : i32 to index
      %swap3A_988 = arith.constant 0 : index
      %swap3A_989 = tpu.vector_load %arg6[%swap3A_987, %swap3A_988] {strides = array<i32>} : memref<8x16xf32, #tpu.memory_space<vmem>>, vector<16xf32>,
      tpu.vector_store %arg6[%swap3A_987, %swap3A_988], %convert_element_type3A_985 {strides = array<i32>} : memref<8x16xf32, #tpu.memory_space<vmem>>, vector<16xf32>,
      %add3A_990 = arith.addi %mul3A_2, %add3A_953 : i32
      %mul3A_991 = arith.constant 16 : i32
      %mul3A_992 = arith.muli %div3A_957, %mul3A_991 : i32
      %dma_start3A_993 = arith.constant 7 : i32
      %dma_start3A_994 = arith.constant 7 : i32
      %dma_start3A_995 = arith.constant 0 : i32
      %dma_start3A_996 = tpu.memref_slice %arg6[%dma_start3A_993, %dma_start3A_995] : memref<8x16xf32, #tpu.memory_space<vmem>> -> memref<1x16xf32, #tpu.memory_space<vmem>>
      %dma_start3A_997 = tpu.memref_squeeze %dma_start3A_996 : memref<1x16xf32, #tpu.memory_space<vmem>> -> memref<16xf32, #tpu.memory_space<vmem>>
      %dma_start3A_998 = arith.constant 0 : i32
      %dma_start3A_999 = tpu.memref_slice %arg4[%add3A_990, %dma_start3A_998] : memref<4096x16384xf32, #tpu.memory_space<hbm>> -> memref<1x16384xf32, #tpu.memory_space<hbm>>
      %dma_start3A_1000 = tpu.memref_squeeze %dma_start3A_999 : memref<1x16384xf32, #tpu.memory_space<hbm>> -> memref<16384xf32, #tpu.memory_space<hbm>>
      %dma_start3A_1001 = tpu.memref_slice %dma_start3A_1000[%mul3A_992] : memref<16384xf32, #tpu.memory_space<hbm>> -> memref<16xf32, #tpu.memory_space<hbm>>
      %dma_start3A_1002 = tpu.memref_slice %arg7[%dma_start3A_994] : memref<8x!tpu.dma_semaphore, #tpu.memory_space<semaphore_mem>> -> memref<1x!tpu.dma_semaphore, #tpu.memory_space<semaphore_mem>>
      %dma_start3A_1003 = tpu.memref_squeeze %dma_start3A_1002 : memref<1x!tpu.dma_semaphore, #tpu.memory_space<semaphore_mem>> -> memref<!tpu.dma_semaphore, #tpu.memory_space<semaphore_mem>>
      %dma_start3A_1004 = arith.constant 0 : i32
      %dma_start3A_1005 = tpu.memref_slice %arg4[%add3A_990, %dma_start3A_1004] : memref<4096x16384xf32, #tpu.memory_space<hbm>> -> memref<1x16384xf32, #tpu.memory_space<hbm>>
      %dma_start3A_1006 = tpu.memref_squeeze %dma_start3A_1005 : memref<1x16384xf32, #tpu.memory_space<hbm>> -> memref<16384xf32, #tpu.memory_space<hbm>>
      %dma_start3A_1007 = tpu.memref_slice %dma_start3A_1006[%mul3A_992] : memref<16384xf32, #tpu.memory_space<hbm>> -> memref<16xf32, #tpu.memory_space<hbm>>
      %dma_start3A_1008 = arith.constant 0 : i32
      %dma_start3A_1009 = tpu.memref_slice %arg6[%dma_start3A_993, %dma_start3A_1008] : memref<8x16xf32, #tpu.memory_space<vmem>> -> memref<1x16xf32, #tpu.memory_space<vmem>>
      %dma_start3A_1010 = tpu.memref_squeeze %dma_start3A_1009 : memref<1x16xf32, #tpu.memory_space<vmem>> -> memref<16xf32, #tpu.memory_space<vmem>>
      tpu.enqueue_dma source(%dma_start3A_1010 : memref<16xf32, #tpu.memory_space<vmem>>) target(%dma_start3A_1007 : memref<16xf32, #tpu.memory_space<hbm>>) target_semaphore(%dma_start3A_1003 : memref<!tpu.dma_semaphore, #tpu.memory_space<semaphore_mem>>)
      %scan3A_1011 = arith.constant 0 : i32
      scf.yield %scan3A_1011 : i32
    }
    %scan3A_8 = arith.constant 8 : i32
    %dma_wait3A = arith.constant 0 : i32
    %dma_wait3A_9 = arith.constant 0 : i32
    %dma_wait3A_10 = arith.constant 0 : i32
    %dma_wait3A_11 = tpu.memref_slice %arg6[%dma_wait3A, %dma_wait3A_10] : memref<8x16xf32, #tpu.memory_space<vmem>> -> memref<1x16xf32, #tpu.memory_space<vmem>>
    %dma_wait3A_12 = tpu.memref_squeeze %dma_wait3A_11 : memref<1x16xf32, #tpu.memory_space<vmem>> -> memref<16xf32, #tpu.memory_space<vmem>>
    %dma_wait3A_13 = arith.constant 0 : i32
    %dma_wait3A_14 = tpu.memref_slice %arg4[%mul3A_2, %dma_wait3A_13] : memref<4096x16384xf32, #tpu.memory_space<hbm>> -> memref<1x16384xf32, #tpu.memory_space<hbm>>
    %dma_wait3A_15 = tpu.memref_squeeze %dma_wait3A_14 : memref<1x16384xf32, #tpu.memory_space<hbm>> -> memref<16384xf32, #tpu.memory_space<hbm>>
    %dma_wait3A_16 = arith.constant 0 : i32
    %dma_wait3A_17 = tpu.memref_slice %dma_wait3A_15[%dma_wait3A_16] : memref<16384xf32, #tpu.memory_space<hbm>> -> memref<16xf32, #tpu.memory_space<hbm>>
    %dma_wait3A_18 = tpu.memref_slice %arg7[%dma_wait3A_9] : memref<8x!tpu.dma_semaphore, #tpu.memory_space<semaphore_mem>> -> memref<1x!tpu.dma_semaphore, #tpu.memory_space<semaphore_mem>>
    %dma_wait3A_19 = tpu.memref_squeeze %dma_wait3A_18 : memref<1x!tpu.dma_semaphore, #tpu.memory_space<semaphore_mem>> -> memref<!tpu.dma_semaphore, #tpu.memory_space<semaphore_mem>>
    %dma_wait3A_20 = arith.constant 0 : i32
    %dma_wait3A_21 = tpu.memref_slice %arg4[%mul3A_2, %dma_wait3A_20] : memref<4096x16384xf32, #tpu.memory_space<hbm>> -> memref<1x16384xf32, #tpu.memory_space<hbm>>
    %dma_wait3A_22 = tpu.memref_squeeze %dma_wait3A_21 : memref<1x16384xf32, #tpu.memory_space<hbm>> -> memref<16384xf32, #tpu.memory_space<hbm>>
    %dma_wait3A_23 = arith.constant 0 : i32
    %dma_wait3A_24 = tpu.memref_slice %dma_wait3A_22[%dma_wait3A_23] : memref<16384xf32, #tpu.memory_space<hbm>> -> memref<16xf32, #tpu.memory_space<hbm>>
    %dma_wait3A_25 = arith.constant 0 : i32
    %dma_wait3A_26 = tpu.memref_slice %arg6[%dma_wait3A, %dma_wait3A_25] : memref<8x16xf32, #tpu.memory_space<vmem>> -> memref<1x16xf32, #tpu.memory_space<vmem>>
    %dma_wait3A_27 = tpu.memref_squeeze %dma_wait3A_26 : memref<1x16xf32, #tpu.memory_space<vmem>> -> memref<16xf32, #tpu.memory_space<vmem>>
    tpu.wait_dma2 semaphore(%dma_wait3A_19 : memref<!tpu.dma_semaphore, #tpu.memory_space<semaphore_mem>>) src(%dma_wait3A_27 : memref<16xf32, #tpu.memory_space<vmem>>) dst(%dma_wait3A_24 : memref<16xf32, #tpu.memory_space<hbm>>)
    %dma_wait3A_28 = arith.constant 1 : i32
    %dma_wait3A_29 = arith.constant 1 : i32
    %dma_wait3A_30 = arith.constant 0 : i32
    %dma_wait3A_31 = tpu.memref_slice %arg6[%dma_wait3A_28, %dma_wait3A_30] : memref<8x16xf32, #tpu.memory_space<vmem>> -> memref<1x16xf32, #tpu.memory_space<vmem>>
    %dma_wait3A_32 = tpu.memref_squeeze %dma_wait3A_31 : memref<1x16xf32, #tpu.memory_space<vmem>> -> memref<16xf32, #tpu.memory_space<vmem>>
    %dma_wait3A_33 = arith.constant 0 : i32
    %dma_wait3A_34 = tpu.memref_slice %arg4[%mul3A_2, %dma_wait3A_33] : memref<4096x16384xf32, #tpu.memory_space<hbm>> -> memref<1x16384xf32, #tpu.memory_space<hbm>>
    %dma_wait3A_35 = tpu.memref_squeeze %dma_wait3A_34 : memref<1x16384xf32, #tpu.memory_space<hbm>> -> memref<16384xf32, #tpu.memory_space<hbm>>
    %dma_wait3A_36 = arith.constant 0 : i32
    %dma_wait3A_37 = tpu.memref_slice %dma_wait3A_35[%dma_wait3A_36] : memref<16384xf32, #tpu.memory_space<hbm>> -> memref<16xf32, #tpu.memory_space<hbm>>
    %dma_wait3A_38 = tpu.memref_slice %arg7[%dma_wait3A_29] : memref<8x!tpu.dma_semaphore, #tpu.memory_space<semaphore_mem>> -> memref<1x!tpu.dma_semaphore, #tpu.memory_space<semaphore_mem>>
    %dma_wait3A_39 = tpu.memref_squeeze %dma_wait3A_38 : memref<1x!tpu.dma_semaphore, #tpu.memory_space<semaphore_mem>> -> memref<!tpu.dma_semaphore, #tpu.memory_space<semaphore_mem>>
    %dma_wait3A_40 = arith.constant 0 : i32
    %dma_wait3A_41 = tpu.memref_slice %arg4[%mul3A_2, %dma_wait3A_40] : memref<4096x16384xf32, #tpu.memory_space<hbm>> -> memref<1x16384xf32, #tpu.memory_space<hbm>>
    %dma_wait3A_42 = tpu.memref_squeeze %dma_wait3A_41 : memref<1x16384xf32, #tpu.memory_space<hbm>> -> memref<16384xf32, #tpu.memory_space<hbm>>
    %dma_wait3A_43 = arith.constant 0 : i32
    %dma_wait3A_44 = tpu.memref_slice %dma_wait3A_42[%dma_wait3A_43] : memref<16384xf32, #tpu.memory_space<hbm>> -> memref<16xf32, #tpu.memory_space<hbm>>
    %dma_wait3A_45 = arith.constant 0 : i32
    %dma_wait3A_46 = tpu.memref_slice %arg6[%dma_wait3A_28, %dma_wait3A_45] : memref<8x16xf32, #tpu.memory_space<vmem>> -> memref<1x16xf32, #tpu.memory_space<vmem>>
    %dma_wait3A_47 = tpu.memref_squeeze %dma_wait3A_46 : memref<1x16xf32, #tpu.memory_space<vmem>> -> memref<16xf32, #tpu.memory_space<vmem>>
    tpu.wait_dma2 semaphore(%dma_wait3A_39 : memref<!tpu.dma_semaphore, #tpu.memory_space<semaphore_mem>>) src(%dma_wait3A_47 : memref<16xf32, #tpu.memory_space<vmem>>) dst(%dma_wait3A_44 : memref<16xf32, #tpu.memory_space<hbm>>)
    %dma_wait3A_48 = arith.constant 2 : i32
    %dma_wait3A_49 = arith.constant 2 : i32
    %dma_wait3A_50 = arith.constant 0 : i32
    %dma_wait3A_51 = tpu.memref_slice %arg6[%dma_wait3A_48, %dma_wait3A_50] : memref<8x16xf32, #tpu.memory_space<vmem>> -> memref<1x16xf32, #tpu.memory_space<vmem>>
    %dma_wait3A_52 = tpu.memref_squeeze %dma_wait3A_51 : memref<1x16xf32, #tpu.memory_space<vmem>> -> memref<16xf32, #tpu.memory_space<vmem>>
    %dma_wait3A_53 = arith.constant 0 : i32
    %dma_wait3A_54 = tpu.memref_slice %arg4[%mul3A_2, %dma_wait3A_53] : memref<4096x16384xf32, #tpu.memory_space<hbm>> -> memref<1x16384xf32, #tpu.memory_space<hbm>>
    %dma_wait3A_55 = tpu.memref_squeeze %dma_wait3A_54 : memref<1x16384xf32, #tpu.memory_space<hbm>> -> memref<16384xf32, #tpu.memory_space<hbm>>
    %dma_wait3A_56 = arith.constant 0 : i32
    %dma_wait3A_57 = tpu.memref_slice %dma_wait3A_55[%dma_wait3A_56] : memref<16384xf32, #tpu.memory_space<hbm>> -> memref<16xf32, #tpu.memory_space<hbm>>
    %dma_wait3A_58 = tpu.memref_slice %arg7[%dma_wait3A_49] : memref<8x!tpu.dma_semaphore, #tpu.memory_space<semaphore_mem>> -> memref<1x!tpu.dma_semaphore, #tpu.memory_space<semaphore_mem>>
    %dma_wait3A_59 = tpu.memref_squeeze %dma_wait3A_58 : memref<1x!tpu.dma_semaphore, #tpu.memory_space<semaphore_mem>> -> memref<!tpu.dma_semaphore, #tpu.memory_space<semaphore_mem>>
    %dma_wait3A_60 = arith.constant 0 : i32
    %dma_wait3A_61 = tpu.memref_slice %arg4[%mul3A_2, %dma_wait3A_60] : memref<4096x16384xf32, #tpu.memory_space<hbm>> -> memref<1x16384xf32, #tpu.memory_space<hbm>>
    %dma_wait3A_62 = tpu.memref_squeeze %dma_wait3A_61 : memref<1x16384xf32, #tpu.memory_space<hbm>> -> memref<16384xf32, #tpu.memory_space<hbm>>
    %dma_wait3A_63 = arith.constant 0 : i32
    %dma_wait3A_64 = tpu.memref_slice %dma_wait3A_62[%dma_wait3A_63] : memref<16384xf32, #tpu.memory_space<hbm>> -> memref<16xf32, #tpu.memory_space<hbm>>
    %dma_wait3A_65 = arith.constant 0 : i32
    %dma_wait3A_66 = tpu.memref_slice %arg6[%dma_wait3A_48, %dma_wait3A_65] : memref<8x16xf32, #tpu.memory_space<vmem>> -> memref<1x16xf32, #tpu.memory_space<vmem>>
    %dma_wait3A_67 = tpu.memref_squeeze %dma_wait3A_66 : memref<1x16xf32, #tpu.memory_space<vmem>> -> memref<16xf32, #tpu.memory_space<vmem>>
    tpu.wait_dma2 semaphore(%dma_wait3A_59 : memref<!tpu.dma_semaphore, #tpu.memory_space<semaphore_mem>>) src(%dma_wait3A_67 : memref<16xf32, #tpu.memory_space<vmem>>) dst(%dma_wait3A_64 : memref<16xf32, #tpu.memory_space<hbm>>)
    %dma_wait3A_68 = arith.constant 3 : i32
    %dma_wait3A_69 = arith.constant 3 : i32
    %dma_wait3A_70 = arith.constant 0 : i32
    %dma_wait3A_71 = tpu.memref_slice %arg6[%dma_wait3A_68, %dma_wait3A_70] : memref<8x16xf32, #tpu.memory_space<vmem>> -> memref<1x16xf32, #tpu.memory_space<vmem>>
    %dma_wait3A_72 = tpu.memref_squeeze %dma_wait3A_71 : memref<1x16xf32, #tpu.memory_space<vmem>> -> memref<16xf32, #tpu.memory_space<vmem>>
    %dma_wait3A_73 = arith.constant 0 : i32
    %dma_wait3A_74 = tpu.memref_slice %arg4[%mul3A_2, %dma_wait3A_73] : memref<4096x16384xf32, #tpu.memory_space<hbm>> -> memref<1x16384xf32, #tpu.memory_space<hbm>>
    %dma_wait3A_75 = tpu.memref_squeeze %dma_wait3A_74 : memref<1x16384xf32, #tpu.memory_space<hbm>> -> memref<16384xf32, #tpu.memory_space<hbm>>
    %dma_wait3A_76 = arith.constant 0 : i32
    %dma_wait3A_77 = tpu.memref_slice %dma_wait3A_75[%dma_wait3A_76] : memref<16384xf32, #tpu.memory_space<hbm>> -> memref<16xf32, #tpu.memory_space<hbm>>
    %dma_wait3A_78 = tpu.memref_slice %arg7[%dma_wait3A_69] : memref<8x!tpu.dma_semaphore, #tpu.memory_space<semaphore_mem>> -> memref<1x!tpu.dma_semaphore, #tpu.memory_space<semaphore_mem>>
    %dma_wait3A_79 = tpu.memref_squeeze %dma_wait3A_78 : memref<1x!tpu.dma_semaphore, #tpu.memory_space<semaphore_mem>> -> memref<!tpu.dma_semaphore, #tpu.memory_space<semaphore_mem>>
    %dma_wait3A_80 = arith.constant 0 : i32
    %dma_wait3A_81 = tpu.memref_slice %arg4[%mul3A_2, %dma_wait3A_80] : memref<4096x16384xf32, #tpu.memory_space<hbm>> -> memref<1x16384xf32, #tpu.memory_space<hbm>>
    %dma_wait3A_82 = tpu.memref_squeeze %dma_wait3A_81 : memref<1x16384xf32, #tpu.memory_space<hbm>> -> memref<16384xf32, #tpu.memory_space<hbm>>
    %dma_wait3A_83 = arith.constant 0 : i32
    %dma_wait3A_84 = tpu.memref_slice %dma_wait3A_82[%dma_wait3A_83] : memref<16384xf32, #tpu.memory_space<hbm>> -> memref<16xf32, #tpu.memory_space<hbm>>
    %dma_wait3A_85 = arith.constant 0 : i32
    %dma_wait3A_86 = tpu.memref_slice %arg6[%dma_wait3A_68, %dma_wait3A_85] : memref<8x16xf32, #tpu.memory_space<vmem>> -> memref<1x16xf32, #tpu.memory_space<vmem>>
    %dma_wait3A_87 = tpu.memref_squeeze %dma_wait3A_86 : memref<1x16xf32, #tpu.memory_space<vmem>> -> memref<16xf32, #tpu.memory_space<vmem>>
    tpu.wait_dma2 semaphore(%dma_wait3A_79 : memref<!tpu.dma_semaphore, #tpu.memory_space<semaphore_mem>>) src(%dma_wait3A_87 : memref<16xf32, #tpu.memory_space<vmem>>) dst(%dma_wait3A_84 : memref<16xf32, #tpu.memory_space<hbm>>)
    %dma_wait3A_88 = arith.constant 4 : i32
    %dma_wait3A_89 = arith.constant 4 : i32
    %dma_wait3A_90 = arith.constant 0 : i32
    %dma_wait3A_91 = tpu.memref_slice %arg6[%dma_wait3A_88, %dma_wait3A_90] : memref<8x16xf32, #tpu.memory_space<vmem>> -> memref<1x16xf32, #tpu.memory_space<vmem>>
    %dma_wait3A_92 = tpu.memref_squeeze %dma_wait3A_91 : memref<1x16xf32, #tpu.memory_space<vmem>> -> memref<16xf32, #tpu.memory_space<vmem>>
    %dma_wait3A_93 = arith.constant 0 : i32
    %dma_wait3A_94 = tpu.memref_slice %arg4[%mul3A_2, %dma_wait3A_93] : memref<4096x16384xf32, #tpu.memory_space<hbm>> -> memref<1x16384xf32, #tpu.memory_space<hbm>>
    %dma_wait3A_95 = tpu.memref_squeeze %dma_wait3A_94 : memref<1x16384xf32, #tpu.memory_space<hbm>> -> memref<16384xf32, #tpu.memory_space<hbm>>
    %dma_wait3A_96 = arith.constant 0 : i32
    %dma_wait3A_97 = tpu.memref_slice %dma_wait3A_95[%dma_wait3A_96] : memref<16384xf32, #tpu.memory_space<hbm>> -> memref<16xf32, #tpu.memory_space<hbm>>
    %dma_wait3A_98 = tpu.memref_slice %arg7[%dma_wait3A_89] : memref<8x!tpu.dma_semaphore, #tpu.memory_space<semaphore_mem>> -> memref<1x!tpu.dma_semaphore, #tpu.memory_space<semaphore_mem>>
    %dma_wait3A_99 = tpu.memref_squeeze %dma_wait3A_98 : memref<1x!tpu.dma_semaphore, #tpu.memory_space<semaphore_mem>> -> memref<!tpu.dma_semaphore, #tpu.memory_space<semaphore_mem>>
    %dma_wait3A_100 = arith.constant 0 : i32
    %dma_wait3A_101 = tpu.memref_slice %arg4[%mul3A_2, %dma_wait3A_100] : memref<4096x16384xf32, #tpu.memory_space<hbm>> -> memref<1x16384xf32, #tpu.memory_space<hbm>>
    %dma_wait3A_102 = tpu.memref_squeeze %dma_wait3A_101 : memref<1x16384xf32, #tpu.memory_space<hbm>> -> memref<16384xf32, #tpu.memory_space<hbm>>
    %dma_wait3A_103 = arith.constant 0 : i32
    %dma_wait3A_104 = tpu.memref_slice %dma_wait3A_102[%dma_wait3A_103] : memref<16384xf32, #tpu.memory_space<hbm>> -> memref<16xf32, #tpu.memory_space<hbm>>
    %dma_wait3A_105 = arith.constant 0 : i32
    %dma_wait3A_106 = tpu.memref_slice %arg6[%dma_wait3A_88, %dma_wait3A_105] : memref<8x16xf32, #tpu.memory_space<vmem>> -> memref<1x16xf32, #tpu.memory_space<vmem>>
    %dma_wait3A_107 = tpu.memref_squeeze %dma_wait3A_106 : memref<1x16xf32, #tpu.memory_space<vmem>> -> memref<16xf32, #tpu.memory_space<vmem>>
    tpu.wait_dma2 semaphore(%dma_wait3A_99 : memref<!tpu.dma_semaphore, #tpu.memory_space<semaphore_mem>>) src(%dma_wait3A_107 : memref<16xf32, #tpu.memory_space<vmem>>) dst(%dma_wait3A_104 : memref<16xf32, #tpu.memory_space<hbm>>)
    %dma_wait3A_108 = arith.constant 5 : i32
    %dma_wait3A_109 = arith.constant 5 : i32
    %dma_wait3A_110 = arith.constant 0 : i32
    %dma_wait3A_111 = tpu.memref_slice %arg6[%dma_wait3A_108, %dma_wait3A_110] : memref<8x16xf32, #tpu.memory_space<vmem>> -> memref<1x16xf32, #tpu.memory_space<vmem>>
    %dma_wait3A_112 = tpu.memref_squeeze %dma_wait3A_111 : memref<1x16xf32, #tpu.memory_space<vmem>> -> memref<16xf32, #tpu.memory_space<vmem>>
    %dma_wait3A_113 = arith.constant 0 : i32
    %dma_wait3A_114 = tpu.memref_slice %arg4[%mul3A_2, %dma_wait3A_113] : memref<4096x16384xf32, #tpu.memory_space<hbm>> -> memref<1x16384xf32, #tpu.memory_space<hbm>>
    %dma_wait3A_115 = tpu.memref_squeeze %dma_wait3A_114 : memref<1x16384xf32, #tpu.memory_space<hbm>> -> memref<16384xf32, #tpu.memory_space<hbm>>
    %dma_wait3A_116 = arith.constant 0 : i32
    %dma_wait3A_117 = tpu.memref_slice %dma_wait3A_115[%dma_wait3A_116] : memref<16384xf32, #tpu.memory_space<hbm>> -> memref<16xf32, #tpu.memory_space<hbm>>
    %dma_wait3A_118 = tpu.memref_slice %arg7[%dma_wait3A_109] : memref<8x!tpu.dma_semaphore, #tpu.memory_space<semaphore_mem>> -> memref<1x!tpu.dma_semaphore, #tpu.memory_space<semaphore_mem>>
    %dma_wait3A_119 = tpu.memref_squeeze %dma_wait3A_118 : memref<1x!tpu.dma_semaphore, #tpu.memory_space<semaphore_mem>> -> memref<!tpu.dma_semaphore, #tpu.memory_space<semaphore_mem>>
    %dma_wait3A_120 = arith.constant 0 : i32
    %dma_wait3A_121 = tpu.memref_slice %arg4[%mul3A_2, %dma_wait3A_120] : memref<4096x16384xf32, #tpu.memory_space<hbm>> -> memref<1x16384xf32, #tpu.memory_space<hbm>>
    %dma_wait3A_122 = tpu.memref_squeeze %dma_wait3A_121 : memref<1x16384xf32, #tpu.memory_space<hbm>> -> memref<16384xf32, #tpu.memory_space<hbm>>
    %dma_wait3A_123 = arith.constant 0 : i32
    %dma_wait3A_124 = tpu.memref_slice %dma_wait3A_122[%dma_wait3A_123] : memref<16384xf32, #tpu.memory_space<hbm>> -> memref<16xf32, #tpu.memory_space<hbm>>
    %dma_wait3A_125 = arith.constant 0 : i32
    %dma_wait3A_126 = tpu.memref_slice %arg6[%dma_wait3A_108, %dma_wait3A_125] : memref<8x16xf32, #tpu.memory_space<vmem>> -> memref<1x16xf32, #tpu.memory_space<vmem>>
    %dma_wait3A_127 = tpu.memref_squeeze %dma_wait3A_126 : memref<1x16xf32, #tpu.memory_space<vmem>> -> memref<16xf32, #tpu.memory_space<vmem>>
    tpu.wait_dma2 semaphore(%dma_wait3A_119 : memref<!tpu.dma_semaphore, #tpu.memory_space<semaphore_mem>>) src(%dma_wait3A_127 : memref<16xf32, #tpu.memory_space<vmem>>) dst(%dma_wait3A_124 : memref<16xf32, #tpu.memory_space<hbm>>)
    %dma_wait3A_128 = arith.constant 6 : i32
    %dma_wait3A_129 = arith.constant 6 : i32
    %dma_wait3A_130 = arith.constant 0 : i32
    %dma_wait3A_131 = tpu.memref_slice %arg6[%dma_wait3A_128, %dma_wait3A_130] : memref<8x16xf32, #tpu.memory_space<vmem>> -> memref<1x16xf32, #tpu.memory_space<vmem>>
    %dma_wait3A_132 = tpu.memref_squeeze %dma_wait3A_131 : memref<1x16xf32, #tpu.memory_space<vmem>> -> memref<16xf32, #tpu.memory_space<vmem>>
    %dma_wait3A_133 = arith.constant 0 : i32
    %dma_wait3A_134 = tpu.memref_slice %arg4[%mul3A_2, %dma_wait3A_133] : memref<4096x16384xf32, #tpu.memory_space<hbm>> -> memref<1x16384xf32, #tpu.memory_space<hbm>>
    %dma_wait3A_135 = tpu.memref_squeeze %dma_wait3A_134 : memref<1x16384xf32, #tpu.memory_space<hbm>> -> memref<16384xf32, #tpu.memory_space<hbm>>
    %dma_wait3A_136 = arith.constant 0 : i32
    %dma_wait3A_137 = tpu.memref_slice %dma_wait3A_135[%dma_wait3A_136] : memref<16384xf32, #tpu.memory_space<hbm>> -> memref<16xf32, #tpu.memory_space<hbm>>
    %dma_wait3A_138 = tpu.memref_slice %arg7[%dma_wait3A_129] : memref<8x!tpu.dma_semaphore, #tpu.memory_space<semaphore_mem>> -> memref<1x!tpu.dma_semaphore, #tpu.memory_space<semaphore_mem>>
    %dma_wait3A_139 = tpu.memref_squeeze %dma_wait3A_138 : memref<1x!tpu.dma_semaphore, #tpu.memory_space<semaphore_mem>> -> memref<!tpu.dma_semaphore, #tpu.memory_space<semaphore_mem>>
    %dma_wait3A_140 = arith.constant 0 : i32
    %dma_wait3A_141 = tpu.memref_slice %arg4[%mul3A_2, %dma_wait3A_140] : memref<4096x16384xf32, #tpu.memory_space<hbm>> -> memref<1x16384xf32, #tpu.memory_space<hbm>>
    %dma_wait3A_142 = tpu.memref_squeeze %dma_wait3A_141 : memref<1x16384xf32, #tpu.memory_space<hbm>> -> memref<16384xf32, #tpu.memory_space<hbm>>
    %dma_wait3A_143 = arith.constant 0 : i32
    %dma_wait3A_144 = tpu.memref_slice %dma_wait3A_142[%dma_wait3A_143] : memref<16384xf32, #tpu.memory_space<hbm>> -> memref<16xf32, #tpu.memory_space<hbm>>
    %dma_wait3A_145 = arith.constant 0 : i32
    %dma_wait3A_146 = tpu.memref_slice %arg6[%dma_wait3A_128, %dma_wait3A_145] : memref<8x16xf32, #tpu.memory_space<vmem>> -> memref<1x16xf32, #tpu.memory_space<vmem>>
    %dma_wait3A_147 = tpu.memref_squeeze %dma_wait3A_146 : memref<1x16xf32, #tpu.memory_space<vmem>> -> memref<16xf32, #tpu.memory_space<vmem>>
    tpu.wait_dma2 semaphore(%dma_wait3A_139 : memref<!tpu.dma_semaphore, #tpu.memory_space<semaphore_mem>>) src(%dma_wait3A_147 : memref<16xf32, #tpu.memory_space<vmem>>) dst(%dma_wait3A_144 : memref<16xf32, #tpu.memory_space<hbm>>)
    %dma_wait3A_148 = arith.constant 7 : i32
    %dma_wait3A_149 = arith.constant 7 : i32
    %dma_wait3A_150 = arith.constant 0 : i32
    %dma_wait3A_151 = tpu.memref_slice %arg6[%dma_wait3A_148, %dma_wait3A_150] : memref<8x16xf32, #tpu.memory_space<vmem>> -> memref<1x16xf32, #tpu.memory_space<vmem>>
    %dma_wait3A_152 = tpu.memref_squeeze %dma_wait3A_151 : memref<1x16xf32, #tpu.memory_space<vmem>> -> memref<16xf32, #tpu.memory_space<vmem>>
    %dma_wait3A_153 = arith.constant 0 : i32
    %dma_wait3A_154 = tpu.memref_slice %arg4[%mul3A_2, %dma_wait3A_153] : memref<4096x16384xf32, #tpu.memory_space<hbm>> -> memref<1x16384xf32, #tpu.memory_space<hbm>>
    %dma_wait3A_155 = tpu.memref_squeeze %dma_wait3A_154 : memref<1x16384xf32, #tpu.memory_space<hbm>> -> memref<16384xf32, #tpu.memory_space<hbm>>
    %dma_wait3A_156 = arith.constant 0 : i32
    %dma_wait3A_157 = tpu.memref_slice %dma_wait3A_155[%dma_wait3A_156] : memref<16384xf32, #tpu.memory_space<hbm>> -> memref<16xf32, #tpu.memory_space<hbm>>
    %dma_wait3A_158 = tpu.memref_slice %arg7[%dma_wait3A_149] : memref<8x!tpu.dma_semaphore, #tpu.memory_space<semaphore_mem>> -> memref<1x!tpu.dma_semaphore, #tpu.memory_space<semaphore_mem>>
    %dma_wait3A_159 = tpu.memref_squeeze %dma_wait3A_158 : memref<1x!tpu.dma_semaphore, #tpu.memory_space<semaphore_mem>> -> memref<!tpu.dma_semaphore, #tpu.memory_space<semaphore_mem>>
    %dma_wait3A_160 = arith.constant 0 : i32
    %dma_wait3A_161 = tpu.memref_slice %arg4[%mul3A_2, %dma_wait3A_160] : memref<4096x16384xf32, #tpu.memory_space<hbm>> -> memref<1x16384xf32, #tpu.memory_space<hbm>>
    %dma_wait3A_162 = tpu.memref_squeeze %dma_wait3A_161 : memref<1x16384xf32, #tpu.memory_space<hbm>> -> memref<16384xf32, #tpu.memory_space<hbm>>
    %dma_wait3A_163 = arith.constant 0 : i32
    %dma_wait3A_164 = tpu.memref_slice %dma_wait3A_162[%dma_wait3A_163] : memref<16384xf32, #tpu.memory_space<hbm>> -> memref<16xf32, #tpu.memory_space<hbm>>
    %dma_wait3A_165 = arith.constant 0 : i32
    %dma_wait3A_166 = tpu.memref_slice %arg6[%dma_wait3A_148, %dma_wait3A_165] : memref<8x16xf32, #tpu.memory_space<vmem>> -> memref<1x16xf32, #tpu.memory_space<vmem>>
    %dma_wait3A_167 = tpu.memref_squeeze %dma_wait3A_166 : memref<1x16xf32, #tpu.memory_space<vmem>> -> memref<16xf32, #tpu.memory_space<vmem>>
    tpu.wait_dma2 semaphore(%dma_wait3A_159 : memref<!tpu.dma_semaphore, #tpu.memory_space<semaphore_mem>>) src(%dma_wait3A_167 : memref<16xf32, #tpu.memory_space<vmem>>) dst(%dma_wait3A_164 : memref<16xf32, #tpu.memory_space<hbm>>)
    return
  }
}

module attributes {stable_mosaic.version = 14 : i64} {
  func.func @_fill_body(%arg0: memref<4096xi32, #tpu.memory_space<hbm>>, %arg1: memref<4096x16384xf32, #tpu.memory_space<hbm>>, %arg2: memref<64x16384xf32, #tpu.memory_space<vmem>>, %arg3: memref<8x!tpu.dma_semaphore, #tpu.memory_space<semaphore_mem>>) attributes {dimension_semantics = [], scalar_prefetch = 0 : i64, scratch_operands = 2 : i64, tpu.core_type = #tpu.core_type<tc>} {
    %broadcast_in_dim3A = arith.constant 0.000000e+00 : f32
    %broadcast_in_dim3A_0 = vector.broadcast %broadcast_in_dim3A : f32 to vector<64x16384xf32>
    %swap3A = arith.constant 0 : index
    %swap3A_1 = arith.constant 0 : index
    %swap3A_2 = vector.load %arg2[%swap3A, %swap3A_1] : memref<64x16384xf32, #tpu.memory_space<vmem>>, vector<64x16384xf32>
    tpu.vector_store %arg2[%swap3A, %swap3A_1], %broadcast_in_dim3A_0 {strides = array<i32>} : memref<64x16384xf32, #tpu.memory_space<vmem>>, vector<64x16384xf32>,
    %dma_start3A = arith.constant 0 : i32
    %dma_start3A_3 = tpu.memref_slice %arg3[%dma_start3A] : memref<8x!tpu.dma_semaphore, #tpu.memory_space<semaphore_mem>> -> memref<1x!tpu.dma_semaphore, #tpu.memory_space<semaphore_mem>>
    %dma_start3A_4 = tpu.memref_squeeze %dma_start3A_3 : memref<1x!tpu.dma_semaphore, #tpu.memory_space<semaphore_mem>> -> memref<!tpu.dma_semaphore, #tpu.memory_space<semaphore_mem>>
    %dma_start3A_5 = arith.constant 0 : i32
    %dma_start3A_6 = arith.constant 0 : i32
    %dma_start3A_7 = tpu.memref_slice %arg1[%dma_start3A_5, %dma_start3A_6] : memref<4096x16384xf32, #tpu.memory_space<hbm>> -> memref<64x16384xf32, #tpu.memory_space<hbm>>
    tpu.enqueue_dma source(%arg2 : memref<64x16384xf32, #tpu.memory_space<vmem>>) target(%dma_start3A_7 : memref<64x16384xf32, #tpu.memory_space<hbm>>) target_semaphore(%dma_start3A_4 : memref<!tpu.dma_semaphore, #tpu.memory_space<semaphore_mem>>)
    %dma_start3A_8 = arith.constant 1 : i32
    %dma_start3A_9 = tpu.memref_slice %arg3[%dma_start3A_8] : memref<8x!tpu.dma_semaphore, #tpu.memory_space<semaphore_mem>> -> memref<1x!tpu.dma_semaphore, #tpu.memory_space<semaphore_mem>>
    %dma_start3A_10 = tpu.memref_squeeze %dma_start3A_9 : memref<1x!tpu.dma_semaphore, #tpu.memory_space<semaphore_mem>> -> memref<!tpu.dma_semaphore, #tpu.memory_space<semaphore_mem>>
    %dma_start3A_11 = arith.constant 64 : i32
    %dma_start3A_12 = arith.constant 0 : i32
    %dma_start3A_13 = tpu.memref_slice %arg1[%dma_start3A_11, %dma_start3A_12] : memref<4096x16384xf32, #tpu.memory_space<hbm>> -> memref<64x16384xf32, #tpu.memory_space<hbm>>
    tpu.enqueue_dma source(%arg2 : memref<64x16384xf32, #tpu.memory_space<vmem>>) target(%dma_start3A_13 : memref<64x16384xf32, #tpu.memory_space<hbm>>) target_semaphore(%dma_start3A_10 : memref<!tpu.dma_semaphore, #tpu.memory_space<semaphore_mem>>)
    %dma_start3A_14 = arith.constant 2 : i32
    %dma_start3A_15 = tpu.memref_slice %arg3[%dma_start3A_14] : memref<8x!tpu.dma_semaphore, #tpu.memory_space<semaphore_mem>> -> memref<1x!tpu.dma_semaphore, #tpu.memory_space<semaphore_mem>>
    %dma_start3A_16 = tpu.memref_squeeze %dma_start3A_15 : memref<1x!tpu.dma_semaphore, #tpu.memory_space<semaphore_mem>> -> memref<!tpu.dma_semaphore, #tpu.memory_space<semaphore_mem>>
    %dma_start3A_17 = arith.constant 128 : i32
    %dma_start3A_18 = arith.constant 0 : i32
    %dma_start3A_19 = tpu.memref_slice %arg1[%dma_start3A_17, %dma_start3A_18] : memref<4096x16384xf32, #tpu.memory_space<hbm>> -> memref<64x16384xf32, #tpu.memory_space<hbm>>
    tpu.enqueue_dma source(%arg2 : memref<64x16384xf32, #tpu.memory_space<vmem>>) target(%dma_start3A_19 : memref<64x16384xf32, #tpu.memory_space<hbm>>) target_semaphore(%dma_start3A_16 : memref<!tpu.dma_semaphore, #tpu.memory_space<semaphore_mem>>)
    %dma_start3A_20 = arith.constant 3 : i32
    %dma_start3A_21 = tpu.memref_slice %arg3[%dma_start3A_20] : memref<8x!tpu.dma_semaphore, #tpu.memory_space<semaphore_mem>> -> memref<1x!tpu.dma_semaphore, #tpu.memory_space<semaphore_mem>>
    %dma_start3A_22 = tpu.memref_squeeze %dma_start3A_21 : memref<1x!tpu.dma_semaphore, #tpu.memory_space<semaphore_mem>> -> memref<!tpu.dma_semaphore, #tpu.memory_space<semaphore_mem>>
    %dma_start3A_23 = arith.constant 192 : i32
    %dma_start3A_24 = arith.constant 0 : i32
    %dma_start3A_25 = tpu.memref_slice %arg1[%dma_start3A_23, %dma_start3A_24] : memref<4096x16384xf32, #tpu.memory_space<hbm>> -> memref<64x16384xf32, #tpu.memory_space<hbm>>
    tpu.enqueue_dma source(%arg2 : memref<64x16384xf32, #tpu.memory_space<vmem>>) target(%dma_start3A_25 : memref<64x16384xf32, #tpu.memory_space<hbm>>) target_semaphore(%dma_start3A_22 : memref<!tpu.dma_semaphore, #tpu.memory_space<semaphore_mem>>)
    %dma_start3A_26 = arith.constant 4 : i32
    %dma_start3A_27 = tpu.memref_slice %arg3[%dma_start3A_26] : memref<8x!tpu.dma_semaphore, #tpu.memory_space<semaphore_mem>> -> memref<1x!tpu.dma_semaphore, #tpu.memory_space<semaphore_mem>>
    %dma_start3A_28 = tpu.memref_squeeze %dma_start3A_27 : memref<1x!tpu.dma_semaphore, #tpu.memory_space<semaphore_mem>> -> memref<!tpu.dma_semaphore, #tpu.memory_space<semaphore_mem>>
    %dma_start3A_29 = arith.constant 256 : i32
    %dma_start3A_30 = arith.constant 0 : i32
    %dma_start3A_31 = tpu.memref_slice %arg1[%dma_start3A_29, %dma_start3A_30] : memref<4096x16384xf32, #tpu.memory_space<hbm>> -> memref<64x16384xf32, #tpu.memory_space<hbm>>
    tpu.enqueue_dma source(%arg2 : memref<64x16384xf32, #tpu.memory_space<vmem>>) target(%dma_start3A_31 : memref<64x16384xf32, #tpu.memory_space<hbm>>) target_semaphore(%dma_start3A_28 : memref<!tpu.dma_semaphore, #tpu.memory_space<semaphore_mem>>)
    %dma_start3A_32 = arith.constant 5 : i32
    %dma_start3A_33 = tpu.memref_slice %arg3[%dma_start3A_32] : memref<8x!tpu.dma_semaphore, #tpu.memory_space<semaphore_mem>> -> memref<1x!tpu.dma_semaphore, #tpu.memory_space<semaphore_mem>>
    %dma_start3A_34 = tpu.memref_squeeze %dma_start3A_33 : memref<1x!tpu.dma_semaphore, #tpu.memory_space<semaphore_mem>> -> memref<!tpu.dma_semaphore, #tpu.memory_space<semaphore_mem>>
    %dma_start3A_35 = arith.constant 320 : i32
    %dma_start3A_36 = arith.constant 0 : i32
    %dma_start3A_37 = tpu.memref_slice %arg1[%dma_start3A_35, %dma_start3A_36] : memref<4096x16384xf32, #tpu.memory_space<hbm>> -> memref<64x16384xf32, #tpu.memory_space<hbm>>
    tpu.enqueue_dma source(%arg2 : memref<64x16384xf32, #tpu.memory_space<vmem>>) target(%dma_start3A_37 : memref<64x16384xf32, #tpu.memory_space<hbm>>) target_semaphore(%dma_start3A_34 : memref<!tpu.dma_semaphore, #tpu.memory_space<semaphore_mem>>)
    %dma_start3A_38 = arith.constant 6 : i32
    %dma_start3A_39 = tpu.memref_slice %arg3[%dma_start3A_38] : memref<8x!tpu.dma_semaphore, #tpu.memory_space<semaphore_mem>> -> memref<1x!tpu.dma_semaphore, #tpu.memory_space<semaphore_mem>>
    %dma_start3A_40 = tpu.memref_squeeze %dma_start3A_39 : memref<1x!tpu.dma_semaphore, #tpu.memory_space<semaphore_mem>> -> memref<!tpu.dma_semaphore, #tpu.memory_space<semaphore_mem>>
    %dma_start3A_41 = arith.constant 384 : i32
    %dma_start3A_42 = arith.constant 0 : i32
    %dma_start3A_43 = tpu.memref_slice %arg1[%dma_start3A_41, %dma_start3A_42] : memref<4096x16384xf32, #tpu.memory_space<hbm>> -> memref<64x16384xf32, #tpu.memory_space<hbm>>
    tpu.enqueue_dma source(%arg2 : memref<64x16384xf32, #tpu.memory_space<vmem>>) target(%dma_start3A_43 : memref<64x16384xf32, #tpu.memory_space<hbm>>) target_semaphore(%dma_start3A_40 : memref<!tpu.dma_semaphore, #tpu.memory_space<semaphore_mem>>)
    %dma_start3A_44 = arith.constant 7 : i32
    %dma_start3A_45 = tpu.memref_slice %arg3[%dma_start3A_44] : memref<8x!tpu.dma_semaphore, #tpu.memory_space<semaphore_mem>> -> memref<1x!tpu.dma_semaphore, #tpu.memory_space<semaphore_mem>>
    %dma_start3A_46 = tpu.memref_squeeze %dma_start3A_45 : memref<1x!tpu.dma_semaphore, #tpu.memory_space<semaphore_mem>> -> memref<!tpu.dma_semaphore, #tpu.memory_space<semaphore_mem>>
    %dma_start3A_47 = arith.constant 448 : i32
    %dma_start3A_48 = arith.constant 0 : i32
    %dma_start3A_49 = tpu.memref_slice %arg1[%dma_start3A_47, %dma_start3A_48] : memref<4096x16384xf32, #tpu.memory_space<hbm>> -> memref<64x16384xf32, #tpu.memory_space<hbm>>
    tpu.enqueue_dma source(%arg2 : memref<64x16384xf32, #tpu.memory_space<vmem>>) target(%dma_start3A_49 : memref<64x16384xf32, #tpu.memory_space<hbm>>) target_semaphore(%dma_start3A_46 : memref<!tpu.dma_semaphore, #tpu.memory_space<semaphore_mem>>)
    %dma_wait3A = arith.constant 0 : i32
    %dma_wait3A_50 = tpu.memref_slice %arg3[%dma_wait3A] : memref<8x!tpu.dma_semaphore, #tpu.memory_space<semaphore_mem>> -> memref<1x!tpu.dma_semaphore, #tpu.memory_space<semaphore_mem>>
    %dma_wait3A_51 = tpu.memref_squeeze %dma_wait3A_50 : memref<1x!tpu.dma_semaphore, #tpu.memory_space<semaphore_mem>> -> memref<!tpu.dma_semaphore, #tpu.memory_space<semaphore_mem>>
    %dma_wait3A_52 = arith.constant 0 : i32
    %dma_wait3A_53 = arith.constant 0 : i32
    %dma_wait3A_54 = tpu.memref_slice %arg1[%dma_wait3A_52, %dma_wait3A_53] : memref<4096x16384xf32, #tpu.memory_space<hbm>> -> memref<64x16384xf32, #tpu.memory_space<hbm>>
    tpu.wait_dma2 semaphore(%dma_wait3A_51 : memref<!tpu.dma_semaphore, #tpu.memory_space<semaphore_mem>>) src(%arg2 : memref<64x16384xf32, #tpu.memory_space<vmem>>) dst(%dma_wait3A_54 : memref<64x16384xf32, #tpu.memory_space<hbm>>)
    %dma_start3A_55 = arith.constant 0 : i32
    %dma_start3A_56 = tpu.memref_slice %arg3[%dma_start3A_55] : memref<8x!tpu.dma_semaphore, #tpu.memory_space<semaphore_mem>> -> memref<1x!tpu.dma_semaphore, #tpu.memory_space<semaphore_mem>>
    %dma_start3A_57 = tpu.memref_squeeze %dma_start3A_56 : memref<1x!tpu.dma_semaphore, #tpu.memory_space<semaphore_mem>> -> memref<!tpu.dma_semaphore, #tpu.memory_space<semaphore_mem>>
    %dma_start3A_58 = arith.constant 512 : i32
    %dma_start3A_59 = arith.constant 0 : i32
    %dma_start3A_60 = tpu.memref_slice %arg1[%dma_start3A_58, %dma_start3A_59] : memref<4096x16384xf32, #tpu.memory_space<hbm>> -> memref<64x16384xf32, #tpu.memory_space<hbm>>
    tpu.enqueue_dma source(%arg2 : memref<64x16384xf32, #tpu.memory_space<vmem>>) target(%dma_start3A_60 : memref<64x16384xf32, #tpu.memory_space<hbm>>) target_semaphore(%dma_start3A_57 : memref<!tpu.dma_semaphore, #tpu.memory_space<semaphore_mem>>)
    %dma_wait3A_61 = arith.constant 1 : i32
    %dma_wait3A_62 = tpu.memref_slice %arg3[%dma_wait3A_61] : memref<8x!tpu.dma_semaphore, #tpu.memory_space<semaphore_mem>> -> memref<1x!tpu.dma_semaphore, #tpu.memory_space<semaphore_mem>>
    %dma_wait3A_63 = tpu.memref_squeeze %dma_wait3A_62 : memref<1x!tpu.dma_semaphore, #tpu.memory_space<semaphore_mem>> -> memref<!tpu.dma_semaphore, #tpu.memory_space<semaphore_mem>>
    %dma_wait3A_64 = arith.constant 64 : i32
    %dma_wait3A_65 = arith.constant 0 : i32
    %dma_wait3A_66 = tpu.memref_slice %arg1[%dma_wait3A_64, %dma_wait3A_65] : memref<4096x16384xf32, #tpu.memory_space<hbm>> -> memref<64x16384xf32, #tpu.memory_space<hbm>>
    tpu.wait_dma2 semaphore(%dma_wait3A_63 : memref<!tpu.dma_semaphore, #tpu.memory_space<semaphore_mem>>) src(%arg2 : memref<64x16384xf32, #tpu.memory_space<vmem>>) dst(%dma_wait3A_66 : memref<64x16384xf32, #tpu.memory_space<hbm>>)
    %dma_start3A_67 = arith.constant 1 : i32
    %dma_start3A_68 = tpu.memref_slice %arg3[%dma_start3A_67] : memref<8x!tpu.dma_semaphore, #tpu.memory_space<semaphore_mem>> -> memref<1x!tpu.dma_semaphore, #tpu.memory_space<semaphore_mem>>
    %dma_start3A_69 = tpu.memref_squeeze %dma_start3A_68 : memref<1x!tpu.dma_semaphore, #tpu.memory_space<semaphore_mem>> -> memref<!tpu.dma_semaphore, #tpu.memory_space<semaphore_mem>>
    %dma_start3A_70 = arith.constant 576 : i32
    %dma_start3A_71 = arith.constant 0 : i32
    %dma_start3A_72 = tpu.memref_slice %arg1[%dma_start3A_70, %dma_start3A_71] : memref<4096x16384xf32, #tpu.memory_space<hbm>> -> memref<64x16384xf32, #tpu.memory_space<hbm>>
    tpu.enqueue_dma source(%arg2 : memref<64x16384xf32, #tpu.memory_space<vmem>>) target(%dma_start3A_72 : memref<64x16384xf32, #tpu.memory_space<hbm>>) target_semaphore(%dma_start3A_69 : memref<!tpu.dma_semaphore, #tpu.memory_space<semaphore_mem>>)
    %dma_wait3A_73 = arith.constant 2 : i32
    %dma_wait3A_74 = tpu.memref_slice %arg3[%dma_wait3A_73] : memref<8x!tpu.dma_semaphore, #tpu.memory_space<semaphore_mem>> -> memref<1x!tpu.dma_semaphore, #tpu.memory_space<semaphore_mem>>
    %dma_wait3A_75 = tpu.memref_squeeze %dma_wait3A_74 : memref<1x!tpu.dma_semaphore, #tpu.memory_space<semaphore_mem>> -> memref<!tpu.dma_semaphore, #tpu.memory_space<semaphore_mem>>
    %dma_wait3A_76 = arith.constant 128 : i32
    %dma_wait3A_77 = arith.constant 0 : i32
    %dma_wait3A_78 = tpu.memref_slice %arg1[%dma_wait3A_76, %dma_wait3A_77] : memref<4096x16384xf32, #tpu.memory_space<hbm>> -> memref<64x16384xf32, #tpu.memory_space<hbm>>
    tpu.wait_dma2 semaphore(%dma_wait3A_75 : memref<!tpu.dma_semaphore, #tpu.memory_space<semaphore_mem>>) src(%arg2 : memref<64x16384xf32, #tpu.memory_space<vmem>>) dst(%dma_wait3A_78 : memref<64x16384xf32, #tpu.memory_space<hbm>>)
    %dma_start3A_79 = arith.constant 2 : i32
    %dma_start3A_80 = tpu.memref_slice %arg3[%dma_start3A_79] : memref<8x!tpu.dma_semaphore, #tpu.memory_space<semaphore_mem>> -> memref<1x!tpu.dma_semaphore, #tpu.memory_space<semaphore_mem>>
    %dma_start3A_81 = tpu.memref_squeeze %dma_start3A_80 : memref<1x!tpu.dma_semaphore, #tpu.memory_space<semaphore_mem>> -> memref<!tpu.dma_semaphore, #tpu.memory_space<semaphore_mem>>
    %dma_start3A_82 = arith.constant 640 : i32
    %dma_start3A_83 = arith.constant 0 : i32
    %dma_start3A_84 = tpu.memref_slice %arg1[%dma_start3A_82, %dma_start3A_83] : memref<4096x16384xf32, #tpu.memory_space<hbm>> -> memref<64x16384xf32, #tpu.memory_space<hbm>>
    tpu.enqueue_dma source(%arg2 : memref<64x16384xf32, #tpu.memory_space<vmem>>) target(%dma_start3A_84 : memref<64x16384xf32, #tpu.memory_space<hbm>>) target_semaphore(%dma_start3A_81 : memref<!tpu.dma_semaphore, #tpu.memory_space<semaphore_mem>>)
    %dma_wait3A_85 = arith.constant 3 : i32
    %dma_wait3A_86 = tpu.memref_slice %arg3[%dma_wait3A_85] : memref<8x!tpu.dma_semaphore, #tpu.memory_space<semaphore_mem>> -> memref<1x!tpu.dma_semaphore, #tpu.memory_space<semaphore_mem>>
    %dma_wait3A_87 = tpu.memref_squeeze %dma_wait3A_86 : memref<1x!tpu.dma_semaphore, #tpu.memory_space<semaphore_mem>> -> memref<!tpu.dma_semaphore, #tpu.memory_space<semaphore_mem>>
    %dma_wait3A_88 = arith.constant 192 : i32
    %dma_wait3A_89 = arith.constant 0 : i32
    %dma_wait3A_90 = tpu.memref_slice %arg1[%dma_wait3A_88, %dma_wait3A_89] : memref<4096x16384xf32, #tpu.memory_space<hbm>> -> memref<64x16384xf32, #tpu.memory_space<hbm>>
    tpu.wait_dma2 semaphore(%dma_wait3A_87 : memref<!tpu.dma_semaphore, #tpu.memory_space<semaphore_mem>>) src(%arg2 : memref<64x16384xf32, #tpu.memory_space<vmem>>) dst(%dma_wait3A_90 : memref<64x16384xf32, #tpu.memory_space<hbm>>)
    %dma_start3A_91 = arith.constant 3 : i32
    %dma_start3A_92 = tpu.memref_slice %arg3[%dma_start3A_91] : memref<8x!tpu.dma_semaphore, #tpu.memory_space<semaphore_mem>> -> memref<1x!tpu.dma_semaphore, #tpu.memory_space<semaphore_mem>>
    %dma_start3A_93 = tpu.memref_squeeze %dma_start3A_92 : memref<1x!tpu.dma_semaphore, #tpu.memory_space<semaphore_mem>> -> memref<!tpu.dma_semaphore, #tpu.memory_space<semaphore_mem>>
    %dma_start3A_94 = arith.constant 704 : i32
    %dma_start3A_95 = arith.constant 0 : i32
    %dma_start3A_96 = tpu.memref_slice %arg1[%dma_start3A_94, %dma_start3A_95] : memref<4096x16384xf32, #tpu.memory_space<hbm>> -> memref<64x16384xf32, #tpu.memory_space<hbm>>
    tpu.enqueue_dma source(%arg2 : memref<64x16384xf32, #tpu.memory_space<vmem>>) target(%dma_start3A_96 : memref<64x16384xf32, #tpu.memory_space<hbm>>) target_semaphore(%dma_start3A_93 : memref<!tpu.dma_semaphore, #tpu.memory_space<semaphore_mem>>)
    %dma_wait3A_97 = arith.constant 4 : i32
    %dma_wait3A_98 = tpu.memref_slice %arg3[%dma_wait3A_97] : memref<8x!tpu.dma_semaphore, #tpu.memory_space<semaphore_mem>> -> memref<1x!tpu.dma_semaphore, #tpu.memory_space<semaphore_mem>>
    %dma_wait3A_99 = tpu.memref_squeeze %dma_wait3A_98 : memref<1x!tpu.dma_semaphore, #tpu.memory_space<semaphore_mem>> -> memref<!tpu.dma_semaphore, #tpu.memory_space<semaphore_mem>>
    %dma_wait3A_100 = arith.constant 256 : i32
    %dma_wait3A_101 = arith.constant 0 : i32
    %dma_wait3A_102 = tpu.memref_slice %arg1[%dma_wait3A_100, %dma_wait3A_101] : memref<4096x16384xf32, #tpu.memory_space<hbm>> -> memref<64x16384xf32, #tpu.memory_space<hbm>>
    tpu.wait_dma2 semaphore(%dma_wait3A_99 : memref<!tpu.dma_semaphore, #tpu.memory_space<semaphore_mem>>) src(%arg2 : memref<64x16384xf32, #tpu.memory_space<vmem>>) dst(%dma_wait3A_102 : memref<64x16384xf32, #tpu.memory_space<hbm>>)
    %dma_start3A_103 = arith.constant 4 : i32
    %dma_start3A_104 = tpu.memref_slice %arg3[%dma_start3A_103] : memref<8x!tpu.dma_semaphore, #tpu.memory_space<semaphore_mem>> -> memref<1x!tpu.dma_semaphore, #tpu.memory_space<semaphore_mem>>
    %dma_start3A_105 = tpu.memref_squeeze %dma_start3A_104 : memref<1x!tpu.dma_semaphore, #tpu.memory_space<semaphore_mem>> -> memref<!tpu.dma_semaphore, #tpu.memory_space<semaphore_mem>>
    %dma_start3A_106 = arith.constant 768 : i32
    %dma_start3A_107 = arith.constant 0 : i32
    %dma_start3A_108 = tpu.memref_slice %arg1[%dma_start3A_106, %dma_start3A_107] : memref<4096x16384xf32, #tpu.memory_space<hbm>> -> memref<64x16384xf32, #tpu.memory_space<hbm>>
    tpu.enqueue_dma source(%arg2 : memref<64x16384xf32, #tpu.memory_space<vmem>>) target(%dma_start3A_108 : memref<64x16384xf32, #tpu.memory_space<hbm>>) target_semaphore(%dma_start3A_105 : memref<!tpu.dma_semaphore, #tpu.memory_space<semaphore_mem>>)
    %dma_wait3A_109 = arith.constant 5 : i32
    %dma_wait3A_110 = tpu.memref_slice %arg3[%dma_wait3A_109] : memref<8x!tpu.dma_semaphore, #tpu.memory_space<semaphore_mem>> -> memref<1x!tpu.dma_semaphore, #tpu.memory_space<semaphore_mem>>
    %dma_wait3A_111 = tpu.memref_squeeze %dma_wait3A_110 : memref<1x!tpu.dma_semaphore, #tpu.memory_space<semaphore_mem>> -> memref<!tpu.dma_semaphore, #tpu.memory_space<semaphore_mem>>
    %dma_wait3A_112 = arith.constant 320 : i32
    %dma_wait3A_113 = arith.constant 0 : i32
    %dma_wait3A_114 = tpu.memref_slice %arg1[%dma_wait3A_112, %dma_wait3A_113] : memref<4096x16384xf32, #tpu.memory_space<hbm>> -> memref<64x16384xf32, #tpu.memory_space<hbm>>
    tpu.wait_dma2 semaphore(%dma_wait3A_111 : memref<!tpu.dma_semaphore, #tpu.memory_space<semaphore_mem>>) src(%arg2 : memref<64x16384xf32, #tpu.memory_space<vmem>>) dst(%dma_wait3A_114 : memref<64x16384xf32, #tpu.memory_space<hbm>>)
    %dma_start3A_115 = arith.constant 5 : i32
    %dma_start3A_116 = tpu.memref_slice %arg3[%dma_start3A_115] : memref<8x!tpu.dma_semaphore, #tpu.memory_space<semaphore_mem>> -> memref<1x!tpu.dma_semaphore, #tpu.memory_space<semaphore_mem>>
    %dma_start3A_117 = tpu.memref_squeeze %dma_start3A_116 : memref<1x!tpu.dma_semaphore, #tpu.memory_space<semaphore_mem>> -> memref<!tpu.dma_semaphore, #tpu.memory_space<semaphore_mem>>
    %dma_start3A_118 = arith.constant 832 : i32
    %dma_start3A_119 = arith.constant 0 : i32
    %dma_start3A_120 = tpu.memref_slice %arg1[%dma_start3A_118, %dma_start3A_119] : memref<4096x16384xf32, #tpu.memory_space<hbm>> -> memref<64x16384xf32, #tpu.memory_space<hbm>>
    tpu.enqueue_dma source(%arg2 : memref<64x16384xf32, #tpu.memory_space<vmem>>) target(%dma_start3A_120 : memref<64x16384xf32, #tpu.memory_space<hbm>>) target_semaphore(%dma_start3A_117 : memref<!tpu.dma_semaphore, #tpu.memory_space<semaphore_mem>>)
    %dma_wait3A_121 = arith.constant 6 : i32
    %dma_wait3A_122 = tpu.memref_slice %arg3[%dma_wait3A_121] : memref<8x!tpu.dma_semaphore, #tpu.memory_space<semaphore_mem>> -> memref<1x!tpu.dma_semaphore, #tpu.memory_space<semaphore_mem>>
    %dma_wait3A_123 = tpu.memref_squeeze %dma_wait3A_122 : memref<1x!tpu.dma_semaphore, #tpu.memory_space<semaphore_mem>> -> memref<!tpu.dma_semaphore, #tpu.memory_space<semaphore_mem>>
    %dma_wait3A_124 = arith.constant 384 : i32
    %dma_wait3A_125 = arith.constant 0 : i32
    %dma_wait3A_126 = tpu.memref_slice %arg1[%dma_wait3A_124, %dma_wait3A_125] : memref<4096x16384xf32, #tpu.memory_space<hbm>> -> memref<64x16384xf32, #tpu.memory_space<hbm>>
    tpu.wait_dma2 semaphore(%dma_wait3A_123 : memref<!tpu.dma_semaphore, #tpu.memory_space<semaphore_mem>>) src(%arg2 : memref<64x16384xf32, #tpu.memory_space<vmem>>) dst(%dma_wait3A_126 : memref<64x16384xf32, #tpu.memory_space<hbm>>)
    %dma_start3A_127 = arith.constant 6 : i32
    %dma_start3A_128 = tpu.memref_slice %arg3[%dma_start3A_127] : memref<8x!tpu.dma_semaphore, #tpu.memory_space<semaphore_mem>> -> memref<1x!tpu.dma_semaphore, #tpu.memory_space<semaphore_mem>>
    %dma_start3A_129 = tpu.memref_squeeze %dma_start3A_128 : memref<1x!tpu.dma_semaphore, #tpu.memory_space<semaphore_mem>> -> memref<!tpu.dma_semaphore, #tpu.memory_space<semaphore_mem>>
    %dma_start3A_130 = arith.constant 896 : i32
    %dma_start3A_131 = arith.constant 0 : i32
    %dma_start3A_132 = tpu.memref_slice %arg1[%dma_start3A_130, %dma_start3A_131] : memref<4096x16384xf32, #tpu.memory_space<hbm>> -> memref<64x16384xf32, #tpu.memory_space<hbm>>
    tpu.enqueue_dma source(%arg2 : memref<64x16384xf32, #tpu.memory_space<vmem>>) target(%dma_start3A_132 : memref<64x16384xf32, #tpu.memory_space<hbm>>) target_semaphore(%dma_start3A_129 : memref<!tpu.dma_semaphore, #tpu.memory_space<semaphore_mem>>)
    %dma_wait3A_133 = arith.constant 7 : i32
    %dma_wait3A_134 = tpu.memref_slice %arg3[%dma_wait3A_133] : memref<8x!tpu.dma_semaphore, #tpu.memory_space<semaphore_mem>> -> memref<1x!tpu.dma_semaphore, #tpu.memory_space<semaphore_mem>>
    %dma_wait3A_135 = tpu.memref_squeeze %dma_wait3A_134 : memref<1x!tpu.dma_semaphore, #tpu.memory_space<semaphore_mem>> -> memref<!tpu.dma_semaphore, #tpu.memory_space<semaphore_mem>>
    %dma_wait3A_136 = arith.constant 448 : i32
    %dma_wait3A_137 = arith.constant 0 : i32
    %dma_wait3A_138 = tpu.memref_slice %arg1[%dma_wait3A_136, %dma_wait3A_137] : memref<4096x16384xf32, #tpu.memory_space<hbm>> -> memref<64x16384xf32, #tpu.memory_space<hbm>>
    tpu.wait_dma2 semaphore(%dma_wait3A_135 : memref<!tpu.dma_semaphore, #tpu.memory_space<semaphore_mem>>) src(%arg2 : memref<64x16384xf32, #tpu.memory_space<vmem>>) dst(%dma_wait3A_138 : memref<64x16384xf32, #tpu.memory_space<hbm>>)
    %dma_start3A_139 = arith.constant 7 : i32
    %dma_start3A_140 = tpu.memref_slice %arg3[%dma_start3A_139] : memref<8x!tpu.dma_semaphore, #tpu.memory_space<semaphore_mem>> -> memref<1x!tpu.dma_semaphore, #tpu.memory_space<semaphore_mem>>
    %dma_start3A_141 = tpu.memref_squeeze %dma_start3A_140 : memref<1x!tpu.dma_semaphore, #tpu.memory_space<semaphore_mem>> -> memref<!tpu.dma_semaphore, #tpu.memory_space<semaphore_mem>>
    %dma_start3A_142 = arith.constant 960 : i32
    %dma_start3A_143 = arith.constant 0 : i32
    %dma_start3A_144 = tpu.memref_slice %arg1[%dma_start3A_142, %dma_start3A_143] : memref<4096x16384xf32, #tpu.memory_space<hbm>> -> memref<64x16384xf32, #tpu.memory_space<hbm>>
    tpu.enqueue_dma source(%arg2 : memref<64x16384xf32, #tpu.memory_space<vmem>>) target(%dma_start3A_144 : memref<64x16384xf32, #tpu.memory_space<hbm>>) target_semaphore(%dma_start3A_141 : memref<!tpu.dma_semaphore, #tpu.memory_space<semaphore_mem>>)
    %dma_wait3A_145 = arith.constant 0 : i32
    %dma_wait3A_146 = tpu.memref_slice %arg3[%dma_wait3A_145] : memref<8x!tpu.dma_semaphore, #tpu.memory_space<semaphore_mem>> -> memref<1x!tpu.dma_semaphore, #tpu.memory_space<semaphore_mem>>
    %dma_wait3A_147 = tpu.memref_squeeze %dma_wait3A_146 : memref<1x!tpu.dma_semaphore, #tpu.memory_space<semaphore_mem>> -> memref<!tpu.dma_semaphore, #tpu.memory_space<semaphore_mem>>
    %dma_wait3A_148 = arith.constant 512 : i32
    %dma_wait3A_149 = arith.constant 0 : i32
    %dma_wait3A_150 = tpu.memref_slice %arg1[%dma_wait3A_148, %dma_wait3A_149] : memref<4096x16384xf32, #tpu.memory_space<hbm>> -> memref<64x16384xf32, #tpu.memory_space<hbm>>
    tpu.wait_dma2 semaphore(%dma_wait3A_147 : memref<!tpu.dma_semaphore, #tpu.memory_space<semaphore_mem>>) src(%arg2 : memref<64x16384xf32, #tpu.memory_space<vmem>>) dst(%dma_wait3A_150 : memref<64x16384xf32, #tpu.memory_space<hbm>>)
    %dma_start3A_151 = arith.constant 0 : i32
    %dma_start3A_152 = tpu.memref_slice %arg3[%dma_start3A_151] : memref<8x!tpu.dma_semaphore, #tpu.memory_space<semaphore_mem>> -> memref<1x!tpu.dma_semaphore, #tpu.memory_space<semaphore_mem>>
    %dma_start3A_153 = tpu.memref_squeeze %dma_start3A_152 : memref<1x!tpu.dma_semaphore, #tpu.memory_space<semaphore_mem>> -> memref<!tpu.dma_semaphore, #tpu.memory_space<semaphore_mem>>
    %dma_start3A_154 = arith.constant 1024 : i32
    %dma_start3A_155 = arith.constant 0 : i32
    %dma_start3A_156 = tpu.memref_slice %arg1[%dma_start3A_154, %dma_start3A_155] : memref<4096x16384xf32, #tpu.memory_space<hbm>> -> memref<64x16384xf32, #tpu.memory_space<hbm>>
    tpu.enqueue_dma source(%arg2 : memref<64x16384xf32, #tpu.memory_space<vmem>>) target(%dma_start3A_156 : memref<64x16384xf32, #tpu.memory_space<hbm>>) target_semaphore(%dma_start3A_153 : memref<!tpu.dma_semaphore, #tpu.memory_space<semaphore_mem>>)
    %dma_wait3A_157 = arith.constant 1 : i32
    %dma_wait3A_158 = tpu.memref_slice %arg3[%dma_wait3A_157] : memref<8x!tpu.dma_semaphore, #tpu.memory_space<semaphore_mem>> -> memref<1x!tpu.dma_semaphore, #tpu.memory_space<semaphore_mem>>
    %dma_wait3A_159 = tpu.memref_squeeze %dma_wait3A_158 : memref<1x!tpu.dma_semaphore, #tpu.memory_space<semaphore_mem>> -> memref<!tpu.dma_semaphore, #tpu.memory_space<semaphore_mem>>
    %dma_wait3A_160 = arith.constant 576 : i32
    %dma_wait3A_161 = arith.constant 0 : i32
    %dma_wait3A_162 = tpu.memref_slice %arg1[%dma_wait3A_160, %dma_wait3A_161] : memref<4096x16384xf32, #tpu.memory_space<hbm>> -> memref<64x16384xf32, #tpu.memory_space<hbm>>
    tpu.wait_dma2 semaphore(%dma_wait3A_159 : memref<!tpu.dma_semaphore, #tpu.memory_space<semaphore_mem>>) src(%arg2 : memref<64x16384xf32, #tpu.memory_space<vmem>>) dst(%dma_wait3A_162 : memref<64x16384xf32, #tpu.memory_space<hbm>>)
    %dma_start3A_163 = arith.constant 1 : i32
    %dma_start3A_164 = tpu.memref_slice %arg3[%dma_start3A_163] : memref<8x!tpu.dma_semaphore, #tpu.memory_space<semaphore_mem>> -> memref<1x!tpu.dma_semaphore, #tpu.memory_space<semaphore_mem>>
    %dma_start3A_165 = tpu.memref_squeeze %dma_start3A_164 : memref<1x!tpu.dma_semaphore, #tpu.memory_space<semaphore_mem>> -> memref<!tpu.dma_semaphore, #tpu.memory_space<semaphore_mem>>
    %dma_start3A_166 = arith.constant 1088 : i32
    %dma_start3A_167 = arith.constant 0 : i32
    %dma_start3A_168 = tpu.memref_slice %arg1[%dma_start3A_166, %dma_start3A_167] : memref<4096x16384xf32, #tpu.memory_space<hbm>> -> memref<64x16384xf32, #tpu.memory_space<hbm>>
    tpu.enqueue_dma source(%arg2 : memref<64x16384xf32, #tpu.memory_space<vmem>>) target(%dma_start3A_168 : memref<64x16384xf32, #tpu.memory_space<hbm>>) target_semaphore(%dma_start3A_165 : memref<!tpu.dma_semaphore, #tpu.memory_space<semaphore_mem>>)
    %dma_wait3A_169 = arith.constant 2 : i32
    %dma_wait3A_170 = tpu.memref_slice %arg3[%dma_wait3A_169] : memref<8x!tpu.dma_semaphore, #tpu.memory_space<semaphore_mem>> -> memref<1x!tpu.dma_semaphore, #tpu.memory_space<semaphore_mem>>
    %dma_wait3A_171 = tpu.memref_squeeze %dma_wait3A_170 : memref<1x!tpu.dma_semaphore, #tpu.memory_space<semaphore_mem>> -> memref<!tpu.dma_semaphore, #tpu.memory_space<semaphore_mem>>
    %dma_wait3A_172 = arith.constant 640 : i32
    %dma_wait3A_173 = arith.constant 0 : i32
    %dma_wait3A_174 = tpu.memref_slice %arg1[%dma_wait3A_172, %dma_wait3A_173] : memref<4096x16384xf32, #tpu.memory_space<hbm>> -> memref<64x16384xf32, #tpu.memory_space<hbm>>
    tpu.wait_dma2 semaphore(%dma_wait3A_171 : memref<!tpu.dma_semaphore, #tpu.memory_space<semaphore_mem>>) src(%arg2 : memref<64x16384xf32, #tpu.memory_space<vmem>>) dst(%dma_wait3A_174 : memref<64x16384xf32, #tpu.memory_space<hbm>>)
    %dma_start3A_175 = arith.constant 2 : i32
    %dma_start3A_176 = tpu.memref_slice %arg3[%dma_start3A_175] : memref<8x!tpu.dma_semaphore, #tpu.memory_space<semaphore_mem>> -> memref<1x!tpu.dma_semaphore, #tpu.memory_space<semaphore_mem>>
    %dma_start3A_177 = tpu.memref_squeeze %dma_start3A_176 : memref<1x!tpu.dma_semaphore, #tpu.memory_space<semaphore_mem>> -> memref<!tpu.dma_semaphore, #tpu.memory_space<semaphore_mem>>
    %dma_start3A_178 = arith.constant 1152 : i32
    %dma_start3A_179 = arith.constant 0 : i32
    %dma_start3A_180 = tpu.memref_slice %arg1[%dma_start3A_178, %dma_start3A_179] : memref<4096x16384xf32, #tpu.memory_space<hbm>> -> memref<64x16384xf32, #tpu.memory_space<hbm>>
    tpu.enqueue_dma source(%arg2 : memref<64x16384xf32, #tpu.memory_space<vmem>>) target(%dma_start3A_180 : memref<64x16384xf32, #tpu.memory_space<hbm>>) target_semaphore(%dma_start3A_177 : memref<!tpu.dma_semaphore, #tpu.memory_space<semaphore_mem>>)
    %dma_wait3A_181 = arith.constant 3 : i32
    %dma_wait3A_182 = tpu.memref_slice %arg3[%dma_wait3A_181] : memref<8x!tpu.dma_semaphore, #tpu.memory_space<semaphore_mem>> -> memref<1x!tpu.dma_semaphore, #tpu.memory_space<semaphore_mem>>
    %dma_wait3A_183 = tpu.memref_squeeze %dma_wait3A_182 : memref<1x!tpu.dma_semaphore, #tpu.memory_space<semaphore_mem>> -> memref<!tpu.dma_semaphore, #tpu.memory_space<semaphore_mem>>
    %dma_wait3A_184 = arith.constant 704 : i32
    %dma_wait3A_185 = arith.constant 0 : i32
    %dma_wait3A_186 = tpu.memref_slice %arg1[%dma_wait3A_184, %dma_wait3A_185] : memref<4096x16384xf32, #tpu.memory_space<hbm>> -> memref<64x16384xf32, #tpu.memory_space<hbm>>
    tpu.wait_dma2 semaphore(%dma_wait3A_183 : memref<!tpu.dma_semaphore, #tpu.memory_space<semaphore_mem>>) src(%arg2 : memref<64x16384xf32, #tpu.memory_space<vmem>>) dst(%dma_wait3A_186 : memref<64x16384xf32, #tpu.memory_space<hbm>>)
    %dma_start3A_187 = arith.constant 3 : i32
    %dma_start3A_188 = tpu.memref_slice %arg3[%dma_start3A_187] : memref<8x!tpu.dma_semaphore, #tpu.memory_space<semaphore_mem>> -> memref<1x!tpu.dma_semaphore, #tpu.memory_space<semaphore_mem>>
    %dma_start3A_189 = tpu.memref_squeeze %dma_start3A_188 : memref<1x!tpu.dma_semaphore, #tpu.memory_space<semaphore_mem>> -> memref<!tpu.dma_semaphore, #tpu.memory_space<semaphore_mem>>
    %dma_start3A_190 = arith.constant 1216 : i32
    %dma_start3A_191 = arith.constant 0 : i32
    %dma_start3A_192 = tpu.memref_slice %arg1[%dma_start3A_190, %dma_start3A_191] : memref<4096x16384xf32, #tpu.memory_space<hbm>> -> memref<64x16384xf32, #tpu.memory_space<hbm>>
    tpu.enqueue_dma source(%arg2 : memref<64x16384xf32, #tpu.memory_space<vmem>>) target(%dma_start3A_192 : memref<64x16384xf32, #tpu.memory_space<hbm>>) target_semaphore(%dma_start3A_189 : memref<!tpu.dma_semaphore, #tpu.memory_space<semaphore_mem>>)
    %dma_wait3A_193 = arith.constant 4 : i32
    %dma_wait3A_194 = tpu.memref_slice %arg3[%dma_wait3A_193] : memref<8x!tpu.dma_semaphore, #tpu.memory_space<semaphore_mem>> -> memref<1x!tpu.dma_semaphore, #tpu.memory_space<semaphore_mem>>
    %dma_wait3A_195 = tpu.memref_squeeze %dma_wait3A_194 : memref<1x!tpu.dma_semaphore, #tpu.memory_space<semaphore_mem>> -> memref<!tpu.dma_semaphore, #tpu.memory_space<semaphore_mem>>
    %dma_wait3A_196 = arith.constant 768 : i32
    %dma_wait3A_197 = arith.constant 0 : i32
    %dma_wait3A_198 = tpu.memref_slice %arg1[%dma_wait3A_196, %dma_wait3A_197] : memref<4096x16384xf32, #tpu.memory_space<hbm>> -> memref<64x16384xf32, #tpu.memory_space<hbm>>
    tpu.wait_dma2 semaphore(%dma_wait3A_195 : memref<!tpu.dma_semaphore, #tpu.memory_space<semaphore_mem>>) src(%arg2 : memref<64x16384xf32, #tpu.memory_space<vmem>>) dst(%dma_wait3A_198 : memref<64x16384xf32, #tpu.memory_space<hbm>>)
    %dma_start3A_199 = arith.constant 4 : i32
    %dma_start3A_200 = tpu.memref_slice %arg3[%dma_start3A_199] : memref<8x!tpu.dma_semaphore, #tpu.memory_space<semaphore_mem>> -> memref<1x!tpu.dma_semaphore, #tpu.memory_space<semaphore_mem>>
    %dma_start3A_201 = tpu.memref_squeeze %dma_start3A_200 : memref<1x!tpu.dma_semaphore, #tpu.memory_space<semaphore_mem>> -> memref<!tpu.dma_semaphore, #tpu.memory_space<semaphore_mem>>
    %dma_start3A_202 = arith.constant 1280 : i32
    %dma_start3A_203 = arith.constant 0 : i32
    %dma_start3A_204 = tpu.memref_slice %arg1[%dma_start3A_202, %dma_start3A_203] : memref<4096x16384xf32, #tpu.memory_space<hbm>> -> memref<64x16384xf32, #tpu.memory_space<hbm>>
    tpu.enqueue_dma source(%arg2 : memref<64x16384xf32, #tpu.memory_space<vmem>>) target(%dma_start3A_204 : memref<64x16384xf32, #tpu.memory_space<hbm>>) target_semaphore(%dma_start3A_201 : memref<!tpu.dma_semaphore, #tpu.memory_space<semaphore_mem>>)
    %dma_wait3A_205 = arith.constant 5 : i32
    %dma_wait3A_206 = tpu.memref_slice %arg3[%dma_wait3A_205] : memref<8x!tpu.dma_semaphore, #tpu.memory_space<semaphore_mem>> -> memref<1x!tpu.dma_semaphore, #tpu.memory_space<semaphore_mem>>
    %dma_wait3A_207 = tpu.memref_squeeze %dma_wait3A_206 : memref<1x!tpu.dma_semaphore, #tpu.memory_space<semaphore_mem>> -> memref<!tpu.dma_semaphore, #tpu.memory_space<semaphore_mem>>
    %dma_wait3A_208 = arith.constant 832 : i32
    %dma_wait3A_209 = arith.constant 0 : i32
    %dma_wait3A_210 = tpu.memref_slice %arg1[%dma_wait3A_208, %dma_wait3A_209] : memref<4096x16384xf32, #tpu.memory_space<hbm>> -> memref<64x16384xf32, #tpu.memory_space<hbm>>
    tpu.wait_dma2 semaphore(%dma_wait3A_207 : memref<!tpu.dma_semaphore, #tpu.memory_space<semaphore_mem>>) src(%arg2 : memref<64x16384xf32, #tpu.memory_space<vmem>>) dst(%dma_wait3A_210 : memref<64x16384xf32, #tpu.memory_space<hbm>>)
    %dma_start3A_211 = arith.constant 5 : i32
    %dma_start3A_212 = tpu.memref_slice %arg3[%dma_start3A_211] : memref<8x!tpu.dma_semaphore, #tpu.memory_space<semaphore_mem>> -> memref<1x!tpu.dma_semaphore, #tpu.memory_space<semaphore_mem>>
    %dma_start3A_213 = tpu.memref_squeeze %dma_start3A_212 : memref<1x!tpu.dma_semaphore, #tpu.memory_space<semaphore_mem>> -> memref<!tpu.dma_semaphore, #tpu.memory_space<semaphore_mem>>
    %dma_start3A_214 = arith.constant 1344 : i32
    %dma_start3A_215 = arith.constant 0 : i32
    %dma_start3A_216 = tpu.memref_slice %arg1[%dma_start3A_214, %dma_start3A_215] : memref<4096x16384xf32, #tpu.memory_space<hbm>> -> memref<64x16384xf32, #tpu.memory_space<hbm>>
    tpu.enqueue_dma source(%arg2 : memref<64x16384xf32, #tpu.memory_space<vmem>>) target(%dma_start3A_216 : memref<64x16384xf32, #tpu.memory_space<hbm>>) target_semaphore(%dma_start3A_213 : memref<!tpu.dma_semaphore, #tpu.memory_space<semaphore_mem>>)
    %dma_wait3A_217 = arith.constant 6 : i32
    %dma_wait3A_218 = tpu.memref_slice %arg3[%dma_wait3A_217] : memref<8x!tpu.dma_semaphore, #tpu.memory_space<semaphore_mem>> -> memref<1x!tpu.dma_semaphore, #tpu.memory_space<semaphore_mem>>
    %dma_wait3A_219 = tpu.memref_squeeze %dma_wait3A_218 : memref<1x!tpu.dma_semaphore, #tpu.memory_space<semaphore_mem>> -> memref<!tpu.dma_semaphore, #tpu.memory_space<semaphore_mem>>
    %dma_wait3A_220 = arith.constant 896 : i32
    %dma_wait3A_221 = arith.constant 0 : i32
    %dma_wait3A_222 = tpu.memref_slice %arg1[%dma_wait3A_220, %dma_wait3A_221] : memref<4096x16384xf32, #tpu.memory_space<hbm>> -> memref<64x16384xf32, #tpu.memory_space<hbm>>
    tpu.wait_dma2 semaphore(%dma_wait3A_219 : memref<!tpu.dma_semaphore, #tpu.memory_space<semaphore_mem>>) src(%arg2 : memref<64x16384xf32, #tpu.memory_space<vmem>>) dst(%dma_wait3A_222 : memref<64x16384xf32, #tpu.memory_space<hbm>>)
    %dma_start3A_223 = arith.constant 6 : i32
    %dma_start3A_224 = tpu.memref_slice %arg3[%dma_start3A_223] : memref<8x!tpu.dma_semaphore, #tpu.memory_space<semaphore_mem>> -> memref<1x!tpu.dma_semaphore, #tpu.memory_space<semaphore_mem>>
    %dma_start3A_225 = tpu.memref_squeeze %dma_start3A_224 : memref<1x!tpu.dma_semaphore, #tpu.memory_space<semaphore_mem>> -> memref<!tpu.dma_semaphore, #tpu.memory_space<semaphore_mem>>
    %dma_start3A_226 = arith.constant 1408 : i32
    %dma_start3A_227 = arith.constant 0 : i32
    %dma_start3A_228 = tpu.memref_slice %arg1[%dma_start3A_226, %dma_start3A_227] : memref<4096x16384xf32, #tpu.memory_space<hbm>> -> memref<64x16384xf32, #tpu.memory_space<hbm>>
    tpu.enqueue_dma source(%arg2 : memref<64x16384xf32, #tpu.memory_space<vmem>>) target(%dma_start3A_228 : memref<64x16384xf32, #tpu.memory_space<hbm>>) target_semaphore(%dma_start3A_225 : memref<!tpu.dma_semaphore, #tpu.memory_space<semaphore_mem>>)
    %dma_wait3A_229 = arith.constant 7 : i32
    %dma_wait3A_230 = tpu.memref_slice %arg3[%dma_wait3A_229] : memref<8x!tpu.dma_semaphore, #tpu.memory_space<semaphore_mem>> -> memref<1x!tpu.dma_semaphore, #tpu.memory_space<semaphore_mem>>
    %dma_wait3A_231 = tpu.memref_squeeze %dma_wait3A_230 : memref<1x!tpu.dma_semaphore, #tpu.memory_space<semaphore_mem>> -> memref<!tpu.dma_semaphore, #tpu.memory_space<semaphore_mem>>
    %dma_wait3A_232 = arith.constant 960 : i32
    %dma_wait3A_233 = arith.constant 0 : i32
    %dma_wait3A_234 = tpu.memref_slice %arg1[%dma_wait3A_232, %dma_wait3A_233] : memref<4096x16384xf32, #tpu.memory_space<hbm>> -> memref<64x16384xf32, #tpu.memory_space<hbm>>
    tpu.wait_dma2 semaphore(%dma_wait3A_231 : memref<!tpu.dma_semaphore, #tpu.memory_space<semaphore_mem>>) src(%arg2 : memref<64x16384xf32, #tpu.memory_space<vmem>>) dst(%dma_wait3A_234 : memref<64x16384xf32, #tpu.memory_space<hbm>>)
    %dma_start3A_235 = arith.constant 7 : i32
    %dma_start3A_236 = tpu.memref_slice %arg3[%dma_start3A_235] : memref<8x!tpu.dma_semaphore, #tpu.memory_space<semaphore_mem>> -> memref<1x!tpu.dma_semaphore, #tpu.memory_space<semaphore_mem>>
    %dma_start3A_237 = tpu.memref_squeeze %dma_start3A_236 : memref<1x!tpu.dma_semaphore, #tpu.memory_space<semaphore_mem>> -> memref<!tpu.dma_semaphore, #tpu.memory_space<semaphore_mem>>
    %dma_start3A_238 = arith.constant 1472 : i32
    %dma_start3A_239 = arith.constant 0 : i32
    %dma_start3A_240 = tpu.memref_slice %arg1[%dma_start3A_238, %dma_start3A_239] : memref<4096x16384xf32, #tpu.memory_space<hbm>> -> memref<64x16384xf32, #tpu.memory_space<hbm>>
    tpu.enqueue_dma source(%arg2 : memref<64x16384xf32, #tpu.memory_space<vmem>>) target(%dma_start3A_240 : memref<64x16384xf32, #tpu.memory_space<hbm>>) target_semaphore(%dma_start3A_237 : memref<!tpu.dma_semaphore, #tpu.memory_space<semaphore_mem>>)
    %dma_wait3A_241 = arith.constant 0 : i32
    %dma_wait3A_242 = tpu.memref_slice %arg3[%dma_wait3A_241] : memref<8x!tpu.dma_semaphore, #tpu.memory_space<semaphore_mem>> -> memref<1x!tpu.dma_semaphore, #tpu.memory_space<semaphore_mem>>
    %dma_wait3A_243 = tpu.memref_squeeze %dma_wait3A_242 : memref<1x!tpu.dma_semaphore, #tpu.memory_space<semaphore_mem>> -> memref<!tpu.dma_semaphore, #tpu.memory_space<semaphore_mem>>
    %dma_wait3A_244 = arith.constant 1024 : i32
    %dma_wait3A_245 = arith.constant 0 : i32
    %dma_wait3A_246 = tpu.memref_slice %arg1[%dma_wait3A_244, %dma_wait3A_245] : memref<4096x16384xf32, #tpu.memory_space<hbm>> -> memref<64x16384xf32, #tpu.memory_space<hbm>>
    tpu.wait_dma2 semaphore(%dma_wait3A_243 : memref<!tpu.dma_semaphore, #tpu.memory_space<semaphore_mem>>) src(%arg2 : memref<64x16384xf32, #tpu.memory_space<vmem>>) dst(%dma_wait3A_246 : memref<64x16384xf32, #tpu.memory_space<hbm>>)
    %dma_start3A_247 = arith.constant 0 : i32
    %dma_start3A_248 = tpu.memref_slice %arg3[%dma_start3A_247] : memref<8x!tpu.dma_semaphore, #tpu.memory_space<semaphore_mem>> -> memref<1x!tpu.dma_semaphore, #tpu.memory_space<semaphore_mem>>
    %dma_start3A_249 = tpu.memref_squeeze %dma_start3A_248 : memref<1x!tpu.dma_semaphore, #tpu.memory_space<semaphore_mem>> -> memref<!tpu.dma_semaphore, #tpu.memory_space<semaphore_mem>>
    %dma_start3A_250 = arith.constant 1536 : i32
    %dma_start3A_251 = arith.constant 0 : i32
    %dma_start3A_252 = tpu.memref_slice %arg1[%dma_start3A_250, %dma_start3A_251] : memref<4096x16384xf32, #tpu.memory_space<hbm>> -> memref<64x16384xf32, #tpu.memory_space<hbm>>
    tpu.enqueue_dma source(%arg2 : memref<64x16384xf32, #tpu.memory_space<vmem>>) target(%dma_start3A_252 : memref<64x16384xf32, #tpu.memory_space<hbm>>) target_semaphore(%dma_start3A_249 : memref<!tpu.dma_semaphore, #tpu.memory_space<semaphore_mem>>)
    %dma_wait3A_253 = arith.constant 1 : i32
    %dma_wait3A_254 = tpu.memref_slice %arg3[%dma_wait3A_253] : memref<8x!tpu.dma_semaphore, #tpu.memory_space<semaphore_mem>> -> memref<1x!tpu.dma_semaphore, #tpu.memory_space<semaphore_mem>>
    %dma_wait3A_255 = tpu.memref_squeeze %dma_wait3A_254 : memref<1x!tpu.dma_semaphore, #tpu.memory_space<semaphore_mem>> -> memref<!tpu.dma_semaphore, #tpu.memory_space<semaphore_mem>>
    %dma_wait3A_256 = arith.constant 1088 : i32
    %dma_wait3A_257 = arith.constant 0 : i32
    %dma_wait3A_258 = tpu.memref_slice %arg1[%dma_wait3A_256, %dma_wait3A_257] : memref<4096x16384xf32, #tpu.memory_space<hbm>> -> memref<64x16384xf32, #tpu.memory_space<hbm>>
    tpu.wait_dma2 semaphore(%dma_wait3A_255 : memref<!tpu.dma_semaphore, #tpu.memory_space<semaphore_mem>>) src(%arg2 : memref<64x16384xf32, #tpu.memory_space<vmem>>) dst(%dma_wait3A_258 : memref<64x16384xf32, #tpu.memory_space<hbm>>)
    %dma_start3A_259 = arith.constant 1 : i32
    %dma_start3A_260 = tpu.memref_slice %arg3[%dma_start3A_259] : memref<8x!tpu.dma_semaphore, #tpu.memory_space<semaphore_mem>> -> memref<1x!tpu.dma_semaphore, #tpu.memory_space<semaphore_mem>>
    %dma_start3A_261 = tpu.memref_squeeze %dma_start3A_260 : memref<1x!tpu.dma_semaphore, #tpu.memory_space<semaphore_mem>> -> memref<!tpu.dma_semaphore, #tpu.memory_space<semaphore_mem>>
    %dma_start3A_262 = arith.constant 1600 : i32
    %dma_start3A_263 = arith.constant 0 : i32
    %dma_start3A_264 = tpu.memref_slice %arg1[%dma_start3A_262, %dma_start3A_263] : memref<4096x16384xf32, #tpu.memory_space<hbm>> -> memref<64x16384xf32, #tpu.memory_space<hbm>>
    tpu.enqueue_dma source(%arg2 : memref<64x16384xf32, #tpu.memory_space<vmem>>) target(%dma_start3A_264 : memref<64x16384xf32, #tpu.memory_space<hbm>>) target_semaphore(%dma_start3A_261 : memref<!tpu.dma_semaphore, #tpu.memory_space<semaphore_mem>>)
    %dma_wait3A_265 = arith.constant 2 : i32
    %dma_wait3A_266 = tpu.memref_slice %arg3[%dma_wait3A_265] : memref<8x!tpu.dma_semaphore, #tpu.memory_space<semaphore_mem>> -> memref<1x!tpu.dma_semaphore, #tpu.memory_space<semaphore_mem>>
    %dma_wait3A_267 = tpu.memref_squeeze %dma_wait3A_266 : memref<1x!tpu.dma_semaphore, #tpu.memory_space<semaphore_mem>> -> memref<!tpu.dma_semaphore, #tpu.memory_space<semaphore_mem>>
    %dma_wait3A_268 = arith.constant 1152 : i32
    %dma_wait3A_269 = arith.constant 0 : i32
    %dma_wait3A_270 = tpu.memref_slice %arg1[%dma_wait3A_268, %dma_wait3A_269] : memref<4096x16384xf32, #tpu.memory_space<hbm>> -> memref<64x16384xf32, #tpu.memory_space<hbm>>
    tpu.wait_dma2 semaphore(%dma_wait3A_267 : memref<!tpu.dma_semaphore, #tpu.memory_space<semaphore_mem>>) src(%arg2 : memref<64x16384xf32, #tpu.memory_space<vmem>>) dst(%dma_wait3A_270 : memref<64x16384xf32, #tpu.memory_space<hbm>>)
    %dma_start3A_271 = arith.constant 2 : i32
    %dma_start3A_272 = tpu.memref_slice %arg3[%dma_start3A_271] : memref<8x!tpu.dma_semaphore, #tpu.memory_space<semaphore_mem>> -> memref<1x!tpu.dma_semaphore, #tpu.memory_space<semaphore_mem>>
    %dma_start3A_273 = tpu.memref_squeeze %dma_start3A_272 : memref<1x!tpu.dma_semaphore, #tpu.memory_space<semaphore_mem>> -> memref<!tpu.dma_semaphore, #tpu.memory_space<semaphore_mem>>
    %dma_start3A_274 = arith.constant 1664 : i32
    %dma_start3A_275 = arith.constant 0 : i32
    %dma_start3A_276 = tpu.memref_slice %arg1[%dma_start3A_274, %dma_start3A_275] : memref<4096x16384xf32, #tpu.memory_space<hbm>> -> memref<64x16384xf32, #tpu.memory_space<hbm>>
    tpu.enqueue_dma source(%arg2 : memref<64x16384xf32, #tpu.memory_space<vmem>>) target(%dma_start3A_276 : memref<64x16384xf32, #tpu.memory_space<hbm>>) target_semaphore(%dma_start3A_273 : memref<!tpu.dma_semaphore, #tpu.memory_space<semaphore_mem>>)
    %dma_wait3A_277 = arith.constant 3 : i32
    %dma_wait3A_278 = tpu.memref_slice %arg3[%dma_wait3A_277] : memref<8x!tpu.dma_semaphore, #tpu.memory_space<semaphore_mem>> -> memref<1x!tpu.dma_semaphore, #tpu.memory_space<semaphore_mem>>
    %dma_wait3A_279 = tpu.memref_squeeze %dma_wait3A_278 : memref<1x!tpu.dma_semaphore, #tpu.memory_space<semaphore_mem>> -> memref<!tpu.dma_semaphore, #tpu.memory_space<semaphore_mem>>
    %dma_wait3A_280 = arith.constant 1216 : i32
    %dma_wait3A_281 = arith.constant 0 : i32
    %dma_wait3A_282 = tpu.memref_slice %arg1[%dma_wait3A_280, %dma_wait3A_281] : memref<4096x16384xf32, #tpu.memory_space<hbm>> -> memref<64x16384xf32, #tpu.memory_space<hbm>>
    tpu.wait_dma2 semaphore(%dma_wait3A_279 : memref<!tpu.dma_semaphore, #tpu.memory_space<semaphore_mem>>) src(%arg2 : memref<64x16384xf32, #tpu.memory_space<vmem>>) dst(%dma_wait3A_282 : memref<64x16384xf32, #tpu.memory_space<hbm>>)
    %dma_start3A_283 = arith.constant 3 : i32
    %dma_start3A_284 = tpu.memref_slice %arg3[%dma_start3A_283] : memref<8x!tpu.dma_semaphore, #tpu.memory_space<semaphore_mem>> -> memref<1x!tpu.dma_semaphore, #tpu.memory_space<semaphore_mem>>
    %dma_start3A_285 = tpu.memref_squeeze %dma_start3A_284 : memref<1x!tpu.dma_semaphore, #tpu.memory_space<semaphore_mem>> -> memref<!tpu.dma_semaphore, #tpu.memory_space<semaphore_mem>>
    %dma_start3A_286 = arith.constant 1728 : i32
    %dma_start3A_287 = arith.constant 0 : i32
    %dma_start3A_288 = tpu.memref_slice %arg1[%dma_start3A_286, %dma_start3A_287] : memref<4096x16384xf32, #tpu.memory_space<hbm>> -> memref<64x16384xf32, #tpu.memory_space<hbm>>
    tpu.enqueue_dma source(%arg2 : memref<64x16384xf32, #tpu.memory_space<vmem>>) target(%dma_start3A_288 : memref<64x16384xf32, #tpu.memory_space<hbm>>) target_semaphore(%dma_start3A_285 : memref<!tpu.dma_semaphore, #tpu.memory_space<semaphore_mem>>)
    %dma_wait3A_289 = arith.constant 4 : i32
    %dma_wait3A_290 = tpu.memref_slice %arg3[%dma_wait3A_289] : memref<8x!tpu.dma_semaphore, #tpu.memory_space<semaphore_mem>> -> memref<1x!tpu.dma_semaphore, #tpu.memory_space<semaphore_mem>>
    %dma_wait3A_291 = tpu.memref_squeeze %dma_wait3A_290 : memref<1x!tpu.dma_semaphore, #tpu.memory_space<semaphore_mem>> -> memref<!tpu.dma_semaphore, #tpu.memory_space<semaphore_mem>>
    %dma_wait3A_292 = arith.constant 1280 : i32
    %dma_wait3A_293 = arith.constant 0 : i32
    %dma_wait3A_294 = tpu.memref_slice %arg1[%dma_wait3A_292, %dma_wait3A_293] : memref<4096x16384xf32, #tpu.memory_space<hbm>> -> memref<64x16384xf32, #tpu.memory_space<hbm>>
    tpu.wait_dma2 semaphore(%dma_wait3A_291 : memref<!tpu.dma_semaphore, #tpu.memory_space<semaphore_mem>>) src(%arg2 : memref<64x16384xf32, #tpu.memory_space<vmem>>) dst(%dma_wait3A_294 : memref<64x16384xf32, #tpu.memory_space<hbm>>)
    %dma_start3A_295 = arith.constant 4 : i32
    %dma_start3A_296 = tpu.memref_slice %arg3[%dma_start3A_295] : memref<8x!tpu.dma_semaphore, #tpu.memory_space<semaphore_mem>> -> memref<1x!tpu.dma_semaphore, #tpu.memory_space<semaphore_mem>>
    %dma_start3A_297 = tpu.memref_squeeze %dma_start3A_296 : memref<1x!tpu.dma_semaphore, #tpu.memory_space<semaphore_mem>> -> memref<!tpu.dma_semaphore, #tpu.memory_space<semaphore_mem>>
    %dma_start3A_298 = arith.constant 1792 : i32
    %dma_start3A_299 = arith.constant 0 : i32
    %dma_start3A_300 = tpu.memref_slice %arg1[%dma_start3A_298, %dma_start3A_299] : memref<4096x16384xf32, #tpu.memory_space<hbm>> -> memref<64x16384xf32, #tpu.memory_space<hbm>>
    tpu.enqueue_dma source(%arg2 : memref<64x16384xf32, #tpu.memory_space<vmem>>) target(%dma_start3A_300 : memref<64x16384xf32, #tpu.memory_space<hbm>>) target_semaphore(%dma_start3A_297 : memref<!tpu.dma_semaphore, #tpu.memory_space<semaphore_mem>>)
    %dma_wait3A_301 = arith.constant 5 : i32
    %dma_wait3A_302 = tpu.memref_slice %arg3[%dma_wait3A_301] : memref<8x!tpu.dma_semaphore, #tpu.memory_space<semaphore_mem>> -> memref<1x!tpu.dma_semaphore, #tpu.memory_space<semaphore_mem>>
    %dma_wait3A_303 = tpu.memref_squeeze %dma_wait3A_302 : memref<1x!tpu.dma_semaphore, #tpu.memory_space<semaphore_mem>> -> memref<!tpu.dma_semaphore, #tpu.memory_space<semaphore_mem>>
    %dma_wait3A_304 = arith.constant 1344 : i32
    %dma_wait3A_305 = arith.constant 0 : i32
    %dma_wait3A_306 = tpu.memref_slice %arg1[%dma_wait3A_304, %dma_wait3A_305] : memref<4096x16384xf32, #tpu.memory_space<hbm>> -> memref<64x16384xf32, #tpu.memory_space<hbm>>
    tpu.wait_dma2 semaphore(%dma_wait3A_303 : memref<!tpu.dma_semaphore, #tpu.memory_space<semaphore_mem>>) src(%arg2 : memref<64x16384xf32, #tpu.memory_space<vmem>>) dst(%dma_wait3A_306 : memref<64x16384xf32, #tpu.memory_space<hbm>>)
    %dma_start3A_307 = arith.constant 5 : i32
    %dma_start3A_308 = tpu.memref_slice %arg3[%dma_start3A_307] : memref<8x!tpu.dma_semaphore, #tpu.memory_space<semaphore_mem>> -> memref<1x!tpu.dma_semaphore, #tpu.memory_space<semaphore_mem>>
    %dma_start3A_309 = tpu.memref_squeeze %dma_start3A_308 : memref<1x!tpu.dma_semaphore, #tpu.memory_space<semaphore_mem>> -> memref<!tpu.dma_semaphore, #tpu.memory_space<semaphore_mem>>
    %dma_start3A_310 = arith.constant 1856 : i32
    %dma_start3A_311 = arith.constant 0 : i32
    %dma_start3A_312 = tpu.memref_slice %arg1[%dma_start3A_310, %dma_start3A_311] : memref<4096x16384xf32, #tpu.memory_space<hbm>> -> memref<64x16384xf32, #tpu.memory_space<hbm>>
    tpu.enqueue_dma source(%arg2 : memref<64x16384xf32, #tpu.memory_space<vmem>>) target(%dma_start3A_312 : memref<64x16384xf32, #tpu.memory_space<hbm>>) target_semaphore(%dma_start3A_309 : memref<!tpu.dma_semaphore, #tpu.memory_space<semaphore_mem>>)
    %dma_wait3A_313 = arith.constant 6 : i32
    %dma_wait3A_314 = tpu.memref_slice %arg3[%dma_wait3A_313] : memref<8x!tpu.dma_semaphore, #tpu.memory_space<semaphore_mem>> -> memref<1x!tpu.dma_semaphore, #tpu.memory_space<semaphore_mem>>
    %dma_wait3A_315 = tpu.memref_squeeze %dma_wait3A_314 : memref<1x!tpu.dma_semaphore, #tpu.memory_space<semaphore_mem>> -> memref<!tpu.dma_semaphore, #tpu.memory_space<semaphore_mem>>
    %dma_wait3A_316 = arith.constant 1408 : i32
    %dma_wait3A_317 = arith.constant 0 : i32
    %dma_wait3A_318 = tpu.memref_slice %arg1[%dma_wait3A_316, %dma_wait3A_317] : memref<4096x16384xf32, #tpu.memory_space<hbm>> -> memref<64x16384xf32, #tpu.memory_space<hbm>>
    tpu.wait_dma2 semaphore(%dma_wait3A_315 : memref<!tpu.dma_semaphore, #tpu.memory_space<semaphore_mem>>) src(%arg2 : memref<64x16384xf32, #tpu.memory_space<vmem>>) dst(%dma_wait3A_318 : memref<64x16384xf32, #tpu.memory_space<hbm>>)
    %dma_start3A_319 = arith.constant 6 : i32
    %dma_start3A_320 = tpu.memref_slice %arg3[%dma_start3A_319] : memref<8x!tpu.dma_semaphore, #tpu.memory_space<semaphore_mem>> -> memref<1x!tpu.dma_semaphore, #tpu.memory_space<semaphore_mem>>
    %dma_start3A_321 = tpu.memref_squeeze %dma_start3A_320 : memref<1x!tpu.dma_semaphore, #tpu.memory_space<semaphore_mem>> -> memref<!tpu.dma_semaphore, #tpu.memory_space<semaphore_mem>>
    %dma_start3A_322 = arith.constant 1920 : i32
    %dma_start3A_323 = arith.constant 0 : i32
    %dma_start3A_324 = tpu.memref_slice %arg1[%dma_start3A_322, %dma_start3A_323] : memref<4096x16384xf32, #tpu.memory_space<hbm>> -> memref<64x16384xf32, #tpu.memory_space<hbm>>
    tpu.enqueue_dma source(%arg2 : memref<64x16384xf32, #tpu.memory_space<vmem>>) target(%dma_start3A_324 : memref<64x16384xf32, #tpu.memory_space<hbm>>) target_semaphore(%dma_start3A_321 : memref<!tpu.dma_semaphore, #tpu.memory_space<semaphore_mem>>)
    %dma_wait3A_325 = arith.constant 7 : i32
    %dma_wait3A_326 = tpu.memref_slice %arg3[%dma_wait3A_325] : memref<8x!tpu.dma_semaphore, #tpu.memory_space<semaphore_mem>> -> memref<1x!tpu.dma_semaphore, #tpu.memory_space<semaphore_mem>>
    %dma_wait3A_327 = tpu.memref_squeeze %dma_wait3A_326 : memref<1x!tpu.dma_semaphore, #tpu.memory_space<semaphore_mem>> -> memref<!tpu.dma_semaphore, #tpu.memory_space<semaphore_mem>>
    %dma_wait3A_328 = arith.constant 1472 : i32
    %dma_wait3A_329 = arith.constant 0 : i32
    %dma_wait3A_330 = tpu.memref_slice %arg1[%dma_wait3A_328, %dma_wait3A_329] : memref<4096x16384xf32, #tpu.memory_space<hbm>> -> memref<64x16384xf32, #tpu.memory_space<hbm>>
    tpu.wait_dma2 semaphore(%dma_wait3A_327 : memref<!tpu.dma_semaphore, #tpu.memory_space<semaphore_mem>>) src(%arg2 : memref<64x16384xf32, #tpu.memory_space<vmem>>) dst(%dma_wait3A_330 : memref<64x16384xf32, #tpu.memory_space<hbm>>)
    %dma_start3A_331 = arith.constant 7 : i32
    %dma_start3A_332 = tpu.memref_slice %arg3[%dma_start3A_331] : memref<8x!tpu.dma_semaphore, #tpu.memory_space<semaphore_mem>> -> memref<1x!tpu.dma_semaphore, #tpu.memory_space<semaphore_mem>>
    %dma_start3A_333 = tpu.memref_squeeze %dma_start3A_332 : memref<1x!tpu.dma_semaphore, #tpu.memory_space<semaphore_mem>> -> memref<!tpu.dma_semaphore, #tpu.memory_space<semaphore_mem>>
    %dma_start3A_334 = arith.constant 1984 : i32
    %dma_start3A_335 = arith.constant 0 : i32
    %dma_start3A_336 = tpu.memref_slice %arg1[%dma_start3A_334, %dma_start3A_335] : memref<4096x16384xf32, #tpu.memory_space<hbm>> -> memref<64x16384xf32, #tpu.memory_space<hbm>>
    tpu.enqueue_dma source(%arg2 : memref<64x16384xf32, #tpu.memory_space<vmem>>) target(%dma_start3A_336 : memref<64x16384xf32, #tpu.memory_space<hbm>>) target_semaphore(%dma_start3A_333 : memref<!tpu.dma_semaphore, #tpu.memory_space<semaphore_mem>>)
    %dma_wait3A_337 = arith.constant 0 : i32
    %dma_wait3A_338 = tpu.memref_slice %arg3[%dma_wait3A_337] : memref<8x!tpu.dma_semaphore, #tpu.memory_space<semaphore_mem>> -> memref<1x!tpu.dma_semaphore, #tpu.memory_space<semaphore_mem>>
    %dma_wait3A_339 = tpu.memref_squeeze %dma_wait3A_338 : memref<1x!tpu.dma_semaphore, #tpu.memory_space<semaphore_mem>> -> memref<!tpu.dma_semaphore, #tpu.memory_space<semaphore_mem>>
    %dma_wait3A_340 = arith.constant 1536 : i32
    %dma_wait3A_341 = arith.constant 0 : i32
    %dma_wait3A_342 = tpu.memref_slice %arg1[%dma_wait3A_340, %dma_wait3A_341] : memref<4096x16384xf32, #tpu.memory_space<hbm>> -> memref<64x16384xf32, #tpu.memory_space<hbm>>
    tpu.wait_dma2 semaphore(%dma_wait3A_339 : memref<!tpu.dma_semaphore, #tpu.memory_space<semaphore_mem>>) src(%arg2 : memref<64x16384xf32, #tpu.memory_space<vmem>>) dst(%dma_wait3A_342 : memref<64x16384xf32, #tpu.memory_space<hbm>>)
    %dma_start3A_343 = arith.constant 0 : i32
    %dma_start3A_344 = tpu.memref_slice %arg3[%dma_start3A_343] : memref<8x!tpu.dma_semaphore, #tpu.memory_space<semaphore_mem>> -> memref<1x!tpu.dma_semaphore, #tpu.memory_space<semaphore_mem>>
    %dma_start3A_345 = tpu.memref_squeeze %dma_start3A_344 : memref<1x!tpu.dma_semaphore, #tpu.memory_space<semaphore_mem>> -> memref<!tpu.dma_semaphore, #tpu.memory_space<semaphore_mem>>
    %dma_start3A_346 = arith.constant 2048 : i32
    %dma_start3A_347 = arith.constant 0 : i32
    %dma_start3A_348 = tpu.memref_slice %arg1[%dma_start3A_346, %dma_start3A_347] : memref<4096x16384xf32, #tpu.memory_space<hbm>> -> memref<64x16384xf32, #tpu.memory_space<hbm>>
    tpu.enqueue_dma source(%arg2 : memref<64x16384xf32, #tpu.memory_space<vmem>>) target(%dma_start3A_348 : memref<64x16384xf32, #tpu.memory_space<hbm>>) target_semaphore(%dma_start3A_345 : memref<!tpu.dma_semaphore, #tpu.memory_space<semaphore_mem>>)
    %dma_wait3A_349 = arith.constant 1 : i32
    %dma_wait3A_350 = tpu.memref_slice %arg3[%dma_wait3A_349] : memref<8x!tpu.dma_semaphore, #tpu.memory_space<semaphore_mem>> -> memref<1x!tpu.dma_semaphore, #tpu.memory_space<semaphore_mem>>
    %dma_wait3A_351 = tpu.memref_squeeze %dma_wait3A_350 : memref<1x!tpu.dma_semaphore, #tpu.memory_space<semaphore_mem>> -> memref<!tpu.dma_semaphore, #tpu.memory_space<semaphore_mem>>
    %dma_wait3A_352 = arith.constant 1600 : i32
    %dma_wait3A_353 = arith.constant 0 : i32
    %dma_wait3A_354 = tpu.memref_slice %arg1[%dma_wait3A_352, %dma_wait3A_353] : memref<4096x16384xf32, #tpu.memory_space<hbm>> -> memref<64x16384xf32, #tpu.memory_space<hbm>>
    tpu.wait_dma2 semaphore(%dma_wait3A_351 : memref<!tpu.dma_semaphore, #tpu.memory_space<semaphore_mem>>) src(%arg2 : memref<64x16384xf32, #tpu.memory_space<vmem>>) dst(%dma_wait3A_354 : memref<64x16384xf32, #tpu.memory_space<hbm>>)
    %dma_start3A_355 = arith.constant 1 : i32
    %dma_start3A_356 = tpu.memref_slice %arg3[%dma_start3A_355] : memref<8x!tpu.dma_semaphore, #tpu.memory_space<semaphore_mem>> -> memref<1x!tpu.dma_semaphore, #tpu.memory_space<semaphore_mem>>
    %dma_start3A_357 = tpu.memref_squeeze %dma_start3A_356 : memref<1x!tpu.dma_semaphore, #tpu.memory_space<semaphore_mem>> -> memref<!tpu.dma_semaphore, #tpu.memory_space<semaphore_mem>>
    %dma_start3A_358 = arith.constant 2112 : i32
    %dma_start3A_359 = arith.constant 0 : i32
    %dma_start3A_360 = tpu.memref_slice %arg1[%dma_start3A_358, %dma_start3A_359] : memref<4096x16384xf32, #tpu.memory_space<hbm>> -> memref<64x16384xf32, #tpu.memory_space<hbm>>
    tpu.enqueue_dma source(%arg2 : memref<64x16384xf32, #tpu.memory_space<vmem>>) target(%dma_start3A_360 : memref<64x16384xf32, #tpu.memory_space<hbm>>) target_semaphore(%dma_start3A_357 : memref<!tpu.dma_semaphore, #tpu.memory_space<semaphore_mem>>)
    %dma_wait3A_361 = arith.constant 2 : i32
    %dma_wait3A_362 = tpu.memref_slice %arg3[%dma_wait3A_361] : memref<8x!tpu.dma_semaphore, #tpu.memory_space<semaphore_mem>> -> memref<1x!tpu.dma_semaphore, #tpu.memory_space<semaphore_mem>>
    %dma_wait3A_363 = tpu.memref_squeeze %dma_wait3A_362 : memref<1x!tpu.dma_semaphore, #tpu.memory_space<semaphore_mem>> -> memref<!tpu.dma_semaphore, #tpu.memory_space<semaphore_mem>>
    %dma_wait3A_364 = arith.constant 1664 : i32
    %dma_wait3A_365 = arith.constant 0 : i32
    %dma_wait3A_366 = tpu.memref_slice %arg1[%dma_wait3A_364, %dma_wait3A_365] : memref<4096x16384xf32, #tpu.memory_space<hbm>> -> memref<64x16384xf32, #tpu.memory_space<hbm>>
    tpu.wait_dma2 semaphore(%dma_wait3A_363 : memref<!tpu.dma_semaphore, #tpu.memory_space<semaphore_mem>>) src(%arg2 : memref<64x16384xf32, #tpu.memory_space<vmem>>) dst(%dma_wait3A_366 : memref<64x16384xf32, #tpu.memory_space<hbm>>)
    %dma_start3A_367 = arith.constant 2 : i32
    %dma_start3A_368 = tpu.memref_slice %arg3[%dma_start3A_367] : memref<8x!tpu.dma_semaphore, #tpu.memory_space<semaphore_mem>> -> memref<1x!tpu.dma_semaphore, #tpu.memory_space<semaphore_mem>>
    %dma_start3A_369 = tpu.memref_squeeze %dma_start3A_368 : memref<1x!tpu.dma_semaphore, #tpu.memory_space<semaphore_mem>> -> memref<!tpu.dma_semaphore, #tpu.memory_space<semaphore_mem>>
    %dma_start3A_370 = arith.constant 2176 : i32
    %dma_start3A_371 = arith.constant 0 : i32
    %dma_start3A_372 = tpu.memref_slice %arg1[%dma_start3A_370, %dma_start3A_371] : memref<4096x16384xf32, #tpu.memory_space<hbm>> -> memref<64x16384xf32, #tpu.memory_space<hbm>>
    tpu.enqueue_dma source(%arg2 : memref<64x16384xf32, #tpu.memory_space<vmem>>) target(%dma_start3A_372 : memref<64x16384xf32, #tpu.memory_space<hbm>>) target_semaphore(%dma_start3A_369 : memref<!tpu.dma_semaphore, #tpu.memory_space<semaphore_mem>>)
    %dma_wait3A_373 = arith.constant 3 : i32
    %dma_wait3A_374 = tpu.memref_slice %arg3[%dma_wait3A_373] : memref<8x!tpu.dma_semaphore, #tpu.memory_space<semaphore_mem>> -> memref<1x!tpu.dma_semaphore, #tpu.memory_space<semaphore_mem>>
    %dma_wait3A_375 = tpu.memref_squeeze %dma_wait3A_374 : memref<1x!tpu.dma_semaphore, #tpu.memory_space<semaphore_mem>> -> memref<!tpu.dma_semaphore, #tpu.memory_space<semaphore_mem>>
    %dma_wait3A_376 = arith.constant 1728 : i32
    %dma_wait3A_377 = arith.constant 0 : i32
    %dma_wait3A_378 = tpu.memref_slice %arg1[%dma_wait3A_376, %dma_wait3A_377] : memref<4096x16384xf32, #tpu.memory_space<hbm>> -> memref<64x16384xf32, #tpu.memory_space<hbm>>
    tpu.wait_dma2 semaphore(%dma_wait3A_375 : memref<!tpu.dma_semaphore, #tpu.memory_space<semaphore_mem>>) src(%arg2 : memref<64x16384xf32, #tpu.memory_space<vmem>>) dst(%dma_wait3A_378 : memref<64x16384xf32, #tpu.memory_space<hbm>>)
    %dma_start3A_379 = arith.constant 3 : i32
    %dma_start3A_380 = tpu.memref_slice %arg3[%dma_start3A_379] : memref<8x!tpu.dma_semaphore, #tpu.memory_space<semaphore_mem>> -> memref<1x!tpu.dma_semaphore, #tpu.memory_space<semaphore_mem>>
    %dma_start3A_381 = tpu.memref_squeeze %dma_start3A_380 : memref<1x!tpu.dma_semaphore, #tpu.memory_space<semaphore_mem>> -> memref<!tpu.dma_semaphore, #tpu.memory_space<semaphore_mem>>
    %dma_start3A_382 = arith.constant 2240 : i32
    %dma_start3A_383 = arith.constant 0 : i32
    %dma_start3A_384 = tpu.memref_slice %arg1[%dma_start3A_382, %dma_start3A_383] : memref<4096x16384xf32, #tpu.memory_space<hbm>> -> memref<64x16384xf32, #tpu.memory_space<hbm>>
    tpu.enqueue_dma source(%arg2 : memref<64x16384xf32, #tpu.memory_space<vmem>>) target(%dma_start3A_384 : memref<64x16384xf32, #tpu.memory_space<hbm>>) target_semaphore(%dma_start3A_381 : memref<!tpu.dma_semaphore, #tpu.memory_space<semaphore_mem>>)
    %dma_wait3A_385 = arith.constant 4 : i32
    %dma_wait3A_386 = tpu.memref_slice %arg3[%dma_wait3A_385] : memref<8x!tpu.dma_semaphore, #tpu.memory_space<semaphore_mem>> -> memref<1x!tpu.dma_semaphore, #tpu.memory_space<semaphore_mem>>
    %dma_wait3A_387 = tpu.memref_squeeze %dma_wait3A_386 : memref<1x!tpu.dma_semaphore, #tpu.memory_space<semaphore_mem>> -> memref<!tpu.dma_semaphore, #tpu.memory_space<semaphore_mem>>
    %dma_wait3A_388 = arith.constant 1792 : i32
    %dma_wait3A_389 = arith.constant 0 : i32
    %dma_wait3A_390 = tpu.memref_slice %arg1[%dma_wait3A_388, %dma_wait3A_389] : memref<4096x16384xf32, #tpu.memory_space<hbm>> -> memref<64x16384xf32, #tpu.memory_space<hbm>>
    tpu.wait_dma2 semaphore(%dma_wait3A_387 : memref<!tpu.dma_semaphore, #tpu.memory_space<semaphore_mem>>) src(%arg2 : memref<64x16384xf32, #tpu.memory_space<vmem>>) dst(%dma_wait3A_390 : memref<64x16384xf32, #tpu.memory_space<hbm>>)
    %dma_start3A_391 = arith.constant 4 : i32
    %dma_start3A_392 = tpu.memref_slice %arg3[%dma_start3A_391] : memref<8x!tpu.dma_semaphore, #tpu.memory_space<semaphore_mem>> -> memref<1x!tpu.dma_semaphore, #tpu.memory_space<semaphore_mem>>
    %dma_start3A_393 = tpu.memref_squeeze %dma_start3A_392 : memref<1x!tpu.dma_semaphore, #tpu.memory_space<semaphore_mem>> -> memref<!tpu.dma_semaphore, #tpu.memory_space<semaphore_mem>>
    %dma_start3A_394 = arith.constant 2304 : i32
    %dma_start3A_395 = arith.constant 0 : i32
    %dma_start3A_396 = tpu.memref_slice %arg1[%dma_start3A_394, %dma_start3A_395] : memref<4096x16384xf32, #tpu.memory_space<hbm>> -> memref<64x16384xf32, #tpu.memory_space<hbm>>
    tpu.enqueue_dma source(%arg2 : memref<64x16384xf32, #tpu.memory_space<vmem>>) target(%dma_start3A_396 : memref<64x16384xf32, #tpu.memory_space<hbm>>) target_semaphore(%dma_start3A_393 : memref<!tpu.dma_semaphore, #tpu.memory_space<semaphore_mem>>)
    %dma_wait3A_397 = arith.constant 5 : i32
    %dma_wait3A_398 = tpu.memref_slice %arg3[%dma_wait3A_397] : memref<8x!tpu.dma_semaphore, #tpu.memory_space<semaphore_mem>> -> memref<1x!tpu.dma_semaphore, #tpu.memory_space<semaphore_mem>>
    %dma_wait3A_399 = tpu.memref_squeeze %dma_wait3A_398 : memref<1x!tpu.dma_semaphore, #tpu.memory_space<semaphore_mem>> -> memref<!tpu.dma_semaphore, #tpu.memory_space<semaphore_mem>>
    %dma_wait3A_400 = arith.constant 1856 : i32
    %dma_wait3A_401 = arith.constant 0 : i32
    %dma_wait3A_402 = tpu.memref_slice %arg1[%dma_wait3A_400, %dma_wait3A_401] : memref<4096x16384xf32, #tpu.memory_space<hbm>> -> memref<64x16384xf32, #tpu.memory_space<hbm>>
    tpu.wait_dma2 semaphore(%dma_wait3A_399 : memref<!tpu.dma_semaphore, #tpu.memory_space<semaphore_mem>>) src(%arg2 : memref<64x16384xf32, #tpu.memory_space<vmem>>) dst(%dma_wait3A_402 : memref<64x16384xf32, #tpu.memory_space<hbm>>)
    %dma_start3A_403 = arith.constant 5 : i32
    %dma_start3A_404 = tpu.memref_slice %arg3[%dma_start3A_403] : memref<8x!tpu.dma_semaphore, #tpu.memory_space<semaphore_mem>> -> memref<1x!tpu.dma_semaphore, #tpu.memory_space<semaphore_mem>>
    %dma_start3A_405 = tpu.memref_squeeze %dma_start3A_404 : memref<1x!tpu.dma_semaphore, #tpu.memory_space<semaphore_mem>> -> memref<!tpu.dma_semaphore, #tpu.memory_space<semaphore_mem>>
    %dma_start3A_406 = arith.constant 2368 : i32
    %dma_start3A_407 = arith.constant 0 : i32
    %dma_start3A_408 = tpu.memref_slice %arg1[%dma_start3A_406, %dma_start3A_407] : memref<4096x16384xf32, #tpu.memory_space<hbm>> -> memref<64x16384xf32, #tpu.memory_space<hbm>>
    tpu.enqueue_dma source(%arg2 : memref<64x16384xf32, #tpu.memory_space<vmem>>) target(%dma_start3A_408 : memref<64x16384xf32, #tpu.memory_space<hbm>>) target_semaphore(%dma_start3A_405 : memref<!tpu.dma_semaphore, #tpu.memory_space<semaphore_mem>>)
    %dma_wait3A_409 = arith.constant 6 : i32
    %dma_wait3A_410 = tpu.memref_slice %arg3[%dma_wait3A_409] : memref<8x!tpu.dma_semaphore, #tpu.memory_space<semaphore_mem>> -> memref<1x!tpu.dma_semaphore, #tpu.memory_space<semaphore_mem>>
    %dma_wait3A_411 = tpu.memref_squeeze %dma_wait3A_410 : memref<1x!tpu.dma_semaphore, #tpu.memory_space<semaphore_mem>> -> memref<!tpu.dma_semaphore, #tpu.memory_space<semaphore_mem>>
    %dma_wait3A_412 = arith.constant 1920 : i32
    %dma_wait3A_413 = arith.constant 0 : i32
    %dma_wait3A_414 = tpu.memref_slice %arg1[%dma_wait3A_412, %dma_wait3A_413] : memref<4096x16384xf32, #tpu.memory_space<hbm>> -> memref<64x16384xf32, #tpu.memory_space<hbm>>
    tpu.wait_dma2 semaphore(%dma_wait3A_411 : memref<!tpu.dma_semaphore, #tpu.memory_space<semaphore_mem>>) src(%arg2 : memref<64x16384xf32, #tpu.memory_space<vmem>>) dst(%dma_wait3A_414 : memref<64x16384xf32, #tpu.memory_space<hbm>>)
    %dma_start3A_415 = arith.constant 6 : i32
    %dma_start3A_416 = tpu.memref_slice %arg3[%dma_start3A_415] : memref<8x!tpu.dma_semaphore, #tpu.memory_space<semaphore_mem>> -> memref<1x!tpu.dma_semaphore, #tpu.memory_space<semaphore_mem>>
    %dma_start3A_417 = tpu.memref_squeeze %dma_start3A_416 : memref<1x!tpu.dma_semaphore, #tpu.memory_space<semaphore_mem>> -> memref<!tpu.dma_semaphore, #tpu.memory_space<semaphore_mem>>
    %dma_start3A_418 = arith.constant 2432 : i32
    %dma_start3A_419 = arith.constant 0 : i32
    %dma_start3A_420 = tpu.memref_slice %arg1[%dma_start3A_418, %dma_start3A_419] : memref<4096x16384xf32, #tpu.memory_space<hbm>> -> memref<64x16384xf32, #tpu.memory_space<hbm>>
    tpu.enqueue_dma source(%arg2 : memref<64x16384xf32, #tpu.memory_space<vmem>>) target(%dma_start3A_420 : memref<64x16384xf32, #tpu.memory_space<hbm>>) target_semaphore(%dma_start3A_417 : memref<!tpu.dma_semaphore, #tpu.memory_space<semaphore_mem>>)
    %dma_wait3A_421 = arith.constant 7 : i32
    %dma_wait3A_422 = tpu.memref_slice %arg3[%dma_wait3A_421] : memref<8x!tpu.dma_semaphore, #tpu.memory_space<semaphore_mem>> -> memref<1x!tpu.dma_semaphore, #tpu.memory_space<semaphore_mem>>
    %dma_wait3A_423 = tpu.memref_squeeze %dma_wait3A_422 : memref<1x!tpu.dma_semaphore, #tpu.memory_space<semaphore_mem>> -> memref<!tpu.dma_semaphore, #tpu.memory_space<semaphore_mem>>
    %dma_wait3A_424 = arith.constant 1984 : i32
    %dma_wait3A_425 = arith.constant 0 : i32
    %dma_wait3A_426 = tpu.memref_slice %arg1[%dma_wait3A_424, %dma_wait3A_425] : memref<4096x16384xf32, #tpu.memory_space<hbm>> -> memref<64x16384xf32, #tpu.memory_space<hbm>>
    tpu.wait_dma2 semaphore(%dma_wait3A_423 : memref<!tpu.dma_semaphore, #tpu.memory_space<semaphore_mem>>) src(%arg2 : memref<64x16384xf32, #tpu.memory_space<vmem>>) dst(%dma_wait3A_426 : memref<64x16384xf32, #tpu.memory_space<hbm>>)
    %dma_start3A_427 = arith.constant 7 : i32
    %dma_start3A_428 = tpu.memref_slice %arg3[%dma_start3A_427] : memref<8x!tpu.dma_semaphore, #tpu.memory_space<semaphore_mem>> -> memref<1x!tpu.dma_semaphore, #tpu.memory_space<semaphore_mem>>
    %dma_start3A_429 = tpu.memref_squeeze %dma_start3A_428 : memref<1x!tpu.dma_semaphore, #tpu.memory_space<semaphore_mem>> -> memref<!tpu.dma_semaphore, #tpu.memory_space<semaphore_mem>>
    %dma_start3A_430 = arith.constant 2496 : i32
    %dma_start3A_431 = arith.constant 0 : i32
    %dma_start3A_432 = tpu.memref_slice %arg1[%dma_start3A_430, %dma_start3A_431] : memref<4096x16384xf32, #tpu.memory_space<hbm>> -> memref<64x16384xf32, #tpu.memory_space<hbm>>
    tpu.enqueue_dma source(%arg2 : memref<64x16384xf32, #tpu.memory_space<vmem>>) target(%dma_start3A_432 : memref<64x16384xf32, #tpu.memory_space<hbm>>) target_semaphore(%dma_start3A_429 : memref<!tpu.dma_semaphore, #tpu.memory_space<semaphore_mem>>)
    %dma_wait3A_433 = arith.constant 0 : i32
    %dma_wait3A_434 = tpu.memref_slice %arg3[%dma_wait3A_433] : memref<8x!tpu.dma_semaphore, #tpu.memory_space<semaphore_mem>> -> memref<1x!tpu.dma_semaphore, #tpu.memory_space<semaphore_mem>>
    %dma_wait3A_435 = tpu.memref_squeeze %dma_wait3A_434 : memref<1x!tpu.dma_semaphore, #tpu.memory_space<semaphore_mem>> -> memref<!tpu.dma_semaphore, #tpu.memory_space<semaphore_mem>>
    %dma_wait3A_436 = arith.constant 2048 : i32
    %dma_wait3A_437 = arith.constant 0 : i32
    %dma_wait3A_438 = tpu.memref_slice %arg1[%dma_wait3A_436, %dma_wait3A_437] : memref<4096x16384xf32, #tpu.memory_space<hbm>> -> memref<64x16384xf32, #tpu.memory_space<hbm>>
    tpu.wait_dma2 semaphore(%dma_wait3A_435 : memref<!tpu.dma_semaphore, #tpu.memory_space<semaphore_mem>>) src(%arg2 : memref<64x16384xf32, #tpu.memory_space<vmem>>) dst(%dma_wait3A_438 : memref<64x16384xf32, #tpu.memory_space<hbm>>)
    %dma_start3A_439 = arith.constant 0 : i32
    %dma_start3A_440 = tpu.memref_slice %arg3[%dma_start3A_439] : memref<8x!tpu.dma_semaphore, #tpu.memory_space<semaphore_mem>> -> memref<1x!tpu.dma_semaphore, #tpu.memory_space<semaphore_mem>>
    %dma_start3A_441 = tpu.memref_squeeze %dma_start3A_440 : memref<1x!tpu.dma_semaphore, #tpu.memory_space<semaphore_mem>> -> memref<!tpu.dma_semaphore, #tpu.memory_space<semaphore_mem>>
    %dma_start3A_442 = arith.constant 2560 : i32
    %dma_start3A_443 = arith.constant 0 : i32
    %dma_start3A_444 = tpu.memref_slice %arg1[%dma_start3A_442, %dma_start3A_443] : memref<4096x16384xf32, #tpu.memory_space<hbm>> -> memref<64x16384xf32, #tpu.memory_space<hbm>>
    tpu.enqueue_dma source(%arg2 : memref<64x16384xf32, #tpu.memory_space<vmem>>) target(%dma_start3A_444 : memref<64x16384xf32, #tpu.memory_space<hbm>>) target_semaphore(%dma_start3A_441 : memref<!tpu.dma_semaphore, #tpu.memory_space<semaphore_mem>>)
    %dma_wait3A_445 = arith.constant 1 : i32
    %dma_wait3A_446 = tpu.memref_slice %arg3[%dma_wait3A_445] : memref<8x!tpu.dma_semaphore, #tpu.memory_space<semaphore_mem>> -> memref<1x!tpu.dma_semaphore, #tpu.memory_space<semaphore_mem>>
    %dma_wait3A_447 = tpu.memref_squeeze %dma_wait3A_446 : memref<1x!tpu.dma_semaphore, #tpu.memory_space<semaphore_mem>> -> memref<!tpu.dma_semaphore, #tpu.memory_space<semaphore_mem>>
    %dma_wait3A_448 = arith.constant 2112 : i32
    %dma_wait3A_449 = arith.constant 0 : i32
    %dma_wait3A_450 = tpu.memref_slice %arg1[%dma_wait3A_448, %dma_wait3A_449] : memref<4096x16384xf32, #tpu.memory_space<hbm>> -> memref<64x16384xf32, #tpu.memory_space<hbm>>
    tpu.wait_dma2 semaphore(%dma_wait3A_447 : memref<!tpu.dma_semaphore, #tpu.memory_space<semaphore_mem>>) src(%arg2 : memref<64x16384xf32, #tpu.memory_space<vmem>>) dst(%dma_wait3A_450 : memref<64x16384xf32, #tpu.memory_space<hbm>>)
    %dma_start3A_451 = arith.constant 1 : i32
    %dma_start3A_452 = tpu.memref_slice %arg3[%dma_start3A_451] : memref<8x!tpu.dma_semaphore, #tpu.memory_space<semaphore_mem>> -> memref<1x!tpu.dma_semaphore, #tpu.memory_space<semaphore_mem>>
    %dma_start3A_453 = tpu.memref_squeeze %dma_start3A_452 : memref<1x!tpu.dma_semaphore, #tpu.memory_space<semaphore_mem>> -> memref<!tpu.dma_semaphore, #tpu.memory_space<semaphore_mem>>
    %dma_start3A_454 = arith.constant 2624 : i32
    %dma_start3A_455 = arith.constant 0 : i32
    %dma_start3A_456 = tpu.memref_slice %arg1[%dma_start3A_454, %dma_start3A_455] : memref<4096x16384xf32, #tpu.memory_space<hbm>> -> memref<64x16384xf32, #tpu.memory_space<hbm>>
    tpu.enqueue_dma source(%arg2 : memref<64x16384xf32, #tpu.memory_space<vmem>>) target(%dma_start3A_456 : memref<64x16384xf32, #tpu.memory_space<hbm>>) target_semaphore(%dma_start3A_453 : memref<!tpu.dma_semaphore, #tpu.memory_space<semaphore_mem>>)
    %dma_wait3A_457 = arith.constant 2 : i32
    %dma_wait3A_458 = tpu.memref_slice %arg3[%dma_wait3A_457] : memref<8x!tpu.dma_semaphore, #tpu.memory_space<semaphore_mem>> -> memref<1x!tpu.dma_semaphore, #tpu.memory_space<semaphore_mem>>
    %dma_wait3A_459 = tpu.memref_squeeze %dma_wait3A_458 : memref<1x!tpu.dma_semaphore, #tpu.memory_space<semaphore_mem>> -> memref<!tpu.dma_semaphore, #tpu.memory_space<semaphore_mem>>
    %dma_wait3A_460 = arith.constant 2176 : i32
    %dma_wait3A_461 = arith.constant 0 : i32
    %dma_wait3A_462 = tpu.memref_slice %arg1[%dma_wait3A_460, %dma_wait3A_461] : memref<4096x16384xf32, #tpu.memory_space<hbm>> -> memref<64x16384xf32, #tpu.memory_space<hbm>>
    tpu.wait_dma2 semaphore(%dma_wait3A_459 : memref<!tpu.dma_semaphore, #tpu.memory_space<semaphore_mem>>) src(%arg2 : memref<64x16384xf32, #tpu.memory_space<vmem>>) dst(%dma_wait3A_462 : memref<64x16384xf32, #tpu.memory_space<hbm>>)
    %dma_start3A_463 = arith.constant 2 : i32
    %dma_start3A_464 = tpu.memref_slice %arg3[%dma_start3A_463] : memref<8x!tpu.dma_semaphore, #tpu.memory_space<semaphore_mem>> -> memref<1x!tpu.dma_semaphore, #tpu.memory_space<semaphore_mem>>
    %dma_start3A_465 = tpu.memref_squeeze %dma_start3A_464 : memref<1x!tpu.dma_semaphore, #tpu.memory_space<semaphore_mem>> -> memref<!tpu.dma_semaphore, #tpu.memory_space<semaphore_mem>>
    %dma_start3A_466 = arith.constant 2688 : i32
    %dma_start3A_467 = arith.constant 0 : i32
    %dma_start3A_468 = tpu.memref_slice %arg1[%dma_start3A_466, %dma_start3A_467] : memref<4096x16384xf32, #tpu.memory_space<hbm>> -> memref<64x16384xf32, #tpu.memory_space<hbm>>
    tpu.enqueue_dma source(%arg2 : memref<64x16384xf32, #tpu.memory_space<vmem>>) target(%dma_start3A_468 : memref<64x16384xf32, #tpu.memory_space<hbm>>) target_semaphore(%dma_start3A_465 : memref<!tpu.dma_semaphore, #tpu.memory_space<semaphore_mem>>)
    %dma_wait3A_469 = arith.constant 3 : i32
    %dma_wait3A_470 = tpu.memref_slice %arg3[%dma_wait3A_469] : memref<8x!tpu.dma_semaphore, #tpu.memory_space<semaphore_mem>> -> memref<1x!tpu.dma_semaphore, #tpu.memory_space<semaphore_mem>>
    %dma_wait3A_471 = tpu.memref_squeeze %dma_wait3A_470 : memref<1x!tpu.dma_semaphore, #tpu.memory_space<semaphore_mem>> -> memref<!tpu.dma_semaphore, #tpu.memory_space<semaphore_mem>>
    %dma_wait3A_472 = arith.constant 2240 : i32
    %dma_wait3A_473 = arith.constant 0 : i32
    %dma_wait3A_474 = tpu.memref_slice %arg1[%dma_wait3A_472, %dma_wait3A_473] : memref<4096x16384xf32, #tpu.memory_space<hbm>> -> memref<64x16384xf32, #tpu.memory_space<hbm>>
    tpu.wait_dma2 semaphore(%dma_wait3A_471 : memref<!tpu.dma_semaphore, #tpu.memory_space<semaphore_mem>>) src(%arg2 : memref<64x16384xf32, #tpu.memory_space<vmem>>) dst(%dma_wait3A_474 : memref<64x16384xf32, #tpu.memory_space<hbm>>)
    %dma_start3A_475 = arith.constant 3 : i32
    %dma_start3A_476 = tpu.memref_slice %arg3[%dma_start3A_475] : memref<8x!tpu.dma_semaphore, #tpu.memory_space<semaphore_mem>> -> memref<1x!tpu.dma_semaphore, #tpu.memory_space<semaphore_mem>>
    %dma_start3A_477 = tpu.memref_squeeze %dma_start3A_476 : memref<1x!tpu.dma_semaphore, #tpu.memory_space<semaphore_mem>> -> memref<!tpu.dma_semaphore, #tpu.memory_space<semaphore_mem>>
    %dma_start3A_478 = arith.constant 2752 : i32
    %dma_start3A_479 = arith.constant 0 : i32
    %dma_start3A_480 = tpu.memref_slice %arg1[%dma_start3A_478, %dma_start3A_479] : memref<4096x16384xf32, #tpu.memory_space<hbm>> -> memref<64x16384xf32, #tpu.memory_space<hbm>>
    tpu.enqueue_dma source(%arg2 : memref<64x16384xf32, #tpu.memory_space<vmem>>) target(%dma_start3A_480 : memref<64x16384xf32, #tpu.memory_space<hbm>>) target_semaphore(%dma_start3A_477 : memref<!tpu.dma_semaphore, #tpu.memory_space<semaphore_mem>>)
    %dma_wait3A_481 = arith.constant 4 : i32
    %dma_wait3A_482 = tpu.memref_slice %arg3[%dma_wait3A_481] : memref<8x!tpu.dma_semaphore, #tpu.memory_space<semaphore_mem>> -> memref<1x!tpu.dma_semaphore, #tpu.memory_space<semaphore_mem>>
    %dma_wait3A_483 = tpu.memref_squeeze %dma_wait3A_482 : memref<1x!tpu.dma_semaphore, #tpu.memory_space<semaphore_mem>> -> memref<!tpu.dma_semaphore, #tpu.memory_space<semaphore_mem>>
    %dma_wait3A_484 = arith.constant 2304 : i32
    %dma_wait3A_485 = arith.constant 0 : i32
    %dma_wait3A_486 = tpu.memref_slice %arg1[%dma_wait3A_484, %dma_wait3A_485] : memref<4096x16384xf32, #tpu.memory_space<hbm>> -> memref<64x16384xf32, #tpu.memory_space<hbm>>
    tpu.wait_dma2 semaphore(%dma_wait3A_483 : memref<!tpu.dma_semaphore, #tpu.memory_space<semaphore_mem>>) src(%arg2 : memref<64x16384xf32, #tpu.memory_space<vmem>>) dst(%dma_wait3A_486 : memref<64x16384xf32, #tpu.memory_space<hbm>>)
    %dma_start3A_487 = arith.constant 4 : i32
    %dma_start3A_488 = tpu.memref_slice %arg3[%dma_start3A_487] : memref<8x!tpu.dma_semaphore, #tpu.memory_space<semaphore_mem>> -> memref<1x!tpu.dma_semaphore, #tpu.memory_space<semaphore_mem>>
    %dma_start3A_489 = tpu.memref_squeeze %dma_start3A_488 : memref<1x!tpu.dma_semaphore, #tpu.memory_space<semaphore_mem>> -> memref<!tpu.dma_semaphore, #tpu.memory_space<semaphore_mem>>
    %dma_start3A_490 = arith.constant 2816 : i32
    %dma_start3A_491 = arith.constant 0 : i32
    %dma_start3A_492 = tpu.memref_slice %arg1[%dma_start3A_490, %dma_start3A_491] : memref<4096x16384xf32, #tpu.memory_space<hbm>> -> memref<64x16384xf32, #tpu.memory_space<hbm>>
    tpu.enqueue_dma source(%arg2 : memref<64x16384xf32, #tpu.memory_space<vmem>>) target(%dma_start3A_492 : memref<64x16384xf32, #tpu.memory_space<hbm>>) target_semaphore(%dma_start3A_489 : memref<!tpu.dma_semaphore, #tpu.memory_space<semaphore_mem>>)
    %dma_wait3A_493 = arith.constant 5 : i32
    %dma_wait3A_494 = tpu.memref_slice %arg3[%dma_wait3A_493] : memref<8x!tpu.dma_semaphore, #tpu.memory_space<semaphore_mem>> -> memref<1x!tpu.dma_semaphore, #tpu.memory_space<semaphore_mem>>
    %dma_wait3A_495 = tpu.memref_squeeze %dma_wait3A_494 : memref<1x!tpu.dma_semaphore, #tpu.memory_space<semaphore_mem>> -> memref<!tpu.dma_semaphore, #tpu.memory_space<semaphore_mem>>
    %dma_wait3A_496 = arith.constant 2368 : i32
    %dma_wait3A_497 = arith.constant 0 : i32
    %dma_wait3A_498 = tpu.memref_slice %arg1[%dma_wait3A_496, %dma_wait3A_497] : memref<4096x16384xf32, #tpu.memory_space<hbm>> -> memref<64x16384xf32, #tpu.memory_space<hbm>>
    tpu.wait_dma2 semaphore(%dma_wait3A_495 : memref<!tpu.dma_semaphore, #tpu.memory_space<semaphore_mem>>) src(%arg2 : memref<64x16384xf32, #tpu.memory_space<vmem>>) dst(%dma_wait3A_498 : memref<64x16384xf32, #tpu.memory_space<hbm>>)
    %dma_start3A_499 = arith.constant 5 : i32
    %dma_start3A_500 = tpu.memref_slice %arg3[%dma_start3A_499] : memref<8x!tpu.dma_semaphore, #tpu.memory_space<semaphore_mem>> -> memref<1x!tpu.dma_semaphore, #tpu.memory_space<semaphore_mem>>
    %dma_start3A_501 = tpu.memref_squeeze %dma_start3A_500 : memref<1x!tpu.dma_semaphore, #tpu.memory_space<semaphore_mem>> -> memref<!tpu.dma_semaphore, #tpu.memory_space<semaphore_mem>>
    %dma_start3A_502 = arith.constant 2880 : i32
    %dma_start3A_503 = arith.constant 0 : i32
    %dma_start3A_504 = tpu.memref_slice %arg1[%dma_start3A_502, %dma_start3A_503] : memref<4096x16384xf32, #tpu.memory_space<hbm>> -> memref<64x16384xf32, #tpu.memory_space<hbm>>
    tpu.enqueue_dma source(%arg2 : memref<64x16384xf32, #tpu.memory_space<vmem>>) target(%dma_start3A_504 : memref<64x16384xf32, #tpu.memory_space<hbm>>) target_semaphore(%dma_start3A_501 : memref<!tpu.dma_semaphore, #tpu.memory_space<semaphore_mem>>)
    %dma_wait3A_505 = arith.constant 6 : i32
    %dma_wait3A_506 = tpu.memref_slice %arg3[%dma_wait3A_505] : memref<8x!tpu.dma_semaphore, #tpu.memory_space<semaphore_mem>> -> memref<1x!tpu.dma_semaphore, #tpu.memory_space<semaphore_mem>>
    %dma_wait3A_507 = tpu.memref_squeeze %dma_wait3A_506 : memref<1x!tpu.dma_semaphore, #tpu.memory_space<semaphore_mem>> -> memref<!tpu.dma_semaphore, #tpu.memory_space<semaphore_mem>>
    %dma_wait3A_508 = arith.constant 2432 : i32
    %dma_wait3A_509 = arith.constant 0 : i32
    %dma_wait3A_510 = tpu.memref_slice %arg1[%dma_wait3A_508, %dma_wait3A_509] : memref<4096x16384xf32, #tpu.memory_space<hbm>> -> memref<64x16384xf32, #tpu.memory_space<hbm>>
    tpu.wait_dma2 semaphore(%dma_wait3A_507 : memref<!tpu.dma_semaphore, #tpu.memory_space<semaphore_mem>>) src(%arg2 : memref<64x16384xf32, #tpu.memory_space<vmem>>) dst(%dma_wait3A_510 : memref<64x16384xf32, #tpu.memory_space<hbm>>)
    %dma_start3A_511 = arith.constant 6 : i32
    %dma_start3A_512 = tpu.memref_slice %arg3[%dma_start3A_511] : memref<8x!tpu.dma_semaphore, #tpu.memory_space<semaphore_mem>> -> memref<1x!tpu.dma_semaphore, #tpu.memory_space<semaphore_mem>>
    %dma_start3A_513 = tpu.memref_squeeze %dma_start3A_512 : memref<1x!tpu.dma_semaphore, #tpu.memory_space<semaphore_mem>> -> memref<!tpu.dma_semaphore, #tpu.memory_space<semaphore_mem>>
    %dma_start3A_514 = arith.constant 2944 : i32
    %dma_start3A_515 = arith.constant 0 : i32
    %dma_start3A_516 = tpu.memref_slice %arg1[%dma_start3A_514, %dma_start3A_515] : memref<4096x16384xf32, #tpu.memory_space<hbm>> -> memref<64x16384xf32, #tpu.memory_space<hbm>>
    tpu.enqueue_dma source(%arg2 : memref<64x16384xf32, #tpu.memory_space<vmem>>) target(%dma_start3A_516 : memref<64x16384xf32, #tpu.memory_space<hbm>>) target_semaphore(%dma_start3A_513 : memref<!tpu.dma_semaphore, #tpu.memory_space<semaphore_mem>>)
    %dma_wait3A_517 = arith.constant 7 : i32
    %dma_wait3A_518 = tpu.memref_slice %arg3[%dma_wait3A_517] : memref<8x!tpu.dma_semaphore, #tpu.memory_space<semaphore_mem>> -> memref<1x!tpu.dma_semaphore, #tpu.memory_space<semaphore_mem>>
    %dma_wait3A_519 = tpu.memref_squeeze %dma_wait3A_518 : memref<1x!tpu.dma_semaphore, #tpu.memory_space<semaphore_mem>> -> memref<!tpu.dma_semaphore, #tpu.memory_space<semaphore_mem>>
    %dma_wait3A_520 = arith.constant 2496 : i32
    %dma_wait3A_521 = arith.constant 0 : i32
    %dma_wait3A_522 = tpu.memref_slice %arg1[%dma_wait3A_520, %dma_wait3A_521] : memref<4096x16384xf32, #tpu.memory_space<hbm>> -> memref<64x16384xf32, #tpu.memory_space<hbm>>
    tpu.wait_dma2 semaphore(%dma_wait3A_519 : memref<!tpu.dma_semaphore, #tpu.memory_space<semaphore_mem>>) src(%arg2 : memref<64x16384xf32, #tpu.memory_space<vmem>>) dst(%dma_wait3A_522 : memref<64x16384xf32, #tpu.memory_space<hbm>>)
    %dma_start3A_523 = arith.constant 7 : i32
    %dma_start3A_524 = tpu.memref_slice %arg3[%dma_start3A_523] : memref<8x!tpu.dma_semaphore, #tpu.memory_space<semaphore_mem>> -> memref<1x!tpu.dma_semaphore, #tpu.memory_space<semaphore_mem>>
    %dma_start3A_525 = tpu.memref_squeeze %dma_start3A_524 : memref<1x!tpu.dma_semaphore, #tpu.memory_space<semaphore_mem>> -> memref<!tpu.dma_semaphore, #tpu.memory_space<semaphore_mem>>
    %dma_start3A_526 = arith.constant 3008 : i32
    %dma_start3A_527 = arith.constant 0 : i32
    %dma_start3A_528 = tpu.memref_slice %arg1[%dma_start3A_526, %dma_start3A_527] : memref<4096x16384xf32, #tpu.memory_space<hbm>> -> memref<64x16384xf32, #tpu.memory_space<hbm>>
    tpu.enqueue_dma source(%arg2 : memref<64x16384xf32, #tpu.memory_space<vmem>>) target(%dma_start3A_528 : memref<64x16384xf32, #tpu.memory_space<hbm>>) target_semaphore(%dma_start3A_525 : memref<!tpu.dma_semaphore, #tpu.memory_space<semaphore_mem>>)
    %dma_wait3A_529 = arith.constant 0 : i32
    %dma_wait3A_530 = tpu.memref_slice %arg3[%dma_wait3A_529] : memref<8x!tpu.dma_semaphore, #tpu.memory_space<semaphore_mem>> -> memref<1x!tpu.dma_semaphore, #tpu.memory_space<semaphore_mem>>
    %dma_wait3A_531 = tpu.memref_squeeze %dma_wait3A_530 : memref<1x!tpu.dma_semaphore, #tpu.memory_space<semaphore_mem>> -> memref<!tpu.dma_semaphore, #tpu.memory_space<semaphore_mem>>
    %dma_wait3A_532 = arith.constant 2560 : i32
    %dma_wait3A_533 = arith.constant 0 : i32
    %dma_wait3A_534 = tpu.memref_slice %arg1[%dma_wait3A_532, %dma_wait3A_533] : memref<4096x16384xf32, #tpu.memory_space<hbm>> -> memref<64x16384xf32, #tpu.memory_space<hbm>>
    tpu.wait_dma2 semaphore(%dma_wait3A_531 : memref<!tpu.dma_semaphore, #tpu.memory_space<semaphore_mem>>) src(%arg2 : memref<64x16384xf32, #tpu.memory_space<vmem>>) dst(%dma_wait3A_534 : memref<64x16384xf32, #tpu.memory_space<hbm>>)
    %dma_start3A_535 = arith.constant 0 : i32
    %dma_start3A_536 = tpu.memref_slice %arg3[%dma_start3A_535] : memref<8x!tpu.dma_semaphore, #tpu.memory_space<semaphore_mem>> -> memref<1x!tpu.dma_semaphore, #tpu.memory_space<semaphore_mem>>
    %dma_start3A_537 = tpu.memref_squeeze %dma_start3A_536 : memref<1x!tpu.dma_semaphore, #tpu.memory_space<semaphore_mem>> -> memref<!tpu.dma_semaphore, #tpu.memory_space<semaphore_mem>>
    %dma_start3A_538 = arith.constant 3072 : i32
    %dma_start3A_539 = arith.constant 0 : i32
    %dma_start3A_540 = tpu.memref_slice %arg1[%dma_start3A_538, %dma_start3A_539] : memref<4096x16384xf32, #tpu.memory_space<hbm>> -> memref<64x16384xf32, #tpu.memory_space<hbm>>
    tpu.enqueue_dma source(%arg2 : memref<64x16384xf32, #tpu.memory_space<vmem>>) target(%dma_start3A_540 : memref<64x16384xf32, #tpu.memory_space<hbm>>) target_semaphore(%dma_start3A_537 : memref<!tpu.dma_semaphore, #tpu.memory_space<semaphore_mem>>)
    %dma_wait3A_541 = arith.constant 1 : i32
    %dma_wait3A_542 = tpu.memref_slice %arg3[%dma_wait3A_541] : memref<8x!tpu.dma_semaphore, #tpu.memory_space<semaphore_mem>> -> memref<1x!tpu.dma_semaphore, #tpu.memory_space<semaphore_mem>>
    %dma_wait3A_543 = tpu.memref_squeeze %dma_wait3A_542 : memref<1x!tpu.dma_semaphore, #tpu.memory_space<semaphore_mem>> -> memref<!tpu.dma_semaphore, #tpu.memory_space<semaphore_mem>>
    %dma_wait3A_544 = arith.constant 2624 : i32
    %dma_wait3A_545 = arith.constant 0 : i32
    %dma_wait3A_546 = tpu.memref_slice %arg1[%dma_wait3A_544, %dma_wait3A_545] : memref<4096x16384xf32, #tpu.memory_space<hbm>> -> memref<64x16384xf32, #tpu.memory_space<hbm>>
    tpu.wait_dma2 semaphore(%dma_wait3A_543 : memref<!tpu.dma_semaphore, #tpu.memory_space<semaphore_mem>>) src(%arg2 : memref<64x16384xf32, #tpu.memory_space<vmem>>) dst(%dma_wait3A_546 : memref<64x16384xf32, #tpu.memory_space<hbm>>)
    %dma_start3A_547 = arith.constant 1 : i32
    %dma_start3A_548 = tpu.memref_slice %arg3[%dma_start3A_547] : memref<8x!tpu.dma_semaphore, #tpu.memory_space<semaphore_mem>> -> memref<1x!tpu.dma_semaphore, #tpu.memory_space<semaphore_mem>>
    %dma_start3A_549 = tpu.memref_squeeze %dma_start3A_548 : memref<1x!tpu.dma_semaphore, #tpu.memory_space<semaphore_mem>> -> memref<!tpu.dma_semaphore, #tpu.memory_space<semaphore_mem>>
    %dma_start3A_550 = arith.constant 3136 : i32
    %dma_start3A_551 = arith.constant 0 : i32
    %dma_start3A_552 = tpu.memref_slice %arg1[%dma_start3A_550, %dma_start3A_551] : memref<4096x16384xf32, #tpu.memory_space<hbm>> -> memref<64x16384xf32, #tpu.memory_space<hbm>>
    tpu.enqueue_dma source(%arg2 : memref<64x16384xf32, #tpu.memory_space<vmem>>) target(%dma_start3A_552 : memref<64x16384xf32, #tpu.memory_space<hbm>>) target_semaphore(%dma_start3A_549 : memref<!tpu.dma_semaphore, #tpu.memory_space<semaphore_mem>>)
    %dma_wait3A_553 = arith.constant 2 : i32
    %dma_wait3A_554 = tpu.memref_slice %arg3[%dma_wait3A_553] : memref<8x!tpu.dma_semaphore, #tpu.memory_space<semaphore_mem>> -> memref<1x!tpu.dma_semaphore, #tpu.memory_space<semaphore_mem>>
    %dma_wait3A_555 = tpu.memref_squeeze %dma_wait3A_554 : memref<1x!tpu.dma_semaphore, #tpu.memory_space<semaphore_mem>> -> memref<!tpu.dma_semaphore, #tpu.memory_space<semaphore_mem>>
    %dma_wait3A_556 = arith.constant 2688 : i32
    %dma_wait3A_557 = arith.constant 0 : i32
    %dma_wait3A_558 = tpu.memref_slice %arg1[%dma_wait3A_556, %dma_wait3A_557] : memref<4096x16384xf32, #tpu.memory_space<hbm>> -> memref<64x16384xf32, #tpu.memory_space<hbm>>
    tpu.wait_dma2 semaphore(%dma_wait3A_555 : memref<!tpu.dma_semaphore, #tpu.memory_space<semaphore_mem>>) src(%arg2 : memref<64x16384xf32, #tpu.memory_space<vmem>>) dst(%dma_wait3A_558 : memref<64x16384xf32, #tpu.memory_space<hbm>>)
    %dma_start3A_559 = arith.constant 2 : i32
    %dma_start3A_560 = tpu.memref_slice %arg3[%dma_start3A_559] : memref<8x!tpu.dma_semaphore, #tpu.memory_space<semaphore_mem>> -> memref<1x!tpu.dma_semaphore, #tpu.memory_space<semaphore_mem>>
    %dma_start3A_561 = tpu.memref_squeeze %dma_start3A_560 : memref<1x!tpu.dma_semaphore, #tpu.memory_space<semaphore_mem>> -> memref<!tpu.dma_semaphore, #tpu.memory_space<semaphore_mem>>
    %dma_start3A_562 = arith.constant 3200 : i32
    %dma_start3A_563 = arith.constant 0 : i32
    %dma_start3A_564 = tpu.memref_slice %arg1[%dma_start3A_562, %dma_start3A_563] : memref<4096x16384xf32, #tpu.memory_space<hbm>> -> memref<64x16384xf32, #tpu.memory_space<hbm>>
    tpu.enqueue_dma source(%arg2 : memref<64x16384xf32, #tpu.memory_space<vmem>>) target(%dma_start3A_564 : memref<64x16384xf32, #tpu.memory_space<hbm>>) target_semaphore(%dma_start3A_561 : memref<!tpu.dma_semaphore, #tpu.memory_space<semaphore_mem>>)
    %dma_wait3A_565 = arith.constant 3 : i32
    %dma_wait3A_566 = tpu.memref_slice %arg3[%dma_wait3A_565] : memref<8x!tpu.dma_semaphore, #tpu.memory_space<semaphore_mem>> -> memref<1x!tpu.dma_semaphore, #tpu.memory_space<semaphore_mem>>
    %dma_wait3A_567 = tpu.memref_squeeze %dma_wait3A_566 : memref<1x!tpu.dma_semaphore, #tpu.memory_space<semaphore_mem>> -> memref<!tpu.dma_semaphore, #tpu.memory_space<semaphore_mem>>
    %dma_wait3A_568 = arith.constant 2752 : i32
    %dma_wait3A_569 = arith.constant 0 : i32
    %dma_wait3A_570 = tpu.memref_slice %arg1[%dma_wait3A_568, %dma_wait3A_569] : memref<4096x16384xf32, #tpu.memory_space<hbm>> -> memref<64x16384xf32, #tpu.memory_space<hbm>>
    tpu.wait_dma2 semaphore(%dma_wait3A_567 : memref<!tpu.dma_semaphore, #tpu.memory_space<semaphore_mem>>) src(%arg2 : memref<64x16384xf32, #tpu.memory_space<vmem>>) dst(%dma_wait3A_570 : memref<64x16384xf32, #tpu.memory_space<hbm>>)
    %dma_start3A_571 = arith.constant 3 : i32
    %dma_start3A_572 = tpu.memref_slice %arg3[%dma_start3A_571] : memref<8x!tpu.dma_semaphore, #tpu.memory_space<semaphore_mem>> -> memref<1x!tpu.dma_semaphore, #tpu.memory_space<semaphore_mem>>
    %dma_start3A_573 = tpu.memref_squeeze %dma_start3A_572 : memref<1x!tpu.dma_semaphore, #tpu.memory_space<semaphore_mem>> -> memref<!tpu.dma_semaphore, #tpu.memory_space<semaphore_mem>>
    %dma_start3A_574 = arith.constant 3264 : i32
    %dma_start3A_575 = arith.constant 0 : i32
    %dma_start3A_576 = tpu.memref_slice %arg1[%dma_start3A_574, %dma_start3A_575] : memref<4096x16384xf32, #tpu.memory_space<hbm>> -> memref<64x16384xf32, #tpu.memory_space<hbm>>
    tpu.enqueue_dma source(%arg2 : memref<64x16384xf32, #tpu.memory_space<vmem>>) target(%dma_start3A_576 : memref<64x16384xf32, #tpu.memory_space<hbm>>) target_semaphore(%dma_start3A_573 : memref<!tpu.dma_semaphore, #tpu.memory_space<semaphore_mem>>)
    %dma_wait3A_577 = arith.constant 4 : i32
    %dma_wait3A_578 = tpu.memref_slice %arg3[%dma_wait3A_577] : memref<8x!tpu.dma_semaphore, #tpu.memory_space<semaphore_mem>> -> memref<1x!tpu.dma_semaphore, #tpu.memory_space<semaphore_mem>>
    %dma_wait3A_579 = tpu.memref_squeeze %dma_wait3A_578 : memref<1x!tpu.dma_semaphore, #tpu.memory_space<semaphore_mem>> -> memref<!tpu.dma_semaphore, #tpu.memory_space<semaphore_mem>>
    %dma_wait3A_580 = arith.constant 2816 : i32
    %dma_wait3A_581 = arith.constant 0 : i32
    %dma_wait3A_582 = tpu.memref_slice %arg1[%dma_wait3A_580, %dma_wait3A_581] : memref<4096x16384xf32, #tpu.memory_space<hbm>> -> memref<64x16384xf32, #tpu.memory_space<hbm>>
    tpu.wait_dma2 semaphore(%dma_wait3A_579 : memref<!tpu.dma_semaphore, #tpu.memory_space<semaphore_mem>>) src(%arg2 : memref<64x16384xf32, #tpu.memory_space<vmem>>) dst(%dma_wait3A_582 : memref<64x16384xf32, #tpu.memory_space<hbm>>)
    %dma_start3A_583 = arith.constant 4 : i32
    %dma_start3A_584 = tpu.memref_slice %arg3[%dma_start3A_583] : memref<8x!tpu.dma_semaphore, #tpu.memory_space<semaphore_mem>> -> memref<1x!tpu.dma_semaphore, #tpu.memory_space<semaphore_mem>>
    %dma_start3A_585 = tpu.memref_squeeze %dma_start3A_584 : memref<1x!tpu.dma_semaphore, #tpu.memory_space<semaphore_mem>> -> memref<!tpu.dma_semaphore, #tpu.memory_space<semaphore_mem>>
    %dma_start3A_586 = arith.constant 3328 : i32
    %dma_start3A_587 = arith.constant 0 : i32
    %dma_start3A_588 = tpu.memref_slice %arg1[%dma_start3A_586, %dma_start3A_587] : memref<4096x16384xf32, #tpu.memory_space<hbm>> -> memref<64x16384xf32, #tpu.memory_space<hbm>>
    tpu.enqueue_dma source(%arg2 : memref<64x16384xf32, #tpu.memory_space<vmem>>) target(%dma_start3A_588 : memref<64x16384xf32, #tpu.memory_space<hbm>>) target_semaphore(%dma_start3A_585 : memref<!tpu.dma_semaphore, #tpu.memory_space<semaphore_mem>>)
    %dma_wait3A_589 = arith.constant 5 : i32
    %dma_wait3A_590 = tpu.memref_slice %arg3[%dma_wait3A_589] : memref<8x!tpu.dma_semaphore, #tpu.memory_space<semaphore_mem>> -> memref<1x!tpu.dma_semaphore, #tpu.memory_space<semaphore_mem>>
    %dma_wait3A_591 = tpu.memref_squeeze %dma_wait3A_590 : memref<1x!tpu.dma_semaphore, #tpu.memory_space<semaphore_mem>> -> memref<!tpu.dma_semaphore, #tpu.memory_space<semaphore_mem>>
    %dma_wait3A_592 = arith.constant 2880 : i32
    %dma_wait3A_593 = arith.constant 0 : i32
    %dma_wait3A_594 = tpu.memref_slice %arg1[%dma_wait3A_592, %dma_wait3A_593] : memref<4096x16384xf32, #tpu.memory_space<hbm>> -> memref<64x16384xf32, #tpu.memory_space<hbm>>
    tpu.wait_dma2 semaphore(%dma_wait3A_591 : memref<!tpu.dma_semaphore, #tpu.memory_space<semaphore_mem>>) src(%arg2 : memref<64x16384xf32, #tpu.memory_space<vmem>>) dst(%dma_wait3A_594 : memref<64x16384xf32, #tpu.memory_space<hbm>>)
    %dma_start3A_595 = arith.constant 5 : i32
    %dma_start3A_596 = tpu.memref_slice %arg3[%dma_start3A_595] : memref<8x!tpu.dma_semaphore, #tpu.memory_space<semaphore_mem>> -> memref<1x!tpu.dma_semaphore, #tpu.memory_space<semaphore_mem>>
    %dma_start3A_597 = tpu.memref_squeeze %dma_start3A_596 : memref<1x!tpu.dma_semaphore, #tpu.memory_space<semaphore_mem>> -> memref<!tpu.dma_semaphore, #tpu.memory_space<semaphore_mem>>
    %dma_start3A_598 = arith.constant 3392 : i32
    %dma_start3A_599 = arith.constant 0 : i32
    %dma_start3A_600 = tpu.memref_slice %arg1[%dma_start3A_598, %dma_start3A_599] : memref<4096x16384xf32, #tpu.memory_space<hbm>> -> memref<64x16384xf32, #tpu.memory_space<hbm>>
    tpu.enqueue_dma source(%arg2 : memref<64x16384xf32, #tpu.memory_space<vmem>>) target(%dma_start3A_600 : memref<64x16384xf32, #tpu.memory_space<hbm>>) target_semaphore(%dma_start3A_597 : memref<!tpu.dma_semaphore, #tpu.memory_space<semaphore_mem>>)
    %dma_wait3A_601 = arith.constant 6 : i32
    %dma_wait3A_602 = tpu.memref_slice %arg3[%dma_wait3A_601] : memref<8x!tpu.dma_semaphore, #tpu.memory_space<semaphore_mem>> -> memref<1x!tpu.dma_semaphore, #tpu.memory_space<semaphore_mem>>
    %dma_wait3A_603 = tpu.memref_squeeze %dma_wait3A_602 : memref<1x!tpu.dma_semaphore, #tpu.memory_space<semaphore_mem>> -> memref<!tpu.dma_semaphore, #tpu.memory_space<semaphore_mem>>
    %dma_wait3A_604 = arith.constant 2944 : i32
    %dma_wait3A_605 = arith.constant 0 : i32
    %dma_wait3A_606 = tpu.memref_slice %arg1[%dma_wait3A_604, %dma_wait3A_605] : memref<4096x16384xf32, #tpu.memory_space<hbm>> -> memref<64x16384xf32, #tpu.memory_space<hbm>>
    tpu.wait_dma2 semaphore(%dma_wait3A_603 : memref<!tpu.dma_semaphore, #tpu.memory_space<semaphore_mem>>) src(%arg2 : memref<64x16384xf32, #tpu.memory_space<vmem>>) dst(%dma_wait3A_606 : memref<64x16384xf32, #tpu.memory_space<hbm>>)
    %dma_start3A_607 = arith.constant 6 : i32
    %dma_start3A_608 = tpu.memref_slice %arg3[%dma_start3A_607] : memref<8x!tpu.dma_semaphore, #tpu.memory_space<semaphore_mem>> -> memref<1x!tpu.dma_semaphore, #tpu.memory_space<semaphore_mem>>
    %dma_start3A_609 = tpu.memref_squeeze %dma_start3A_608 : memref<1x!tpu.dma_semaphore, #tpu.memory_space<semaphore_mem>> -> memref<!tpu.dma_semaphore, #tpu.memory_space<semaphore_mem>>
    %dma_start3A_610 = arith.constant 3456 : i32
    %dma_start3A_611 = arith.constant 0 : i32
    %dma_start3A_612 = tpu.memref_slice %arg1[%dma_start3A_610, %dma_start3A_611] : memref<4096x16384xf32, #tpu.memory_space<hbm>> -> memref<64x16384xf32, #tpu.memory_space<hbm>>
    tpu.enqueue_dma source(%arg2 : memref<64x16384xf32, #tpu.memory_space<vmem>>) target(%dma_start3A_612 : memref<64x16384xf32, #tpu.memory_space<hbm>>) target_semaphore(%dma_start3A_609 : memref<!tpu.dma_semaphore, #tpu.memory_space<semaphore_mem>>)
    %dma_wait3A_613 = arith.constant 7 : i32
    %dma_wait3A_614 = tpu.memref_slice %arg3[%dma_wait3A_613] : memref<8x!tpu.dma_semaphore, #tpu.memory_space<semaphore_mem>> -> memref<1x!tpu.dma_semaphore, #tpu.memory_space<semaphore_mem>>
    %dma_wait3A_615 = tpu.memref_squeeze %dma_wait3A_614 : memref<1x!tpu.dma_semaphore, #tpu.memory_space<semaphore_mem>> -> memref<!tpu.dma_semaphore, #tpu.memory_space<semaphore_mem>>
    %dma_wait3A_616 = arith.constant 3008 : i32
    %dma_wait3A_617 = arith.constant 0 : i32
    %dma_wait3A_618 = tpu.memref_slice %arg1[%dma_wait3A_616, %dma_wait3A_617] : memref<4096x16384xf32, #tpu.memory_space<hbm>> -> memref<64x16384xf32, #tpu.memory_space<hbm>>
    tpu.wait_dma2 semaphore(%dma_wait3A_615 : memref<!tpu.dma_semaphore, #tpu.memory_space<semaphore_mem>>) src(%arg2 : memref<64x16384xf32, #tpu.memory_space<vmem>>) dst(%dma_wait3A_618 : memref<64x16384xf32, #tpu.memory_space<hbm>>)
    %dma_start3A_619 = arith.constant 7 : i32
    %dma_start3A_620 = tpu.memref_slice %arg3[%dma_start3A_619] : memref<8x!tpu.dma_semaphore, #tpu.memory_space<semaphore_mem>> -> memref<1x!tpu.dma_semaphore, #tpu.memory_space<semaphore_mem>>
    %dma_start3A_621 = tpu.memref_squeeze %dma_start3A_620 : memref<1x!tpu.dma_semaphore, #tpu.memory_space<semaphore_mem>> -> memref<!tpu.dma_semaphore, #tpu.memory_space<semaphore_mem>>
    %dma_start3A_622 = arith.constant 3520 : i32
    %dma_start3A_623 = arith.constant 0 : i32
    %dma_start3A_624 = tpu.memref_slice %arg1[%dma_start3A_622, %dma_start3A_623] : memref<4096x16384xf32, #tpu.memory_space<hbm>> -> memref<64x16384xf32, #tpu.memory_space<hbm>>
    tpu.enqueue_dma source(%arg2 : memref<64x16384xf32, #tpu.memory_space<vmem>>) target(%dma_start3A_624 : memref<64x16384xf32, #tpu.memory_space<hbm>>) target_semaphore(%dma_start3A_621 : memref<!tpu.dma_semaphore, #tpu.memory_space<semaphore_mem>>)
    %dma_wait3A_625 = arith.constant 0 : i32
    %dma_wait3A_626 = tpu.memref_slice %arg3[%dma_wait3A_625] : memref<8x!tpu.dma_semaphore, #tpu.memory_space<semaphore_mem>> -> memref<1x!tpu.dma_semaphore, #tpu.memory_space<semaphore_mem>>
    %dma_wait3A_627 = tpu.memref_squeeze %dma_wait3A_626 : memref<1x!tpu.dma_semaphore, #tpu.memory_space<semaphore_mem>> -> memref<!tpu.dma_semaphore, #tpu.memory_space<semaphore_mem>>
    %dma_wait3A_628 = arith.constant 3072 : i32
    %dma_wait3A_629 = arith.constant 0 : i32
    %dma_wait3A_630 = tpu.memref_slice %arg1[%dma_wait3A_628, %dma_wait3A_629] : memref<4096x16384xf32, #tpu.memory_space<hbm>> -> memref<64x16384xf32, #tpu.memory_space<hbm>>
    tpu.wait_dma2 semaphore(%dma_wait3A_627 : memref<!tpu.dma_semaphore, #tpu.memory_space<semaphore_mem>>) src(%arg2 : memref<64x16384xf32, #tpu.memory_space<vmem>>) dst(%dma_wait3A_630 : memref<64x16384xf32, #tpu.memory_space<hbm>>)
    %dma_start3A_631 = arith.constant 0 : i32
    %dma_start3A_632 = tpu.memref_slice %arg3[%dma_start3A_631] : memref<8x!tpu.dma_semaphore, #tpu.memory_space<semaphore_mem>> -> memref<1x!tpu.dma_semaphore, #tpu.memory_space<semaphore_mem>>
    %dma_start3A_633 = tpu.memref_squeeze %dma_start3A_632 : memref<1x!tpu.dma_semaphore, #tpu.memory_space<semaphore_mem>> -> memref<!tpu.dma_semaphore, #tpu.memory_space<semaphore_mem>>
    %dma_start3A_634 = arith.constant 3584 : i32
    %dma_start3A_635 = arith.constant 0 : i32
    %dma_start3A_636 = tpu.memref_slice %arg1[%dma_start3A_634, %dma_start3A_635] : memref<4096x16384xf32, #tpu.memory_space<hbm>> -> memref<64x16384xf32, #tpu.memory_space<hbm>>
    tpu.enqueue_dma source(%arg2 : memref<64x16384xf32, #tpu.memory_space<vmem>>) target(%dma_start3A_636 : memref<64x16384xf32, #tpu.memory_space<hbm>>) target_semaphore(%dma_start3A_633 : memref<!tpu.dma_semaphore, #tpu.memory_space<semaphore_mem>>)
    %dma_wait3A_637 = arith.constant 1 : i32
    %dma_wait3A_638 = tpu.memref_slice %arg3[%dma_wait3A_637] : memref<8x!tpu.dma_semaphore, #tpu.memory_space<semaphore_mem>> -> memref<1x!tpu.dma_semaphore, #tpu.memory_space<semaphore_mem>>
    %dma_wait3A_639 = tpu.memref_squeeze %dma_wait3A_638 : memref<1x!tpu.dma_semaphore, #tpu.memory_space<semaphore_mem>> -> memref<!tpu.dma_semaphore, #tpu.memory_space<semaphore_mem>>
    %dma_wait3A_640 = arith.constant 3136 : i32
    %dma_wait3A_641 = arith.constant 0 : i32
    %dma_wait3A_642 = tpu.memref_slice %arg1[%dma_wait3A_640, %dma_wait3A_641] : memref<4096x16384xf32, #tpu.memory_space<hbm>> -> memref<64x16384xf32, #tpu.memory_space<hbm>>
    tpu.wait_dma2 semaphore(%dma_wait3A_639 : memref<!tpu.dma_semaphore, #tpu.memory_space<semaphore_mem>>) src(%arg2 : memref<64x16384xf32, #tpu.memory_space<vmem>>) dst(%dma_wait3A_642 : memref<64x16384xf32, #tpu.memory_space<hbm>>)
    %dma_start3A_643 = arith.constant 1 : i32
    %dma_start3A_644 = tpu.memref_slice %arg3[%dma_start3A_643] : memref<8x!tpu.dma_semaphore, #tpu.memory_space<semaphore_mem>> -> memref<1x!tpu.dma_semaphore, #tpu.memory_space<semaphore_mem>>
    %dma_start3A_645 = tpu.memref_squeeze %dma_start3A_644 : memref<1x!tpu.dma_semaphore, #tpu.memory_space<semaphore_mem>> -> memref<!tpu.dma_semaphore, #tpu.memory_space<semaphore_mem>>
    %dma_start3A_646 = arith.constant 3648 : i32
    %dma_start3A_647 = arith.constant 0 : i32
    %dma_start3A_648 = tpu.memref_slice %arg1[%dma_start3A_646, %dma_start3A_647] : memref<4096x16384xf32, #tpu.memory_space<hbm>> -> memref<64x16384xf32, #tpu.memory_space<hbm>>
    tpu.enqueue_dma source(%arg2 : memref<64x16384xf32, #tpu.memory_space<vmem>>) target(%dma_start3A_648 : memref<64x16384xf32, #tpu.memory_space<hbm>>) target_semaphore(%dma_start3A_645 : memref<!tpu.dma_semaphore, #tpu.memory_space<semaphore_mem>>)
    %dma_wait3A_649 = arith.constant 2 : i32
    %dma_wait3A_650 = tpu.memref_slice %arg3[%dma_wait3A_649] : memref<8x!tpu.dma_semaphore, #tpu.memory_space<semaphore_mem>> -> memref<1x!tpu.dma_semaphore, #tpu.memory_space<semaphore_mem>>
    %dma_wait3A_651 = tpu.memref_squeeze %dma_wait3A_650 : memref<1x!tpu.dma_semaphore, #tpu.memory_space<semaphore_mem>> -> memref<!tpu.dma_semaphore, #tpu.memory_space<semaphore_mem>>
    %dma_wait3A_652 = arith.constant 3200 : i32
    %dma_wait3A_653 = arith.constant 0 : i32
    %dma_wait3A_654 = tpu.memref_slice %arg1[%dma_wait3A_652, %dma_wait3A_653] : memref<4096x16384xf32, #tpu.memory_space<hbm>> -> memref<64x16384xf32, #tpu.memory_space<hbm>>
    tpu.wait_dma2 semaphore(%dma_wait3A_651 : memref<!tpu.dma_semaphore, #tpu.memory_space<semaphore_mem>>) src(%arg2 : memref<64x16384xf32, #tpu.memory_space<vmem>>) dst(%dma_wait3A_654 : memref<64x16384xf32, #tpu.memory_space<hbm>>)
    %dma_start3A_655 = arith.constant 2 : i32
    %dma_start3A_656 = tpu.memref_slice %arg3[%dma_start3A_655] : memref<8x!tpu.dma_semaphore, #tpu.memory_space<semaphore_mem>> -> memref<1x!tpu.dma_semaphore, #tpu.memory_space<semaphore_mem>>
    %dma_start3A_657 = tpu.memref_squeeze %dma_start3A_656 : memref<1x!tpu.dma_semaphore, #tpu.memory_space<semaphore_mem>> -> memref<!tpu.dma_semaphore, #tpu.memory_space<semaphore_mem>>
    %dma_start3A_658 = arith.constant 3712 : i32
    %dma_start3A_659 = arith.constant 0 : i32
    %dma_start3A_660 = tpu.memref_slice %arg1[%dma_start3A_658, %dma_start3A_659] : memref<4096x16384xf32, #tpu.memory_space<hbm>> -> memref<64x16384xf32, #tpu.memory_space<hbm>>
    tpu.enqueue_dma source(%arg2 : memref<64x16384xf32, #tpu.memory_space<vmem>>) target(%dma_start3A_660 : memref<64x16384xf32, #tpu.memory_space<hbm>>) target_semaphore(%dma_start3A_657 : memref<!tpu.dma_semaphore, #tpu.memory_space<semaphore_mem>>)
    %dma_wait3A_661 = arith.constant 3 : i32
    %dma_wait3A_662 = tpu.memref_slice %arg3[%dma_wait3A_661] : memref<8x!tpu.dma_semaphore, #tpu.memory_space<semaphore_mem>> -> memref<1x!tpu.dma_semaphore, #tpu.memory_space<semaphore_mem>>
    %dma_wait3A_663 = tpu.memref_squeeze %dma_wait3A_662 : memref<1x!tpu.dma_semaphore, #tpu.memory_space<semaphore_mem>> -> memref<!tpu.dma_semaphore, #tpu.memory_space<semaphore_mem>>
    %dma_wait3A_664 = arith.constant 3264 : i32
    %dma_wait3A_665 = arith.constant 0 : i32
    %dma_wait3A_666 = tpu.memref_slice %arg1[%dma_wait3A_664, %dma_wait3A_665] : memref<4096x16384xf32, #tpu.memory_space<hbm>> -> memref<64x16384xf32, #tpu.memory_space<hbm>>
    tpu.wait_dma2 semaphore(%dma_wait3A_663 : memref<!tpu.dma_semaphore, #tpu.memory_space<semaphore_mem>>) src(%arg2 : memref<64x16384xf32, #tpu.memory_space<vmem>>) dst(%dma_wait3A_666 : memref<64x16384xf32, #tpu.memory_space<hbm>>)
    %dma_start3A_667 = arith.constant 3 : i32
    %dma_start3A_668 = tpu.memref_slice %arg3[%dma_start3A_667] : memref<8x!tpu.dma_semaphore, #tpu.memory_space<semaphore_mem>> -> memref<1x!tpu.dma_semaphore, #tpu.memory_space<semaphore_mem>>
    %dma_start3A_669 = tpu.memref_squeeze %dma_start3A_668 : memref<1x!tpu.dma_semaphore, #tpu.memory_space<semaphore_mem>> -> memref<!tpu.dma_semaphore, #tpu.memory_space<semaphore_mem>>
    %dma_start3A_670 = arith.constant 3776 : i32
    %dma_start3A_671 = arith.constant 0 : i32
    %dma_start3A_672 = tpu.memref_slice %arg1[%dma_start3A_670, %dma_start3A_671] : memref<4096x16384xf32, #tpu.memory_space<hbm>> -> memref<64x16384xf32, #tpu.memory_space<hbm>>
    tpu.enqueue_dma source(%arg2 : memref<64x16384xf32, #tpu.memory_space<vmem>>) target(%dma_start3A_672 : memref<64x16384xf32, #tpu.memory_space<hbm>>) target_semaphore(%dma_start3A_669 : memref<!tpu.dma_semaphore, #tpu.memory_space<semaphore_mem>>)
    %dma_wait3A_673 = arith.constant 4 : i32
    %dma_wait3A_674 = tpu.memref_slice %arg3[%dma_wait3A_673] : memref<8x!tpu.dma_semaphore, #tpu.memory_space<semaphore_mem>> -> memref<1x!tpu.dma_semaphore, #tpu.memory_space<semaphore_mem>>
    %dma_wait3A_675 = tpu.memref_squeeze %dma_wait3A_674 : memref<1x!tpu.dma_semaphore, #tpu.memory_space<semaphore_mem>> -> memref<!tpu.dma_semaphore, #tpu.memory_space<semaphore_mem>>
    %dma_wait3A_676 = arith.constant 3328 : i32
    %dma_wait3A_677 = arith.constant 0 : i32
    %dma_wait3A_678 = tpu.memref_slice %arg1[%dma_wait3A_676, %dma_wait3A_677] : memref<4096x16384xf32, #tpu.memory_space<hbm>> -> memref<64x16384xf32, #tpu.memory_space<hbm>>
    tpu.wait_dma2 semaphore(%dma_wait3A_675 : memref<!tpu.dma_semaphore, #tpu.memory_space<semaphore_mem>>) src(%arg2 : memref<64x16384xf32, #tpu.memory_space<vmem>>) dst(%dma_wait3A_678 : memref<64x16384xf32, #tpu.memory_space<hbm>>)
    %dma_start3A_679 = arith.constant 4 : i32
    %dma_start3A_680 = tpu.memref_slice %arg3[%dma_start3A_679] : memref<8x!tpu.dma_semaphore, #tpu.memory_space<semaphore_mem>> -> memref<1x!tpu.dma_semaphore, #tpu.memory_space<semaphore_mem>>
    %dma_start3A_681 = tpu.memref_squeeze %dma_start3A_680 : memref<1x!tpu.dma_semaphore, #tpu.memory_space<semaphore_mem>> -> memref<!tpu.dma_semaphore, #tpu.memory_space<semaphore_mem>>
    %dma_start3A_682 = arith.constant 3840 : i32
    %dma_start3A_683 = arith.constant 0 : i32
    %dma_start3A_684 = tpu.memref_slice %arg1[%dma_start3A_682, %dma_start3A_683] : memref<4096x16384xf32, #tpu.memory_space<hbm>> -> memref<64x16384xf32, #tpu.memory_space<hbm>>
    tpu.enqueue_dma source(%arg2 : memref<64x16384xf32, #tpu.memory_space<vmem>>) target(%dma_start3A_684 : memref<64x16384xf32, #tpu.memory_space<hbm>>) target_semaphore(%dma_start3A_681 : memref<!tpu.dma_semaphore, #tpu.memory_space<semaphore_mem>>)
    %dma_wait3A_685 = arith.constant 5 : i32
    %dma_wait3A_686 = tpu.memref_slice %arg3[%dma_wait3A_685] : memref<8x!tpu.dma_semaphore, #tpu.memory_space<semaphore_mem>> -> memref<1x!tpu.dma_semaphore, #tpu.memory_space<semaphore_mem>>
    %dma_wait3A_687 = tpu.memref_squeeze %dma_wait3A_686 : memref<1x!tpu.dma_semaphore, #tpu.memory_space<semaphore_mem>> -> memref<!tpu.dma_semaphore, #tpu.memory_space<semaphore_mem>>
    %dma_wait3A_688 = arith.constant 3392 : i32
    %dma_wait3A_689 = arith.constant 0 : i32
    %dma_wait3A_690 = tpu.memref_slice %arg1[%dma_wait3A_688, %dma_wait3A_689] : memref<4096x16384xf32, #tpu.memory_space<hbm>> -> memref<64x16384xf32, #tpu.memory_space<hbm>>
    tpu.wait_dma2 semaphore(%dma_wait3A_687 : memref<!tpu.dma_semaphore, #tpu.memory_space<semaphore_mem>>) src(%arg2 : memref<64x16384xf32, #tpu.memory_space<vmem>>) dst(%dma_wait3A_690 : memref<64x16384xf32, #tpu.memory_space<hbm>>)
    %dma_start3A_691 = arith.constant 5 : i32
    %dma_start3A_692 = tpu.memref_slice %arg3[%dma_start3A_691] : memref<8x!tpu.dma_semaphore, #tpu.memory_space<semaphore_mem>> -> memref<1x!tpu.dma_semaphore, #tpu.memory_space<semaphore_mem>>
    %dma_start3A_693 = tpu.memref_squeeze %dma_start3A_692 : memref<1x!tpu.dma_semaphore, #tpu.memory_space<semaphore_mem>> -> memref<!tpu.dma_semaphore, #tpu.memory_space<semaphore_mem>>
    %dma_start3A_694 = arith.constant 3904 : i32
    %dma_start3A_695 = arith.constant 0 : i32
    %dma_start3A_696 = tpu.memref_slice %arg1[%dma_start3A_694, %dma_start3A_695] : memref<4096x16384xf32, #tpu.memory_space<hbm>> -> memref<64x16384xf32, #tpu.memory_space<hbm>>
    tpu.enqueue_dma source(%arg2 : memref<64x16384xf32, #tpu.memory_space<vmem>>) target(%dma_start3A_696 : memref<64x16384xf32, #tpu.memory_space<hbm>>) target_semaphore(%dma_start3A_693 : memref<!tpu.dma_semaphore, #tpu.memory_space<semaphore_mem>>)
    %dma_wait3A_697 = arith.constant 6 : i32
    %dma_wait3A_698 = tpu.memref_slice %arg3[%dma_wait3A_697] : memref<8x!tpu.dma_semaphore, #tpu.memory_space<semaphore_mem>> -> memref<1x!tpu.dma_semaphore, #tpu.memory_space<semaphore_mem>>
    %dma_wait3A_699 = tpu.memref_squeeze %dma_wait3A_698 : memref<1x!tpu.dma_semaphore, #tpu.memory_space<semaphore_mem>> -> memref<!tpu.dma_semaphore, #tpu.memory_space<semaphore_mem>>
    %dma_wait3A_700 = arith.constant 3456 : i32
    %dma_wait3A_701 = arith.constant 0 : i32
    %dma_wait3A_702 = tpu.memref_slice %arg1[%dma_wait3A_700, %dma_wait3A_701] : memref<4096x16384xf32, #tpu.memory_space<hbm>> -> memref<64x16384xf32, #tpu.memory_space<hbm>>
    tpu.wait_dma2 semaphore(%dma_wait3A_699 : memref<!tpu.dma_semaphore, #tpu.memory_space<semaphore_mem>>) src(%arg2 : memref<64x16384xf32, #tpu.memory_space<vmem>>) dst(%dma_wait3A_702 : memref<64x16384xf32, #tpu.memory_space<hbm>>)
    %dma_start3A_703 = arith.constant 6 : i32
    %dma_start3A_704 = tpu.memref_slice %arg3[%dma_start3A_703] : memref<8x!tpu.dma_semaphore, #tpu.memory_space<semaphore_mem>> -> memref<1x!tpu.dma_semaphore, #tpu.memory_space<semaphore_mem>>
    %dma_start3A_705 = tpu.memref_squeeze %dma_start3A_704 : memref<1x!tpu.dma_semaphore, #tpu.memory_space<semaphore_mem>> -> memref<!tpu.dma_semaphore, #tpu.memory_space<semaphore_mem>>
    %dma_start3A_706 = arith.constant 3968 : i32
    %dma_start3A_707 = arith.constant 0 : i32
    %dma_start3A_708 = tpu.memref_slice %arg1[%dma_start3A_706, %dma_start3A_707] : memref<4096x16384xf32, #tpu.memory_space<hbm>> -> memref<64x16384xf32, #tpu.memory_space<hbm>>
    tpu.enqueue_dma source(%arg2 : memref<64x16384xf32, #tpu.memory_space<vmem>>) target(%dma_start3A_708 : memref<64x16384xf32, #tpu.memory_space<hbm>>) target_semaphore(%dma_start3A_705 : memref<!tpu.dma_semaphore, #tpu.memory_space<semaphore_mem>>)
    %dma_wait3A_709 = arith.constant 7 : i32
    %dma_wait3A_710 = tpu.memref_slice %arg3[%dma_wait3A_709] : memref<8x!tpu.dma_semaphore, #tpu.memory_space<semaphore_mem>> -> memref<1x!tpu.dma_semaphore, #tpu.memory_space<semaphore_mem>>
    %dma_wait3A_711 = tpu.memref_squeeze %dma_wait3A_710 : memref<1x!tpu.dma_semaphore, #tpu.memory_space<semaphore_mem>> -> memref<!tpu.dma_semaphore, #tpu.memory_space<semaphore_mem>>
    %dma_wait3A_712 = arith.constant 3520 : i32
    %dma_wait3A_713 = arith.constant 0 : i32
    %dma_wait3A_714 = tpu.memref_slice %arg1[%dma_wait3A_712, %dma_wait3A_713] : memref<4096x16384xf32, #tpu.memory_space<hbm>> -> memref<64x16384xf32, #tpu.memory_space<hbm>>
    tpu.wait_dma2 semaphore(%dma_wait3A_711 : memref<!tpu.dma_semaphore, #tpu.memory_space<semaphore_mem>>) src(%arg2 : memref<64x16384xf32, #tpu.memory_space<vmem>>) dst(%dma_wait3A_714 : memref<64x16384xf32, #tpu.memory_space<hbm>>)
    %dma_start3A_715 = arith.constant 7 : i32
    %dma_start3A_716 = tpu.memref_slice %arg3[%dma_start3A_715] : memref<8x!tpu.dma_semaphore, #tpu.memory_space<semaphore_mem>> -> memref<1x!tpu.dma_semaphore, #tpu.memory_space<semaphore_mem>>
    %dma_start3A_717 = tpu.memref_squeeze %dma_start3A_716 : memref<1x!tpu.dma_semaphore, #tpu.memory_space<semaphore_mem>> -> memref<!tpu.dma_semaphore, #tpu.memory_space<semaphore_mem>>
    %dma_start3A_718 = arith.constant 4032 : i32
    %dma_start3A_719 = arith.constant 0 : i32
    %dma_start3A_720 = tpu.memref_slice %arg1[%dma_start3A_718, %dma_start3A_719] : memref<4096x16384xf32, #tpu.memory_space<hbm>> -> memref<64x16384xf32, #tpu.memory_space<hbm>>
    tpu.enqueue_dma source(%arg2 : memref<64x16384xf32, #tpu.memory_space<vmem>>) target(%dma_start3A_720 : memref<64x16384xf32, #tpu.memory_space<hbm>>) target_semaphore(%dma_start3A_717 : memref<!tpu.dma_semaphore, #tpu.memory_space<semaphore_mem>>)
    %dma_wait3A_721 = arith.constant 0 : i32
    %dma_wait3A_722 = tpu.memref_slice %arg3[%dma_wait3A_721] : memref<8x!tpu.dma_semaphore, #tpu.memory_space<semaphore_mem>> -> memref<1x!tpu.dma_semaphore, #tpu.memory_space<semaphore_mem>>
    %dma_wait3A_723 = tpu.memref_squeeze %dma_wait3A_722 : memref<1x!tpu.dma_semaphore, #tpu.memory_space<semaphore_mem>> -> memref<!tpu.dma_semaphore, #tpu.memory_space<semaphore_mem>>
    %dma_wait3A_724 = arith.constant 3584 : i32
    %dma_wait3A_725 = arith.constant 0 : i32
    %dma_wait3A_726 = tpu.memref_slice %arg1[%dma_wait3A_724, %dma_wait3A_725] : memref<4096x16384xf32, #tpu.memory_space<hbm>> -> memref<64x16384xf32, #tpu.memory_space<hbm>>
    tpu.wait_dma2 semaphore(%dma_wait3A_723 : memref<!tpu.dma_semaphore, #tpu.memory_space<semaphore_mem>>) src(%arg2 : memref<64x16384xf32, #tpu.memory_space<vmem>>) dst(%dma_wait3A_726 : memref<64x16384xf32, #tpu.memory_space<hbm>>)
    %dma_wait3A_727 = arith.constant 1 : i32
    %dma_wait3A_728 = tpu.memref_slice %arg3[%dma_wait3A_727] : memref<8x!tpu.dma_semaphore, #tpu.memory_space<semaphore_mem>> -> memref<1x!tpu.dma_semaphore, #tpu.memory_space<semaphore_mem>>
    %dma_wait3A_729 = tpu.memref_squeeze %dma_wait3A_728 : memref<1x!tpu.dma_semaphore, #tpu.memory_space<semaphore_mem>> -> memref<!tpu.dma_semaphore, #tpu.memory_space<semaphore_mem>>
    %dma_wait3A_730 = arith.constant 3648 : i32
    %dma_wait3A_731 = arith.constant 0 : i32
    %dma_wait3A_732 = tpu.memref_slice %arg1[%dma_wait3A_730, %dma_wait3A_731] : memref<4096x16384xf32, #tpu.memory_space<hbm>> -> memref<64x16384xf32, #tpu.memory_space<hbm>>
    tpu.wait_dma2 semaphore(%dma_wait3A_729 : memref<!tpu.dma_semaphore, #tpu.memory_space<semaphore_mem>>) src(%arg2 : memref<64x16384xf32, #tpu.memory_space<vmem>>) dst(%dma_wait3A_732 : memref<64x16384xf32, #tpu.memory_space<hbm>>)
    %dma_wait3A_733 = arith.constant 2 : i32
    %dma_wait3A_734 = tpu.memref_slice %arg3[%dma_wait3A_733] : memref<8x!tpu.dma_semaphore, #tpu.memory_space<semaphore_mem>> -> memref<1x!tpu.dma_semaphore, #tpu.memory_space<semaphore_mem>>
    %dma_wait3A_735 = tpu.memref_squeeze %dma_wait3A_734 : memref<1x!tpu.dma_semaphore, #tpu.memory_space<semaphore_mem>> -> memref<!tpu.dma_semaphore, #tpu.memory_space<semaphore_mem>>
    %dma_wait3A_736 = arith.constant 3712 : i32
    %dma_wait3A_737 = arith.constant 0 : i32
    %dma_wait3A_738 = tpu.memref_slice %arg1[%dma_wait3A_736, %dma_wait3A_737] : memref<4096x16384xf32, #tpu.memory_space<hbm>> -> memref<64x16384xf32, #tpu.memory_space<hbm>>
    tpu.wait_dma2 semaphore(%dma_wait3A_735 : memref<!tpu.dma_semaphore, #tpu.memory_space<semaphore_mem>>) src(%arg2 : memref<64x16384xf32, #tpu.memory_space<vmem>>) dst(%dma_wait3A_738 : memref<64x16384xf32, #tpu.memory_space<hbm>>)
    %dma_wait3A_739 = arith.constant 3 : i32
    %dma_wait3A_740 = tpu.memref_slice %arg3[%dma_wait3A_739] : memref<8x!tpu.dma_semaphore, #tpu.memory_space<semaphore_mem>> -> memref<1x!tpu.dma_semaphore, #tpu.memory_space<semaphore_mem>>
    %dma_wait3A_741 = tpu.memref_squeeze %dma_wait3A_740 : memref<1x!tpu.dma_semaphore, #tpu.memory_space<semaphore_mem>> -> memref<!tpu.dma_semaphore, #tpu.memory_space<semaphore_mem>>
    %dma_wait3A_742 = arith.constant 3776 : i32
    %dma_wait3A_743 = arith.constant 0 : i32
    %dma_wait3A_744 = tpu.memref_slice %arg1[%dma_wait3A_742, %dma_wait3A_743] : memref<4096x16384xf32, #tpu.memory_space<hbm>> -> memref<64x16384xf32, #tpu.memory_space<hbm>>
    tpu.wait_dma2 semaphore(%dma_wait3A_741 : memref<!tpu.dma_semaphore, #tpu.memory_space<semaphore_mem>>) src(%arg2 : memref<64x16384xf32, #tpu.memory_space<vmem>>) dst(%dma_wait3A_744 : memref<64x16384xf32, #tpu.memory_space<hbm>>)
    %dma_wait3A_745 = arith.constant 4 : i32
    %dma_wait3A_746 = tpu.memref_slice %arg3[%dma_wait3A_745] : memref<8x!tpu.dma_semaphore, #tpu.memory_space<semaphore_mem>> -> memref<1x!tpu.dma_semaphore, #tpu.memory_space<semaphore_mem>>
    %dma_wait3A_747 = tpu.memref_squeeze %dma_wait3A_746 : memref<1x!tpu.dma_semaphore, #tpu.memory_space<semaphore_mem>> -> memref<!tpu.dma_semaphore, #tpu.memory_space<semaphore_mem>>
    %dma_wait3A_748 = arith.constant 3840 : i32
    %dma_wait3A_749 = arith.constant 0 : i32
    %dma_wait3A_750 = tpu.memref_slice %arg1[%dma_wait3A_748, %dma_wait3A_749] : memref<4096x16384xf32, #tpu.memory_space<hbm>> -> memref<64x16384xf32, #tpu.memory_space<hbm>>
    tpu.wait_dma2 semaphore(%dma_wait3A_747 : memref<!tpu.dma_semaphore, #tpu.memory_space<semaphore_mem>>) src(%arg2 : memref<64x16384xf32, #tpu.memory_space<vmem>>) dst(%dma_wait3A_750 : memref<64x16384xf32, #tpu.memory_space<hbm>>)
    %dma_wait3A_751 = arith.constant 5 : i32
    %dma_wait3A_752 = tpu.memref_slice %arg3[%dma_wait3A_751] : memref<8x!tpu.dma_semaphore, #tpu.memory_space<semaphore_mem>> -> memref<1x!tpu.dma_semaphore, #tpu.memory_space<semaphore_mem>>
    %dma_wait3A_753 = tpu.memref_squeeze %dma_wait3A_752 : memref<1x!tpu.dma_semaphore, #tpu.memory_space<semaphore_mem>> -> memref<!tpu.dma_semaphore, #tpu.memory_space<semaphore_mem>>
    %dma_wait3A_754 = arith.constant 3904 : i32
    %dma_wait3A_755 = arith.constant 0 : i32
    %dma_wait3A_756 = tpu.memref_slice %arg1[%dma_wait3A_754, %dma_wait3A_755] : memref<4096x16384xf32, #tpu.memory_space<hbm>> -> memref<64x16384xf32, #tpu.memory_space<hbm>>
    tpu.wait_dma2 semaphore(%dma_wait3A_753 : memref<!tpu.dma_semaphore, #tpu.memory_space<semaphore_mem>>) src(%arg2 : memref<64x16384xf32, #tpu.memory_space<vmem>>) dst(%dma_wait3A_756 : memref<64x16384xf32, #tpu.memory_space<hbm>>)
    %dma_wait3A_757 = arith.constant 6 : i32
    %dma_wait3A_758 = tpu.memref_slice %arg3[%dma_wait3A_757] : memref<8x!tpu.dma_semaphore, #tpu.memory_space<semaphore_mem>> -> memref<1x!tpu.dma_semaphore, #tpu.memory_space<semaphore_mem>>
    %dma_wait3A_759 = tpu.memref_squeeze %dma_wait3A_758 : memref<1x!tpu.dma_semaphore, #tpu.memory_space<semaphore_mem>> -> memref<!tpu.dma_semaphore, #tpu.memory_space<semaphore_mem>>
    %dma_wait3A_760 = arith.constant 3968 : i32
    %dma_wait3A_761 = arith.constant 0 : i32
    %dma_wait3A_762 = tpu.memref_slice %arg1[%dma_wait3A_760, %dma_wait3A_761] : memref<4096x16384xf32, #tpu.memory_space<hbm>> -> memref<64x16384xf32, #tpu.memory_space<hbm>>
    tpu.wait_dma2 semaphore(%dma_wait3A_759 : memref<!tpu.dma_semaphore, #tpu.memory_space<semaphore_mem>>) src(%arg2 : memref<64x16384xf32, #tpu.memory_space<vmem>>) dst(%dma_wait3A_762 : memref<64x16384xf32, #tpu.memory_space<hbm>>)
    %dma_wait3A_763 = arith.constant 7 : i32
    %dma_wait3A_764 = tpu.memref_slice %arg3[%dma_wait3A_763] : memref<8x!tpu.dma_semaphore, #tpu.memory_space<semaphore_mem>> -> memref<1x!tpu.dma_semaphore, #tpu.memory_space<semaphore_mem>>
    %dma_wait3A_765 = tpu.memref_squeeze %dma_wait3A_764 : memref<1x!tpu.dma_semaphore, #tpu.memory_space<semaphore_mem>> -> memref<!tpu.dma_semaphore, #tpu.memory_space<semaphore_mem>>
    %dma_wait3A_766 = arith.constant 4032 : i32
    %dma_wait3A_767 = arith.constant 0 : i32
    %dma_wait3A_768 = tpu.memref_slice %arg1[%dma_wait3A_766, %dma_wait3A_767] : memref<4096x16384xf32, #tpu.memory_space<hbm>> -> memref<64x16384xf32, #tpu.memory_space<hbm>>
    tpu.wait_dma2 semaphore(%dma_wait3A_765 : memref<!tpu.dma_semaphore, #tpu.memory_space<semaphore_mem>>) src(%arg2 : memref<64x16384xf32, #tpu.memory_space<vmem>>) dst(%dma_wait3A_768 : memref<64x16384xf32, #tpu.memory_space<hbm>>)
    return
  }
}

</mosaic_0001>

<sc_bundles>
// kernel: kernel.4.cloned.1.call-start
scs
__scs_entry_jumppad:
0x0: {  	(pc) =	sbr.rel $0x88, $3  }
0x1: {  	(tag) =	ssettag $0x0;
	lr =	simm.s32 $0x1  }
0x2: {  	[smem:$0x3FA0] =	sst lr;
	_ =	strace $0xD0000000  }
0x3: {  	_ = 	snop  }
0x4: {  	_ = 	snop  }
0x5: {  	_ = 	snop  }
0x6: {  	_ = 	snop  }
0x7: {  	_ = 	snop  }
__scs_overlays_trampoline_lowered:
0x8: {  	[smem:$0x3FAF] =	sst s0  }
0x9: {  	[smem:$0x3FB0] =	sst s1  }
0xa: {  	[smem:$0x3FB1] =	sst s2  }
0xb: {  	[smem:$0x3FB2] =	sst s3  }
0xc: {  	[smem:$0x3FB3] =	sst s4  }
0xd: {  	[smem:$0x3FB4] =	sst s5  }
0xe: {  	[smem:$0x3FB5] =	sst s6  }
0xf: {  	[smem:$0x3FB6] =	sst s7  }
0x10: {  	[smem:$0x3FB7] =	sst s8  }
0x11: {  	[smem:$0x3FB8] =	sst s9;
	s0 =	simm.s32 @!p0 $0x0  }
0x12: {  	s1 =	sld [smem:$0x3F9E];
	s0 =	simm.s32 @p0 $0x1  }
0x13: {  	[smem:$0x3FB9] =	sst s0;
	s0 =	simm.s32 @!p1 $0x0  }
0x14: {  	s2 =	sld [smem:$0x3F9D];
	s0 =	simm.s32 @p1 $0x1  }
0x15: {  	[smem:$0x3FBA] =	sst s0;
	s0 =	simm.s32 @!p2 $0x0  }
0x16: {  	s3 =	sld [smem:$0x3FDB];
	s0 =	simm.s32 @p2 $0x1  }
0x17: {  	s4 =	simm.s32 $0x1BF5;
	[smem:$0x3FBC] =	sst s0  }
0x18: {  	s0 =	sld [smem:$0x3F9F];
	_ =	swait.ge [sflag:s4], $0x0  }
0x19: {  	s7 =	sld [smem:$0x3FA0]  }
0x1a: {  	s8 =	sadd.s32 $0xFFFFE003, lr  }
0x1b: {  	s9 =	sadd.s32 $0xFFFFFEF7, lr;
	s5 =	simm.s32 $0xFFFFFFFF;
	p2 =	slt.u32 s8, $0xFFFFF086  }
0x1c: {  	p1 =	slt.u32 s9, $0xF7A;
	s5 =	simm.s32 @!p2 $0x0  }
0x1d: {  	s5 =	simm.s32 @p1 $0x1;
	p0 =	seq.s32 s7, s2  }
0x1e: {  	s7 =	smul.u32 @!p0 $0xF7A, s2;
	p2 =	seq.s32 @!p0 s5, $0x0  }
0x1f: {  	s9 =	smul.u32 $0xF7A, s1;
	s8 =	simm.s32 @!p0 $0x1BF5;
	p2 =	por !p2, p0  }
0x20: {  	[sflag:s8] =	ssyncset.s32 @!p0 $0xFFFFF086;
	s6 =	sadd.s32 @!p0 s3, s7;
	s7 =	simm.s32 @!p0 $0x108  }
0x21: {  	s3 =	sadd.s32 s3, s9;
	s6 =	sadd.s32 @!p0 $0x88, s6;
	s7 =	simm.s32 @p2 $0x1082  }
0x22: {  	[simem:s7], [sflag:s8] =	dma.local @!p0 [hbm:s6], $0xF7A  }
0x23: {  	s9 =	sor.u32 $0xD0000000, s2;
	s6 =	simm.s32 $0x108;
	_ =	swait.ge @!p0 [sflag:s8], $0x0  }
0x24: {  	s3 =	sadd.s32 $0x88, s3;
	s6 =	simm.s32 @!p1 $0x1082;
	[sflag:s4] =	ssyncset.s32 $0xFFFFF086  }
0x25: {  	[simem:s6], [sflag:s4] =	dma.local [hbm:s3], $0xF7A  }
0x26: {  	[smem:$0x3FA0] =	sst s1;
	(tag) =	ssettag s2;
	_ =	strace s9  }
0x27: {  	s1 =	sld [smem:$0x3FB0]  }
0x28: {  	s2 =	sld [smem:$0x3FB1]  }
0x29: {  	s4 =	sld [smem:$0x3FB3]  }
0x2a: {  	p0 =	seq.s32 s5, $0x0;
	s5 =	sld [smem:$0x3FB4]  }
0x2b: {  	s6 =	sld [smem:$0x3FB5]  }
0x2c: {  	s7 =	sld [smem:$0x3FB6]  }
0x2d: {  	s3 =	simm.s32 $0x108;
	s8 =	sld [smem:$0x3FB7]  }
0x2e: {  	s3 =	simm.s32 @!p0 $0x1082;
	s9 =	sld [smem:$0x3FB8]  }
0x2f: {  	lr =	sadd.s32 s0, s3;
	s0 =	sld [smem:$0x3FAF]  }
0x30: {  	s3 =	sld [smem:$0x3FB2]  }
0x31: {  	[smem:$0x3FBB] =	sst s10  }
0x32: {  	s10 =	sld [smem:$0x3FB9];
	_ =	sdelay $0x3  }
0x33: {  	p0 =	seq.s32 s10, $0x1;
	s10 =	sld [smem:$0x3FBB];
	_ =	sdelay $0x3  }
0x34: {  	[smem:$0x3FBB] =	sst s10  }
0x35: {  	s10 =	sld [smem:$0x3FBA];
	_ =	sdelay $0x3  }
0x36: {  	p1 =	seq.s32 s10, $0x1;
	s10 =	sld [smem:$0x3FBB];
	_ =	sdelay $0x3  }
0x37: {  	[smem:$0x3FBB] =	sst s10  }
0x38: {  	s10 =	sld [smem:$0x3FBC]  }
0x39: {  	_ = 	snop;
	(pc) =	sbr.ind lr, $3  }
0x3a: {  	_ = 	snop  }
0x3b: {  	_ = 	snop  }
0x3c: {  	p2 =	seq.s32 s10, $0x1;
	s10 =	sld [smem:$0x3FBB]  }
0x3d: {  	_ =	shalt  }
0x3e: {  	_ =	shalt  }
0x3f: {  	_ =	shalt  }
0x40: {  	_ =	shalt  }
0x41: {  	_ =	shalt  }
0x42: {  	_ =	shalt  }
0x43: {  	_ =	shalt  }
0x44: {  	_ =	shalt  }
0x45: {  	_ =	shalt  }
0x46: {  	_ =	shalt  }
0x47: {  	_ =	shalt  }
0x48: {  	_ =	shalt  }
0x49: {  	_ =	shalt  }
0x4a: {  	_ =	shalt  }
0x4b: {  	_ =	shalt  }
0x4c: {  	_ =	shalt  }
0x4d: {  	_ =	shalt  }
0x4e: {  	_ =	shalt  }
0x4f: {  	_ =	shalt  }
0x50: {  	_ =	shalt  }
0x51: {  	_ =	shalt  }
0x52: {  	_ =	shalt  }
0x53: {  	_ =	shalt  }
0x54: {  	_ =	shalt  }
0x55: {  	_ =	shalt  }
0x56: {  	_ =	shalt  }
0x57: {  	_ =	shalt  }
0x58: {  	_ =	shalt  }
0x59: {  	_ =	shalt  }
0x5a: {  	_ =	shalt  }
0x5b: {  	_ =	shalt  }
0x5c: {  	_ =	shalt  }
0x5d: {  	_ =	shalt  }
0x5e: {  	_ =	shalt  }
0x5f: {  	_ =	shalt  }
0x60: {  	_ =	shalt  }
0x61: {  	_ =	shalt  }
0x62: {  	_ =	shalt  }
0x63: {  	_ =	shalt  }
0x64: {  	_ =	shalt  }
0x65: {  	_ =	shalt  }
0x66: {  	_ =	shalt  }
0x67: {  	_ =	shalt  }
0x68: {  	_ =	shalt  }
0x69: {  	_ =	shalt  }
0x6a: {  	_ =	shalt  }
0x6b: {  	_ =	shalt  }
0x6c: {  	_ =	shalt  }
0x6d: {  	_ =	shalt  }
0x6e: {  	_ =	shalt  }
0x6f: {  	_ =	shalt  }
0x70: {  	_ =	shalt  }
0x71: {  	_ =	shalt  }
0x72: {  	_ =	shalt  }
0x73: {  	_ =	shalt  }
0x74: {  	_ =	shalt  }
0x75: {  	_ =	shalt  }
0x76: {  	_ =	shalt  }
0x77: {  	_ =	shalt  }
0x78: {  	_ =	shalt  }
0x79: {  	_ =	shalt  }
0x7a: {  	_ =	shalt  }
0x7b: {  	_ =	shalt  }
0x7c: {  	_ =	shalt  }
0x7d: {  	_ =	shalt  }
0x7e: {  	_ =	shalt  }
0x7f: {  	_ =	shalt  }
0x80: {  	_ =	shalt  }
0x81: {  	_ =	shalt  }
0x82: {  	_ =	shalt  }
0x83: {  	_ =	shalt  }
0x84: {  	_ =	shalt  }
0x85: {  	_ =	shalt  }
0x86: {  	_ =	shalt  }
0x87: {  	_ =	shalt  }
.Lfunc_end0:
.L_simem_size_0:
called_computation_lowered:
.L_overlay_start_0:
0x88: {  	s2 =	sld [smem:$0x3FD9]  }
0x89: {  	s3 =	sld [smem:$0x3FFE];
	_ =	sdelay $0x1  }
0x8a: {  	s1 =	srdreg.scid  }
0x8b: {  	s0 =	sand.u32 $0x1, s1  }
0x8c: {  	s18 =	sshll.u32 s0, $0xA;
	s2 =	sadd.s32 s3, s2  }
0x8d: {  	s2 =	sadd.s32 s2, s18  }
0x8e: {  	[smem:$0x3FC7] =	sst s2  }
0x8f: {  	_ = 	snop  }
0x90: {  	s2 =	sld [smem:$0x3FC9]  }
0x91: {  	s19 =	sld [smem:$0x3FD0];
	(tm) =	ssettm $0x1  }
0x92: {  	s4 =	sld [smem:$0x3FFB];
	_ =	sdelay $0x3  }
0x93: {  	_ =	strace s4  }
0x94: {  	s4 =	sld [smem:$0x3FFC];
	_ =	sdelay $0x3  }
0x95: {  	_ =	strace s4  }
0x96: {  	s4 =	sld [smem:$0x3FFD];
	_ =	sdelay $0x3  }
0x97: {  	_ =	strace s4  }
0x98: {  	_ =	strace $0x8FFFFFFF  }
0x99: {  	s20 =	sld [smem:$0x3FDB];
	_ =	sdelay $0x1  }
0x9a: {  	s5 =	simm.s32 $_scs_section_size  }
0x9b: {  	s6 =	simm.s32 $_size__tile_overlayer_lowered;
	s7 =	simm.s32 $_tile_overlayer_lowered  }
0x9c: {  	s23 =	simm.s32 $0x1BFF;
	s22 =	sshll.u32 s7, $0x1;
	s4 =	sadd.s32 s5, s20  }
0x9d: {  	s8 =	simm.s32 $0x0;
	s21 =	sshll.u32 s6, $0x1;
	s6 =	sadd.s32 s22, s4  }
0x9e: {  	[timem:s8], [sflag:s23] =	dma.local [hbm:s6], s21  }
0x9f: {  	_ =	swait.ge [sflag:s23], s21  }
0xa0: {  	s5 =	ssub.s32 $0x0, s21;
	[sflag:s23] =	ssyncset.done $0x0  }
0xa1: {  	[sflag:s23] =	ssyncadd.s32 s5;
	_ =	sdelay $0x1  }
0xa2: {  	s24 =	simm.s32 $0x1B8B  }
0xa3: {  	_ =	swait.ge [sflag:s24], $0x1  }
0xa4: {  	[sflag:s24] =	ssyncset.done $0x0  }
0xa5: {  	s25 =	simm.s32 $0x1B8E;
	[sflag:s24] =	ssyncadd.s32 $0xFFFFFFFF  }
0xa6: {  	s26 =	simm.s32 $execute0_lowered;
	[smem:$0x3FD2] =	sst s25  }
0xa7: {  	s5 =	sshll.u32 s26, $0x1;
	_ =	strace $0x80000046;
	[dreg:$0x1] =	wrdreg $0xFFFFFFFF  }
0xa8: {  	s28 =	simm.s32 $_size_execute0_lowered;
	s4 =	sadd.s32 s4, s5;
	[dreg:$0x0] =	wrdreg $0x0  }
0xa9: {  	s5 =	sshll.u32 s28, $0x1;
	[dreg:$0x2] =	wrdreg s4  }
0xaa: {  	[dreg:$0x3] =	wrdreg s5  }
0xab: {  	[dreg:$0x4] =	wrdreg $0xC0  }
0xac: {  	_ =	task [dreg:s8], $0x5FFFF  }
0xad: {  	[dreg:$0x1] =	wrdreg $0xFFFFFFFF  }
0xae: {  	[dreg:$0x0] =	wrdreg $0x60  }
0xaf: {  	[dreg:$0x2] =	wrdreg s2  }
0xb0: {  	[dreg:$0x3] =	wrdreg s19  }
0xb1: {  	[dreg:$0x4] =	wrdreg $0x9  }
0xb2: {  	_ =	task.clear_ibuf [dreg:s8], $0x5FFFF;
	_ =	strace $0x90000046  }
0xb3: {  	s29 =	simm.s32 $0x9;
	_ =	strace $0x80000048  }
0xb4: {  	_ =	swait.ge [sflag:s29], $0x1  }
0xb5: {  	[sflag:s29] =	ssyncadd.s32 $0xFFFFFFFF  }
0xb6: {  	_ =	strace $0x90000048  }
0xb7: {  	_ =	sfence  }
0xb8: {  	s30 =	sld [smem:$0x0];
	_ =	sdelay $0x2  }
0xb9: {  	s31 =	sshll.u32 s1, $0xD;
	s1 =	sshrl.u32 s1, $0x2  }
0xba: {  	s3 =	sand.u32 $0x4000, s31;
	s1 =	sadd.s32 s1, s30  }
0xbb: {  	s0 =	sor.u32 s3, s0;
	s1 =	sshll.u32 s1, $0x11  }
0xbc: {  	s0 =	sor.u32 s1, s0  }
0xbd: {  	s0 =	sadd.s32 $0x8F2B, s0  }
0xbe: {  	[sflag:s0] =	ssyncadd.remote.s32 $0x1  }
0xbf: {  	_ =	sfence.sel $0xFFFF  }
0xc0: {  	[dreg:$0x0] =	wrdreg $0xFFFFFFFF;
	(pc) =	sbr.abs _section_cstart, $3  }
0xc1: {  	[dreg:$0x1] =	wrdreg $0xFFFFFFFF  }
0xc2: {  	_ =	task.clear_ibuf [dreg:s8], $0x2FFFF;
	_ =	strace $0x9FFFFFFF  }
0xc3: {  	(tm) =	ssettm $0x7FFFFFFF  }
tec
execute0_lowered:
.L_overlay_start_1:
0x0: {  	(tag) =	ssettag $0x1  }
0x1: {  	s3 =	rddreg [dreg:$0x0]  }
0x2: {  	s4 =	rddreg [dreg:$0x1]  }
0x3: {  	s2 =	srdreg.scid;
	s0 =	rddreg [dreg:$0x2];
	s1 =	simm.s32 $0x0  }
0x4: {  	s11 =	simm.s32 $0x300;
	s12 =	simm.s32 $0x380;
	s13 =	simm.s32 $0x400  }
0x5: {  	s14 =	simm.s32 $0x1;
	s15 =	simm.s32 $0x2;
	s16 =	simm.s32 $0x3  }
0x6: {  	s17 =	simm.s32 $0x4;
	s18 =	simm.s32 $0x5;
	s19 =	simm.s32 $0x6  }
0x7: {  	s20 =	simm.s32 $0x7;
	s21 =	simm.s32 $0x8;
	s22 =	simm.s32 $0x0  }
0x8: {  	s5 =	sand.u32 $0x1, s2;
	[smem:$0x7FF] =	sst s1;
	s2 =	stileid.u32  }
0x9: {  	s6 =	ssub.s32 $0x2, s5;
	_ =	strace $0x80000047;
	s8 =	sshll.u32 s2, $0x8  }
0xa: {  	s9 =	sshll.u32 s5, $0x7;
	s10 =	sshll.u32 s2, $0x13;
	s5 =	sshll.u32 s5, $0x12  }
0xb: {  	s7 =	sshrl.u32 s6, $0x1;
	s8 =	sor.u32 s9, s8;
	s4 =	sadd.s32 s10, s4  }
0xc: {  	s9 =	simm.s32 $0x200;
	s10 =	simm.s32 $0x280;
	s6 =	ssub.s32 s6, s7  }
0xd: {  	s31 =	sshrl.u32 s8, $0x3;
	s5 =	sadd.s32 s5, s4;
	s7 =	simm.s32 $0x100  }
0xe: {  	s8 =	simm.s32 $0x180;
	s3 =	sadd.s32 s3, s31;
	s4 =	smax.u32 s6, $0x1  }
0xf: {  	v0 =	vlaneseq.u32;
	v1 =	vimm.s32 $0x0;
	[dreg:$0x3] =	wrdreg s5;
	s5 =	simm.s32 $0x9;
	s6 =	simm.s32 $0x80  }
.LBB2_1:
0x10: {  	[tilespmem:s1], [sflag:$0x9] =	stream.linear.gather [hbm4b:s3+s1], $0x80, $0x38;
	[tilespmem:$0x480] =	vst v63  }
0x11: {  	_ =	swait.ge [sflag:s5], $0x80  }
0x12: {  	[sflag:s5] =	ssyncset.done $0x0  }
0x13: {  	s23 =	simm.s32 $0x0;
	s24 =	simm.s32 $0x0;
	[sflag:s5] =	ssyncadd.s32 $0xFFFFFF80  }
.LBB2_2:
0x14: {  	v2 =	vld [tilespmem:s23+$0x0];
	_ =	sdelay $0x4  }
0x15: {  	(v2sf) =	vpush v2, $0x0;
	_ =	sdelay $0xd  }
0x16: {  	p0 =	seq.s32 s24, $0x0  }
0x17: {  	s26 =	simm.s32 @!p0 $0x1;
	s25 =	spop (v2sf)  }
0x18: {  	_ =	swait.ge @!p0 [sflag:s26], $0x10  }
0x19: {  	(v2sf) =	vpush v2, $0x1;
	_ =	sdelay $0x4  }
0x1a: {  	s28 =	sshra.s32 s25, $0x1F  }
0x1b: {  	s28 =	sshrl.u32 s28, $0x1C  }
0x1c: {  	s28 =	sadd.s32 s28, s25  }
0x1d: {  	s29 =	sshra.s32 s28, $0x4;
	s28 =	sand.u32 $0xFFFFFFF0, s28  }
0x1e: {  	s25 =	ssub.s32 s25, s28;
	s29 =	sshll.u32 s29, $0x7  }
0x1f: {  	s28 =	sand.u32 $0x70, s28;
	v3 =	vmov s25;
	s31 =	sand.u32 $0xFFFFFC00, s29  }
0x20: {  	s30 =	rddreg [dreg:$0x3];
	[sflag:s26] =	ssyncset.done @!p0 $0x0;
	vm0 =	veq.s32 v3, v0;
	s28 =	sor.u32 s28, s31  }
0x21: {  	[sflag:s26] =	ssyncadd.s32 @!p0 $0xFFFFFFF0;
	s25 =	sadd.s32 s24, s30;
	v3 =	vsel vm0, $0x3F800000, v1;
	s29 =	sshrl.u32 s28, $0x3  }
0x22: {  	[tilespmem:$0x80] =	vst v3;
	s26 =	sadd.s32 s29, s25  }
0x23: {  	[hbm4b:s26+s1] =	stream.linear.scatter [tilespmem:s6], [sflag:$0x1], $0x10, $0x38;
	[tilespmem:$0x480] =	vst v63  }
0x24: {  	s28 =	simm.s32 @!p0 $0x2;
	s26 =	spop (v2sf)  }
0x25: {  	_ =	swait.ge @!p0 [sflag:s28], $0x10  }
0x26: {  	(v2sf) =	vpush v2, $0x2;
	_ =	sdelay $0x3  }
0x27: {  	s30 =	sshra.s32 s26, $0x1F  }
0x28: {  	s29 =	sshrl.u32 s30, $0x1C  }
0x29: {  	s29 =	sadd.s32 s29, s26  }
0x2a: {  	s31 =	sshra.s32 s29, $0x4  }
0x2b: {  	s29 =	sand.u32 $0xFFFFFFF0, s29;
	s30 =	sshll.u32 s31, $0x7  }
0x2c: {  	s26 =	ssub.s32 s26, s29;
	s29 =	sand.u32 $0x70, s29;
	s30 =	sand.u32 $0xFFFFFC00, s30  }
0x2d: {  	v3 =	vmov s26;
	s29 =	sor.u32 s29, s30  }
0x2e: {  	[sflag:s28] =	ssyncset.done @!p0 $0x0;
	vm13 =	veq.s32 v3, v0;
	s26 =	sshrl.u32 s29, $0x3  }
0x2f: {  	[sflag:s28] =	ssyncadd.s32 @!p0 $0xFFFFFFF0;
	v3 =	vsel vm13, $0x3F800000, v1;
	s26 =	sadd.s32 s26, s25  }
0x30: {  	[tilespmem:$0x100] =	vst v3;
	s26 =	sadd.s32 $0x10, s26  }
0x31: {  	[hbm4b:s26+s1] =	stream.linear.scatter [tilespmem:s7], [sflag:$0x2], $0x10, $0x38;
	[tilespmem:$0x480] =	vst v63  }
0x32: {  	s28 =	simm.s32 @!p0 $0x3;
	s26 =	spop (v2sf)  }
0x33: {  	_ =	swait.ge @!p0 [sflag:s28], $0x10  }
0x34: {  	(v2sf) =	vpush v2, $0x3;
	_ =	sdelay $0x3  }
0x35: {  	s30 =	sshra.s32 s26, $0x1F  }
0x36: {  	s29 =	sshrl.u32 s30, $0x1C  }
0x37: {  	s29 =	sadd.s32 s29, s26  }
0x38: {  	s31 =	sshra.s32 s29, $0x4  }
0x39: {  	s29 =	sand.u32 $0xFFFFFFF0, s29;
	s30 =	sshll.u32 s31, $0x7  }
0x3a: {  	s26 =	ssub.s32 s26, s29;
	s29 =	sand.u32 $0x70, s29;
	s30 =	sand.u32 $0xFFFFFC00, s30  }
0x3b: {  	v3 =	vmov s26;
	s29 =	sor.u32 s29, s30  }
0x3c: {  	[sflag:s28] =	ssyncset.done @!p0 $0x0;
	vm14 =	veq.s32 v3, v0;
	s26 =	sshrl.u32 s29, $0x3  }
0x3d: {  	[sflag:s28] =	ssyncadd.s32 @!p0 $0xFFFFFFF0;
	v3 =	vsel vm14, $0x3F800000, v1;
	s26 =	sadd.s32 s26, s25  }
0x3e: {  	[tilespmem:$0x180] =	vst v3;
	s26 =	sadd.s32 $0x20, s26  }
0x3f: {  	[hbm4b:s26+s1] =	stream.linear.scatter [tilespmem:s8], [sflag:$0x3], $0x10, $0x38;
	[tilespmem:$0x480] =	vst v63  }
0x40: {  	s28 =	simm.s32 @!p0 $0x4;
	s26 =	spop (v2sf)  }
0x41: {  	_ =	swait.ge @!p0 [sflag:s28], $0x10  }
0x42: {  	(v2sf) =	vpush v2, $0x4;
	_ =	sdelay $0x3  }
0x43: {  	s30 =	sshra.s32 s26, $0x1F  }
0x44: {  	s29 =	sshrl.u32 s30, $0x1C  }
0x45: {  	s29 =	sadd.s32 s29, s26  }
0x46: {  	s31 =	sshra.s32 s29, $0x4  }
0x47: {  	s29 =	sand.u32 $0xFFFFFFF0, s29;
	s30 =	sshll.u32 s31, $0x7  }
0x48: {  	s26 =	ssub.s32 s26, s29;
	s29 =	sand.u32 $0x70, s29;
	s30 =	sand.u32 $0xFFFFFC00, s30  }
0x49: {  	v3 =	vmov s26;
	s29 =	sor.u32 s29, s30  }
0x4a: {  	[sflag:s28] =	ssyncset.done @!p0 $0x0;
	vm15 =	veq.s32 v3, v0;
	s26 =	sshrl.u32 s29, $0x3  }
0x4b: {  	[sflag:s28] =	ssyncadd.s32 @!p0 $0xFFFFFFF0;
	v3 =	vsel vm15, $0x3F800000, v1;
	s26 =	sadd.s32 s26, s25  }
0x4c: {  	[tilespmem:$0x200] =	vst v3;
	s26 =	sadd.s32 $0x30, s26  }
0x4d: {  	[hbm4b:s26+s1] =	stream.linear.scatter [tilespmem:s9], [sflag:$0x4], $0x10, $0x38;
	[tilespmem:$0x480] =	vst v63  }
0x4e: {  	s28 =	simm.s32 @!p0 $0x5;
	s26 =	spop (v2sf)  }
0x4f: {  	_ =	swait.ge @!p0 [sflag:s28], $0x10  }
0x50: {  	(v2sf) =	vpush v2, $0x5;
	_ =	sdelay $0x3  }
0x51: {  	s30 =	sshra.s32 s26, $0x1F  }
0x52: {  	s29 =	sshrl.u32 s30, $0x1C  }
0x53: {  	s29 =	sadd.s32 s29, s26  }
0x54: {  	s31 =	sshra.s32 s29, $0x4  }
0x55: {  	s29 =	sand.u32 $0xFFFFFFF0, s29;
	s30 =	sshll.u32 s31, $0x7  }
0x56: {  	s26 =	ssub.s32 s26, s29;
	s29 =	sand.u32 $0x70, s29;
	s30 =	sand.u32 $0xFFFFFC00, s30  }
0x57: {  	v3 =	vmov s26;
	s29 =	sor.u32 s29, s30  }
0x58: {  	[sflag:s28] =	ssyncset.done @!p0 $0x0;
	vm4 =	veq.s32 v3, v0;
	s26 =	sshrl.u32 s29, $0x3  }
0x59: {  	[sflag:s28] =	ssyncadd.s32 @!p0 $0xFFFFFFF0;
	v3 =	vsel vm4, $0x3F800000, v1;
	s26 =	sadd.s32 s26, s25  }
0x5a: {  	[tilespmem:$0x280] =	vst v3;
	s26 =	sadd.s32 $0x40, s26  }
0x5b: {  	[hbm4b:s26+s1] =	stream.linear.scatter [tilespmem:s10], [sflag:$0x5], $0x10, $0x38;
	[tilespmem:$0x480] =	vst v63  }
0x5c: {  	s28 =	simm.s32 @!p0 $0x6;
	s26 =	spop (v2sf)  }
0x5d: {  	_ =	swait.ge @!p0 [sflag:s28], $0x10  }
0x5e: {  	(v2sf) =	vpush v2, $0x6;
	_ =	sdelay $0x3  }
0x5f: {  	s30 =	sshra.s32 s26, $0x1F  }
0x60: {  	s29 =	sshrl.u32 s30, $0x1C  }
0x61: {  	s29 =	sadd.s32 s29, s26  }
0x62: {  	s31 =	sshra.s32 s29, $0x4  }
0x63: {  	s29 =	sand.u32 $0xFFFFFFF0, s29;
	s30 =	sshll.u32 s31, $0x7  }
0x64: {  	s26 =	ssub.s32 s26, s29;
	s29 =	sand.u32 $0x70, s29;
	s30 =	sand.u32 $0xFFFFFC00, s30  }
0x65: {  	v3 =	vmov s26;
	s29 =	sor.u32 s29, s30  }
0x66: {  	[sflag:s28] =	ssyncset.done @!p0 $0x0;
	vm5 =	veq.s32 v3, v0;
	s26 =	sshrl.u32 s29, $0x3  }
0x67: {  	[sflag:s28] =	ssyncadd.s32 @!p0 $0xFFFFFFF0;
	v3 =	vsel vm5, $0x3F800000, v1;
	s26 =	sadd.s32 s26, s25  }
0x68: {  	[tilespmem:$0x300] =	vst v3;
	s26 =	sadd.s32 $0x50, s26  }
0x69: {  	[hbm4b:s26+s1] =	stream.linear.scatter [tilespmem:s11], [sflag:$0x6], $0x10, $0x38;
	[tilespmem:$0x480] =	vst v63  }
0x6a: {  	s28 =	simm.s32 @!p0 $0x7;
	s26 =	spop (v2sf)  }
0x6b: {  	_ =	swait.ge @!p0 [sflag:s28], $0x10  }
0x6c: {  	(v2sf) =	vpush v2, $0x7;
	_ =	sdelay $0x3  }
0x6d: {  	s30 =	sshra.s32 s26, $0x1F  }
0x6e: {  	s29 =	sshrl.u32 s30, $0x1C  }
0x6f: {  	s29 =	sadd.s32 s29, s26  }
0x70: {  	s31 =	sshra.s32 s29, $0x4  }
0x71: {  	s29 =	sand.u32 $0xFFFFFFF0, s29;
	s30 =	sshll.u32 s31, $0x7  }
0x72: {  	s26 =	ssub.s32 s26, s29;
	s29 =	sand.u32 $0x70, s29;
	s30 =	sand.u32 $0xFFFFFC00, s30  }
0x73: {  	v3 =	vmov s26;
	s29 =	sor.u32 s29, s30  }
0x74: {  	[sflag:s28] =	ssyncset.done @!p0 $0x0;
	vm6 =	veq.s32 v3, v0;
	s26 =	sshrl.u32 s29, $0x3  }
0x75: {  	[sflag:s28] =	ssyncadd.s32 @!p0 $0xFFFFFFF0;
	v3 =	vsel vm6, $0x3F800000, v1;
	s26 =	sadd.s32 s26, s25  }
0x76: {  	[tilespmem:$0x380] =	vst v3;
	s26 =	sadd.s32 $0x60, s26  }
0x77: {  	[hbm4b:s26+s1] =	stream.linear.scatter [tilespmem:s12], [sflag:$0x7], $0x10, $0x38;
	[tilespmem:$0x480] =	vst v63  }
0x78: {  	s28 =	simm.s32 @!p0 $0x8;
	s26 =	spop (v2sf)  }
0x79: {  	_ =	swait.ge @!p0 [sflag:s28], $0x10  }
0x7a: {  	(v2sf) =	vpush v2, $0x8;
	_ =	sdelay $0x3  }
0x7b: {  	s30 =	sshra.s32 s26, $0x1F  }
0x7c: {  	s29 =	sshrl.u32 s30, $0x1C  }
0x7d: {  	s29 =	sadd.s32 s29, s26  }
0x7e: {  	s31 =	sshra.s32 s29, $0x4  }
0x7f: {  	s29 =	sand.u32 $0xFFFFFFF0, s29;
	s30 =	sshll.u32 s31, $0x7  }
0x80: {  	s26 =	ssub.s32 s26, s29;
	s29 =	sand.u32 $0x70, s29;
	s30 =	sand.u32 $0xFFFFFC00, s30  }
0x81: {  	v3 =	vmov s26;
	s29 =	sor.u32 s29, s30  }
0x82: {  	[sflag:s28] =	ssyncset.done @!p0 $0x0;
	vm7 =	veq.s32 v3, v0;
	s26 =	sshrl.u32 s29, $0x3  }
0x83: {  	[sflag:s28] =	ssyncadd.s32 @!p0 $0xFFFFFFF0;
	v3 =	vsel vm7, $0x3F800000, v1;
	s26 =	sadd.s32 s26, s25  }
0x84: {  	[tilespmem:$0x400] =	vst v3;
	s26 =	sadd.s32 $0x70, s26  }
0x85: {  	[hbm4b:s26+s1] =	stream.linear.scatter [tilespmem:s13], [sflag:$0x8], $0x10, $0x38;
	[tilespmem:$0x480] =	vst v63  }
0x86: {  	s26 =	spop (v2sf)  }
0x87: {  	_ =	swait.ge [sflag:s14], $0x10  }
0x88: {  	(v2sf) =	vpush v2, $0x9;
	_ =	sdelay $0x4  }
0x89: {  	s30 =	sshra.s32 s26, $0x1F  }
0x8a: {  	s28 =	sshrl.u32 s30, $0x1C  }
0x8b: {  	s28 =	sadd.s32 s28, s26  }
0x8c: {  	s29 =	sand.u32 $0xFFFFFFF0, s28;
	s31 =	sshll.u32 s28, $0x3  }
0x8d: {  	s28 =	sand.u32 $0x70, s28;
	s26 =	ssub.s32 s26, s29;
	s31 =	sand.u32 $0xFFFFFC00, s31  }
0x8e: {  	s28 =	sor.u32 s28, s31;
	v3 =	vmov s26  }
0x8f: {  	[sflag:s14] =	ssyncset.done $0x0;
	s29 =	sshrl.u32 s28, $0x3;
	vm8 =	veq.s32 v3, v0  }
0x90: {  	[sflag:s14] =	ssyncadd.s32 $0xFFFFFFF0;
	s26 =	sadd.s32 s29, s25;
	v3 =	vsel vm8, $0x3F800000, v1  }
0x91: {  	s26 =	sadd.s32 $0x4000, s26;
	[tilespmem:$0x80] =	vst v3  }
0x92: {  	[hbm4b:s26+s1] =	stream.linear.scatter [tilespmem:s6], [sflag:$0x1], $0x10, $0x38;
	[tilespmem:$0x480] =	vst v63  }
0x93: {  	s26 =	spop (v2sf)  }
0x94: {  	_ =	swait.ge [sflag:s15], $0x10  }
0x95: {  	(v2sf) =	vpush v2, $0xA;
	_ =	sdelay $0x4  }
0x96: {  	s30 =	sshra.s32 s26, $0x1F  }
0x97: {  	s28 =	sshrl.u32 s30, $0x1C  }
0x98: {  	s28 =	sadd.s32 s28, s26  }
0x99: {  	s29 =	sand.u32 $0xFFFFFFF0, s28;
	s31 =	sshll.u32 s28, $0x3  }
0x9a: {  	s28 =	sand.u32 $0x70, s28;
	s26 =	ssub.s32 s26, s29;
	s31 =	sand.u32 $0xFFFFFC00, s31  }
0x9b: {  	s28 =	sor.u32 s28, s31;
	v3 =	vmov s26  }
0x9c: {  	[sflag:s15] =	ssyncset.done $0x0;
	s29 =	sshrl.u32 s28, $0x3;
	vm9 =	veq.s32 v3, v0  }
0x9d: {  	[sflag:s15] =	ssyncadd.s32 $0xFFFFFFF0;
	s26 =	sadd.s32 s29, s25;
	v3 =	vsel vm9, $0x3F800000, v1  }
0x9e: {  	s26 =	sadd.s32 $0x4010, s26;
	[tilespmem:$0x100] =	vst v3  }
0x9f: {  	[hbm4b:s26+s1] =	stream.linear.scatter [tilespmem:s7], [sflag:$0x2], $0x10, $0x38;
	[tilespmem:$0x480] =	vst v63  }
0xa0: {  	s26 =	spop (v2sf)  }
0xa1: {  	_ =	swait.ge [sflag:s16], $0x10  }
0xa2: {  	(v2sf) =	vpush v2, $0xB;
	_ =	sdelay $0x4  }
0xa3: {  	s30 =	sshra.s32 s26, $0x1F  }
0xa4: {  	s28 =	sshrl.u32 s30, $0x1C  }
0xa5: {  	s28 =	sadd.s32 s28, s26  }
0xa6: {  	s29 =	sand.u32 $0xFFFFFFF0, s28;
	s31 =	sshll.u32 s28, $0x3  }
0xa7: {  	s28 =	sand.u32 $0x70, s28;
	s26 =	ssub.s32 s26, s29;
	s31 =	sand.u32 $0xFFFFFC00, s31  }
0xa8: {  	s28 =	sor.u32 s28, s31;
	v3 =	vmov s26  }
0xa9: {  	[sflag:s16] =	ssyncset.done $0x0;
	s29 =	sshrl.u32 s28, $0x3;
	vm10 =	veq.s32 v3, v0  }
0xaa: {  	[sflag:s16] =	ssyncadd.s32 $0xFFFFFFF0;
	s26 =	sadd.s32 s29, s25;
	v3 =	vsel vm10, $0x3F800000, v1  }
0xab: {  	s26 =	sadd.s32 $0x4020, s26;
	[tilespmem:$0x180] =	vst v3  }
0xac: {  	[hbm4b:s26+s1] =	stream.linear.scatter [tilespmem:s8], [sflag:$0x3], $0x10, $0x38;
	[tilespmem:$0x480] =	vst v63  }
0xad: {  	s26 =	spop (v2sf)  }
0xae: {  	_ =	swait.ge [sflag:s17], $0x10  }
0xaf: {  	(v2sf) =	vpush v2, $0xC;
	_ =	sdelay $0x4  }
0xb0: {  	s30 =	sshra.s32 s26, $0x1F  }
0xb1: {  	s28 =	sshrl.u32 s30, $0x1C  }
0xb2: {  	s28 =	sadd.s32 s28, s26  }
0xb3: {  	s29 =	sand.u32 $0xFFFFFFF0, s28;
	s31 =	sshll.u32 s28, $0x3  }
0xb4: {  	s28 =	sand.u32 $0x70, s28;
	s26 =	ssub.s32 s26, s29;
	s31 =	sand.u32 $0xFFFFFC00, s31  }
0xb5: {  	s28 =	sor.u32 s28, s31;
	v3 =	vmov s26  }
0xb6: {  	[sflag:s17] =	ssyncset.done $0x0;
	s29 =	sshrl.u32 s28, $0x3;
	vm11 =	veq.s32 v3, v0  }
0xb7: {  	[sflag:s17] =	ssyncadd.s32 $0xFFFFFFF0;
	s26 =	sadd.s32 s29, s25;
	v3 =	vsel vm11, $0x3F800000, v1  }
0xb8: {  	s26 =	sadd.s32 $0x4030, s26;
	[tilespmem:$0x200] =	vst v3  }
0xb9: {  	[hbm4b:s26+s1] =	stream.linear.scatter [tilespmem:s9], [sflag:$0x4], $0x10, $0x38;
	[tilespmem:$0x480] =	vst v63  }
0xba: {  	s26 =	spop (v2sf)  }
0xbb: {  	_ =	swait.ge [sflag:s18], $0x10  }
0xbc: {  	(v2sf) =	vpush v2, $0xD;
	_ =	sdelay $0x4  }
0xbd: {  	s30 =	sshra.s32 s26, $0x1F  }
0xbe: {  	s28 =	sshrl.u32 s30, $0x1C  }
0xbf: {  	s28 =	sadd.s32 s28, s26  }
0xc0: {  	s29 =	sand.u32 $0xFFFFFFF0, s28;
	s31 =	sshll.u32 s28, $0x3  }
0xc1: {  	s28 =	sand.u32 $0x70, s28;
	s26 =	ssub.s32 s26, s29;
	s31 =	sand.u32 $0xFFFFFC00, s31  }
0xc2: {  	s28 =	sor.u32 s28, s31;
	v3 =	vmov s26  }
0xc3: {  	[sflag:s18] =	ssyncset.done $0x0;
	s29 =	sshrl.u32 s28, $0x3;
	vm12 =	veq.s32 v3, v0  }
0xc4: {  	[sflag:s18] =	ssyncadd.s32 $0xFFFFFFF0;
	s26 =	sadd.s32 s29, s25;
	v3 =	vsel vm12, $0x3F800000, v1  }
0xc5: {  	s26 =	sadd.s32 $0x4040, s26;
	[tilespmem:$0x280] =	vst v3  }
0xc6: {  	[hbm4b:s26+s1] =	stream.linear.scatter [tilespmem:s10], [sflag:$0x5], $0x10, $0x38;
	[tilespmem:$0x480] =	vst v63  }
0xc7: {  	s26 =	spop (v2sf)  }
0xc8: {  	_ =	swait.ge [sflag:s19], $0x10  }
0xc9: {  	(v2sf) =	vpush v2, $0xE;
	_ =	sdelay $0x4  }
0xca: {  	s30 =	sshra.s32 s26, $0x1F  }
0xcb: {  	s28 =	sshrl.u32 s30, $0x1C  }
0xcc: {  	s28 =	sadd.s32 s28, s26  }
0xcd: {  	s29 =	sand.u32 $0xFFFFFFF0, s28;
	s31 =	sshll.u32 s28, $0x3  }
0xce: {  	s28 =	sand.u32 $0x70, s28;
	s26 =	ssub.s32 s26, s29;
	s31 =	sand.u32 $0xFFFFFC00, s31  }
0xcf: {  	s28 =	sor.u32 s28, s31;
	v3 =	vmov s26  }
0xd0: {  	[sflag:s19] =	ssyncset.done $0x0;
	s29 =	sshrl.u32 s28, $0x3;
	vm13 =	veq.s32 v3, v0  }
0xd1: {  	[sflag:s19] =	ssyncadd.s32 $0xFFFFFFF0;
	s26 =	sadd.s32 s29, s25;
	v3 =	vsel vm13, $0x3F800000, v1  }
0xd2: {  	s26 =	sadd.s32 $0x4050, s26;
	[tilespmem:$0x300] =	vst v3  }
0xd3: {  	[hbm4b:s26+s1] =	stream.linear.scatter [tilespmem:s11], [sflag:$0x6], $0x10, $0x38;
	[tilespmem:$0x480] =	vst v63  }
0xd4: {  	s26 =	spop (v2sf)  }
0xd5: {  	_ =	swait.ge [sflag:s20], $0x10  }
0xd6: {  	(v2sf) =	vpush v2, $0xF;
	_ =	sdelay $0x4  }
0xd7: {  	s30 =	sshra.s32 s26, $0x1F  }
0xd8: {  	s28 =	sshrl.u32 s30, $0x1C  }
0xd9: {  	s28 =	sadd.s32 s28, s26  }
0xda: {  	s29 =	sand.u32 $0xFFFFFFF0, s28;
	s31 =	sshll.u32 s28, $0x3  }
0xdb: {  	s28 =	sand.u32 $0x70, s28;
	s26 =	ssub.s32 s26, s29;
	s31 =	sand.u32 $0xFFFFFC00, s31  }
0xdc: {  	s28 =	sor.u32 s28, s31;
	v2 =	vmov s26  }
0xdd: {  	[sflag:s20] =	ssyncset.done $0x0;
	s29 =	sshrl.u32 s28, $0x3;
	vm14 =	veq.s32 v2, v0  }
0xde: {  	[sflag:s20] =	ssyncadd.s32 $0xFFFFFFF0;
	s26 =	sadd.s32 s29, s25;
	v2 =	vsel vm14, $0x3F800000, v1  }
0xdf: {  	s26 =	sadd.s32 $0x4060, s26;
	[tilespmem:$0x380] =	vst v2  }
0xe0: {  	[hbm4b:s26+s1] =	stream.linear.scatter [tilespmem:s12], [sflag:$0x7], $0x10, $0x38;
	[tilespmem:$0x480] =	vst v63  }
0xe1: {  	s26 =	spop (v2sf)  }
0xe2: {  	s30 =	sshra.s32 s26, $0x1F  }
0xe3: {  	s28 =	sshrl.u32 s30, $0x1C  }
0xe4: {  	s24 =	sadd.s32 $0x8000, s24;
	s28 =	sadd.s32 s28, s26  }
0xe5: {  	p0 =	sne.s32 s24, $0x40000;
	s29 =	sand.u32 $0xFFFFFFF0, s28;
	s31 =	sshll.u32 s28, $0x3  }
0xe6: {  	s28 =	sand.u32 $0x70, s28;
	s26 =	ssub.s32 s26, s29;
	s30 =	sand.u32 $0xFFFFFC00, s31  }
.Ltmp0:
0xe7: {  	_ =	swait.ge [sflag:s21], $0x10;
	s28 =	sor.u32 s28, s30;
	v2 =	vmov s26;
	(pc) =	sbr.rel @p0 .LBB2_2-.Ltmp0, $4  }
0xe8: {  	[sflag:s21] =	ssyncset.done $0x0;
	s31 =	sshrl.u32 s28, $0x3;
	vm15 =	veq.s32 v2, v0  }
0xe9: {  	[sflag:s21] =	ssyncadd.s32 $0xFFFFFFF0;
	s25 =	sadd.s32 s31, s25;
	v2 =	vsel vm15, $0x3F800000, v1  }
0xea: {  	s23 =	sadd.s32 $0x10, s23;
	s25 =	sadd.s32 $0x4070, s25;
	[tilespmem:$0x400] =	vst v2  }
0xeb: {  	[hbm4b:s25+s1] =	stream.linear.scatter [tilespmem:s13], [sflag:$0x8], $0x10, $0x38;
	[tilespmem:$0x480] =	vst v63  }
0xec: {  	_ =	swait.ge [sflag:s14], $0x10  }
0xed: {  	[sflag:s14] =	ssyncset.done $0x0  }
0xee: {  	[sflag:s14] =	ssyncadd.s32 $0xFFFFFFF0  }
0xef: {  	_ =	swait.ge [sflag:s15], $0x10  }
0xf0: {  	[sflag:s15] =	ssyncset.done $0x0  }
0xf1: {  	[sflag:s15] =	ssyncadd.s32 $0xFFFFFFF0  }
0xf2: {  	_ =	swait.ge [sflag:s16], $0x10  }
0xf3: {  	[sflag:s16] =	ssyncset.done $0x0  }
0xf4: {  	[sflag:s16] =	ssyncadd.s32 $0xFFFFFFF0  }
0xf5: {  	_ =	swait.ge [sflag:s17], $0x10  }
0xf6: {  	[sflag:s17] =	ssyncset.done $0x0  }
0xf7: {  	[sflag:s17] =	ssyncadd.s32 $0xFFFFFFF0  }
0xf8: {  	_ =	swait.ge [sflag:s18], $0x10  }
0xf9: {  	[sflag:s18] =	ssyncset.done $0x0  }
0xfa: {  	[sflag:s18] =	ssyncadd.s32 $0xFFFFFFF0  }
0xfb: {  	_ =	swait.ge [sflag:s19], $0x10  }
0xfc: {  	[sflag:s19] =	ssyncset.done $0x0  }
0xfd: {  	s22 =	sadd.s32 $0x1, s22;
	[sflag:s19] =	ssyncadd.s32 $0xFFFFFFF0  }
0xfe: {  	p0 =	sne.s32 s22, s4;
	_ =	swait.ge [sflag:s20], $0x10  }
.Ltmp1:
0xff: {  	[sflag:s20] =	ssyncset.done $0x0;
	(pc) =	sbr.rel @p0 .LBB2_1-.Ltmp1, $4  }
0x100: {  	[sflag:s20] =	ssyncadd.s32 $0xFFFFFFF0  }
0x101: {  	_ =	swait.ge [sflag:s21], $0x10  }
0x102: {  	[sflag:s21] =	ssyncset.done $0x0  }
0x103: {  	[sflag:s21] =	ssyncadd.s32 $0xFFFFFFF0  }
0x104: {  	_ =	sfence.sel $0x180000  }
0x105: {  	[bflag:$0x0] =	sbarrier.arrive $0xFFFF  }
0x106: {  	p0 =	sne.s32 s2, $0x0;
	_ =	strace $0x90000047  }
0x107: {  	s0 =	sadd.s32 @!p0 $0x100000, s0;
	[bflag:$0x2] =	sbarrier.arrive $0xFFFF  }
0x108: {  	[sflag:s0] =	ssyncadd.tile.s32 @!p0 $0x1;
	_ =	shalt  }
.Lfunc_end2:
_tile_overlayer_lowered:
.L_overlay_start_2:
0x109: {  	(tag) =	ssettag $0x2  }
0x10a: {  	s0 =	rddreg [dreg:$0x0];
	s2 =	stileid.u32  }
0x10b: {  	s1 =	rddreg [dreg:$0x1];
	p0 =	sne.s32 s2, $0x0  }
0x10c: {  	s3 =	rddreg [dreg:$0x2];
	[bflag:$0x3] =	sbarrier.arrive $0xFFFF;
	s2 =	simm.s32 @!p0 $0x1C09  }
0x10d: {  	[timem:s3], [sflag:s2] =	dma.local @!p0 [hbm:s0], s1  }
0x10e: {  	s0 =	simm.s32 @!p0 $0x9  }
0x10f: {  	_ =	swait.ge @!p0 [sflag:s0], s1  }
0x110: {  	s1 =	ssub.s32 @!p0 $0x0, s1;
	[sflag:s0] =	ssyncset.done @!p0 $0x0  }
0x111: {  	[sflag:s0] =	ssyncadd.s32 @!p0 s1  }
0x112: {  	[bflag:$0x3] =	sbarrier.arrive $0xFFFF  }
0x113: {  	_ =	shalt  }

</sc_bundles>
